<compile_context>
chip_gen: v7x
topology: tpu7x:2x2x1
jax: 0.10.2.dev20260603
libtpu: 0.0.44.dev20260713+nightly
codegen_flags: <defaults>
</compile_context>

<pallas_src>
import dataclasses
import functools

import jax
import jax.numpy as jnp
from jax import lax
from jax.experimental import pallas as pl
from jax.experimental.pallas import tpu as pltpu
from jax.experimental.pallas import tpu_sc as plsc

VOCAB_PAD = 128
NC = 2
NS = 16
NW = NC * NS
LANES = 16
CHUNK = 128


def _sc_hist(idx_hbm, cnt_hbm, idx_v0, idx_v1, cnt_v0, cnt_v1,
             isem0, isem1, osem0, osem1, *, batch, length):
    wid = lax.axis_index("s") * NC + lax.axis_index("c")
    rows_w = batch // NW
    base_w = wid * rows_w
    nchunks = rows_w // CHUNK
    ones = jnp.ones((LANES,), jnp.float32)
    zeros = jnp.zeros((LANES,), jnp.float32)
    lane = lax.broadcasted_iota(jnp.int32, (LANES,), 0)
    tail_fresh = lane >= (LANES - length % LANES)

    ibufs, cbufs = [idx_v0, idx_v1], [cnt_v0, cnt_v1]
    isems, osems = [isem0, isem1], [osem0, osem1]

    def start_in(k):
        base = base_w + k * CHUNK
        return pltpu.async_copy(
            idx_hbm.at[pl.ds(pl.multiple_of(base, 8), CHUNK)],
            ibufs[k % 2], isems[k % 2])

    def start_out(k):
        base = base_w + k * CHUNK
        return pltpu.async_copy(
            cbufs[k % 2],
            cnt_hbm.at[pl.ds(pl.multiple_of(base * VOCAB_PAD, 8),
                             CHUNK * VOCAB_PAD)],
            osems[k % 2])

    in_copies = [start_in(0)]
    out_copies = []
    for k in range(nchunks):
        if k + 1 < nchunks:
            in_copies.append(start_in(k + 1))
        in_copies[k].wait()
        if k >= 2:
            out_copies[k - 2].wait()
        idx_v, cnt_v = ibufs[k % 2], cbufs[k % 2]

        @plsc.parallel_loop(0, CHUNK, unroll=2)
        def _row(r):
            rvec = jnp.full((LANES,), r, jnp.int32)
            rcnt = cnt_v.at[pl.ds(pl.multiple_of(r * VOCAB_PAD, 8), VOCAB_PAD)]
            for j in range(0, VOCAB_PAD, LANES):
                rcnt[pl.ds(j, LANES)] = zeros
            for c in range(0, length - LANES, LANES):
                vals = plsc.load_gather(idx_v, [rvec, lane + c])
                plsc.addupdate_scatter(rcnt, [vals], ones)
            tail = plsc.load_gather(idx_v, [rvec, lane + (length - LANES)])
            plsc.addupdate_scatter(rcnt, [tail], ones, mask=tail_fresh)

        out_copies.append(start_out(k))
    for k in (nchunks - 2, nchunks - 1):
        out_copies[k].wait()


def _matmul_kernel(cnt_ref, tab2_ref, out_ref, *, length):
    c = cnt_ref[...].astype(jnp.bfloat16)
    c2 = jnp.concatenate([c, c], axis=1)
    acc = lax.dot_general(c2, tab2_ref[...], (((1,), (0,)), ((), ())),
                          preferred_element_type=jnp.float32)
    out_ref[...] = acc * (1.0 / length)


def kernel(indices, character_embedding):
    B, L = indices.shape
    V, D = character_embedding.shape
    idx = indices.astype(jnp.int32)
    tab = jnp.zeros((VOCAB_PAD, D), jnp.float32).at[:V, :].set(character_embedding)

    cp = pltpu.CompilerParams(use_tc_tiling_on_sc=True)
    if "needs_layout_passes" in pltpu.CompilerParams.__dataclass_fields__:
        cp = dataclasses.replace(cp, needs_layout_passes=False)
    mesh = plsc.VectorSubcoreMesh(core_axis_name="c", subcore_axis_name="s")
    counts = pl.kernel(
        functools.partial(_sc_hist, batch=B, length=L),
        out_type=jax.ShapeDtypeStruct((B * VOCAB_PAD,), jnp.float32),
        mesh=mesh,
        scratch_types=[
            pltpu.VMEM((CHUNK, L), jnp.int32),
            pltpu.VMEM((CHUNK, L), jnp.int32),
            pltpu.VMEM((CHUNK * VOCAB_PAD,), jnp.float32),
            pltpu.VMEM((CHUNK * VOCAB_PAD,), jnp.float32),
            pltpu.SemaphoreType.DMA,
            pltpu.SemaphoreType.DMA,
            pltpu.SemaphoreType.DMA,
            pltpu.SemaphoreType.DMA,
        ],
        compiler_params=cp,
    )(idx)
    counts = counts.reshape(B, VOCAB_PAD)

    tbits = lax.bitcast_convert_type(tab, jnp.uint32)
    hi_f = lax.bitcast_convert_type(tbits & jnp.uint32(0xFFFF0000),
                                    jnp.float32)
    tab_hi = hi_f.astype(jnp.bfloat16)
    tab_lo = (tab - hi_f).astype(jnp.bfloat16)
    tab2 = jnp.concatenate([tab_hi, tab_lo], axis=0)
    BM = 8192
    return pl.pallas_call(
        functools.partial(_matmul_kernel, length=L),
        grid=(B // BM,),
        in_specs=[
            pl.BlockSpec((BM, VOCAB_PAD), lambda i: (i, 0)),
            pl.BlockSpec((2 * VOCAB_PAD, D), lambda i: (0, 0)),
        ],
        out_specs=pl.BlockSpec((BM, D), lambda i: (i, 0)),
        out_shape=jax.ShapeDtypeStruct((B, D), jnp.float32),
    )(counts, tab2)

# --- scband reference (transcript-rebuilt; emitter-appended) ---
"""Pipeline reference for scband-character-embedding-encoder-34926674051363 (READ-ONLY COPY).

The authoritative reference and input builder live on the scoring server;
editing this copy changes nothing except your own understanding.
"""

import jax, jax.numpy as jnp
import numpy as np

VOCAB = 101  # len(string.printable) + 1 (extra row for padding/unknown id -1, which wraps to the last row)
DIM = 128
B = 16384
L = 200


def setup_inputs(seed: int = 0) -> dict:
    key = jax.random.key(seed)
    k_idx, k_emb = jax.random.split(key)
    # character token ids; -1 (padding) in the torch module wraps to the last row of the
    # embedding table (max_id = vocab + 1). We sample directly in [0, VOCAB) which covers
    # all rows including the padding row.
    indices = jax.random.randint(k_idx, (B, L), 0, VOCAB, dtype=jnp.int64)
    character_embedding = jax.random.normal(k_emb, (VOCAB, DIM), dtype=jnp.float32)
    return {"indices": indices, "character_embedding": character_embedding}


def reference(indices, character_embedding):
    # x = self.character_embedding(indices=indices)  -> gather rows
    x = jnp.take(character_embedding, indices, axis=0)  # (B, L, DIM)
    # x = self.aggregation(x, dim=-2)  -> mean pooling over character axis
    out = jnp.mean(x, axis=-2)  # (B, DIM)
    return out

if __name__ == "__main__":
    import jax
    _d = setup_inputs()
    print(jax.jit(kernel)(*tuple(_d.values())))

</pallas_src>

<mosaic_0001>
#map = affine_map<(d0, d1) -> (0, 0)>
#map1 = affine_map<(d0, d1) -> (0)>
module attributes {stable_mosaic.version = 14 : i64} {
  func.func @_sc_hist(%arg0: i32, %arg1: i32, %arg2: memref<16384x200xi32, #tpu.memory_space<hbm>>, %arg3: memref<2097152xf32, #tpu.memory_space<hbm>>, %arg4: memref<128x200xi32, #tpu.memory_space<vmem>>, %arg5: memref<128x200xi32, #tpu.memory_space<vmem>>, %arg6: memref<16384xf32, #tpu.memory_space<vmem>>, %arg7: memref<16384xf32, #tpu.memory_space<vmem>>, %arg8: memref<!tpu.dma_semaphore, #tpu.memory_space<semaphore_mem>>, %arg9: memref<!tpu.dma_semaphore, #tpu.memory_space<semaphore_mem>>, %arg10: memref<!tpu.dma_semaphore, #tpu.memory_space<semaphore_mem>>, %arg11: memref<!tpu.dma_semaphore, #tpu.memory_space<semaphore_mem>>) attributes {dimension_semantics = [#tpu.dimension_semantics<core_parallel>, #tpu.dimension_semantics<subcore_parallel>], iteration_bounds = array<i64: 2, 16>, scalar_prefetch = 0 : i64, scratch_operands = 8 : i64, tpu.core_type = #tpu.core_type<sc_vector_subcore>, window_params = [{transform_indices = #map}, {transform_indices = #map1}]} {
    %mul3A = arith.constant 2 : i32
    %mul3A_0 = arith.muli %arg1, %mul3A : i32
    %add3A = arith.addi %mul3A_0, %arg0 : i32
    %mul3A_1 = arith.constant 512 : i32
    %mul3A_2 = arith.muli %add3A, %mul3A_1 : i32
    %broadcast_in_dim3A = arith.constant 1.000000e+00 : f32
    %broadcast_in_dim3A_3 = vector.broadcast %broadcast_in_dim3A : f32 to vector<16xf32>
    %broadcast_in_dim3A_4 = arith.constant 0.000000e+00 : f32
    %broadcast_in_dim3A_5 = vector.broadcast %broadcast_in_dim3A_4 : f32 to vector<16xf32>
    %iota3A = tpu.iota {dimensions = array<i32: 0>} : vector<16xi32>
    %ge3A = arith.constant 8 : i32
    %ge3A_6 = vector.broadcast %ge3A : i32 to vector<16xi32>
    %ge3A_7 = arith.cmpi sge, %iota3A, %ge3A_6 : vector<16xi32>
    %add3A_8 = arith.constant 0 : i32
    %add3A_9 = arith.addi %mul3A_2, %add3A_8 : i32
    %multiple_of3A = tpu.assume_multiple %add3A_9, 8 : i32
    %dma_start3A = arith.constant 0 : i32
    %dma_start3A_10 = tpu.memref_slice %arg2[%multiple_of3A, %dma_start3A] : memref<16384x200xi32, #tpu.memory_space<hbm>> -> memref<128x200xi32, #tpu.memory_space<hbm>>
    %dma_start3A_11 = arith.constant 0 : i32
    %dma_start3A_12 = tpu.memref_slice %arg2[%multiple_of3A, %dma_start3A_11] : memref<16384x200xi32, #tpu.memory_space<hbm>> -> memref<128x200xi32, #tpu.memory_space<hbm>>
    tpu.enqueue_dma source(%dma_start3A_12 : memref<128x200xi32, #tpu.memory_space<hbm>>) target(%arg4 : memref<128x200xi32, #tpu.memory_space<vmem>>) target_semaphore(%arg8 : memref<!tpu.dma_semaphore, #tpu.memory_space<semaphore_mem>>)
    %add3A_13 = arith.constant 128 : i32
    %add3A_14 = arith.addi %mul3A_2, %add3A_13 : i32
    %multiple_of3A_15 = tpu.assume_multiple %add3A_14, 8 : i32
    %dma_start3A_16 = arith.constant 0 : i32
    %dma_start3A_17 = tpu.memref_slice %arg2[%multiple_of3A_15, %dma_start3A_16] : memref<16384x200xi32, #tpu.memory_space<hbm>> -> memref<128x200xi32, #tpu.memory_space<hbm>>
    %dma_start3A_18 = arith.constant 0 : i32
    %dma_start3A_19 = tpu.memref_slice %arg2[%multiple_of3A_15, %dma_start3A_18] : memref<16384x200xi32, #tpu.memory_space<hbm>> -> memref<128x200xi32, #tpu.memory_space<hbm>>
    tpu.enqueue_dma source(%dma_start3A_19 : memref<128x200xi32, #tpu.memory_space<hbm>>) target(%arg5 : memref<128x200xi32, #tpu.memory_space<vmem>>) target_semaphore(%arg9 : memref<!tpu.dma_semaphore, #tpu.memory_space<semaphore_mem>>)
    %dma_wait3A = arith.constant 0 : i32
    %dma_wait3A_20 = tpu.memref_slice %arg2[%multiple_of3A, %dma_wait3A] : memref<16384x200xi32, #tpu.memory_space<hbm>> -> memref<128x200xi32, #tpu.memory_space<hbm>>
    %dma_wait3A_21 = arith.constant 0 : i32
    %dma_wait3A_22 = tpu.memref_slice %arg2[%multiple_of3A, %dma_wait3A_21] : memref<16384x200xi32, #tpu.memory_space<hbm>> -> memref<128x200xi32, #tpu.memory_space<hbm>>
    tpu.wait_dma2 semaphore(%arg8 : memref<!tpu.dma_semaphore, #tpu.memory_space<semaphore_mem>>) src(%dma_wait3A_22 : memref<128x200xi32, #tpu.memory_space<hbm>>) dst(%arg4 : memref<128x200xi32, #tpu.memory_space<vmem>>)
    %parallel_loop3A = arith.constant 0 : i32
    %parallel_loop3A_23 = arith.constant 128 : i32
    %parallel_loop3A_24 = arith.constant 1 : i32
    scf.for %parallel_loop3A_96 = %parallel_loop3A to %parallel_loop3A_23 step %parallel_loop3A_24  : i32 {
      %parallel_loop3A_97 = vector.broadcast %parallel_loop3A_96 : i32 to vector<16xi32>
      %parallel_loop3A_98 = arith.constant 128 : i32
      %parallel_loop3A_99 = arith.muli %parallel_loop3A_96, %parallel_loop3A_98 : i32
      %parallel_loop3A_100 = tpu.assume_multiple %parallel_loop3A_99, 8 : i32
      %parallel_loop3A_101 = tpu.memref_slice %arg6[%parallel_loop3A_100] : memref<16384xf32, #tpu.memory_space<vmem>> -> memref<128xf32, #tpu.memory_space<vmem>>
      %parallel_loop3A_102 = arith.constant 0 : index
      %parallel_loop3A_103 = tpu.vector_load %parallel_loop3A_101[%parallel_loop3A_102] {strides = array<i32>} : memref<128xf32, #tpu.memory_space<vmem>>, vector<16xf32>,
      tpu.vector_store %parallel_loop3A_101[%parallel_loop3A_102], %broadcast_in_dim3A_5 {strides = array<i32>} : memref<128xf32, #tpu.memory_space<vmem>>, vector<16xf32>,
      %parallel_loop3A_104 = tpu.memref_slice %arg6[%parallel_loop3A_100] : memref<16384xf32, #tpu.memory_space<vmem>> -> memref<128xf32, #tpu.memory_space<vmem>>
      %parallel_loop3A_105 = arith.constant 16 : index
      %parallel_loop3A_106 = tpu.vector_load %parallel_loop3A_104[%parallel_loop3A_105] {strides = array<i32>} : memref<128xf32, #tpu.memory_space<vmem>>, vector<16xf32>,
      tpu.vector_store %parallel_loop3A_104[%parallel_loop3A_105], %broadcast_in_dim3A_5 {strides = array<i32>} : memref<128xf32, #tpu.memory_space<vmem>>, vector<16xf32>,
      %parallel_loop3A_107 = tpu.memref_slice %arg6[%parallel_loop3A_100] : memref<16384xf32, #tpu.memory_space<vmem>> -> memref<128xf32, #tpu.memory_space<vmem>>
      %parallel_loop3A_108 = arith.constant 32 : index
      %parallel_loop3A_109 = tpu.vector_load %parallel_loop3A_107[%parallel_loop3A_108] {strides = array<i32>} : memref<128xf32, #tpu.memory_space<vmem>>, vector<16xf32>,
      tpu.vector_store %parallel_loop3A_107[%parallel_loop3A_108], %broadcast_in_dim3A_5 {strides = array<i32>} : memref<128xf32, #tpu.memory_space<vmem>>, vector<16xf32>,
      %parallel_loop3A_110 = tpu.memref_slice %arg6[%parallel_loop3A_100] : memref<16384xf32, #tpu.memory_space<vmem>> -> memref<128xf32, #tpu.memory_space<vmem>>
      %parallel_loop3A_111 = arith.constant 48 : index
      %parallel_loop3A_112 = tpu.vector_load %parallel_loop3A_110[%parallel_loop3A_111] {strides = array<i32>} : memref<128xf32, #tpu.memory_space<vmem>>, vector<16xf32>,
      tpu.vector_store %parallel_loop3A_110[%parallel_loop3A_111], %broadcast_in_dim3A_5 {strides = array<i32>} : memref<128xf32, #tpu.memory_space<vmem>>, vector<16xf32>,
      %parallel_loop3A_113 = tpu.memref_slice %arg6[%parallel_loop3A_100] : memref<16384xf32, #tpu.memory_space<vmem>> -> memref<128xf32, #tpu.memory_space<vmem>>
      %parallel_loop3A_114 = arith.constant 64 : index
      %parallel_loop3A_115 = tpu.vector_load %parallel_loop3A_113[%parallel_loop3A_114] {strides = array<i32>} : memref<128xf32, #tpu.memory_space<vmem>>, vector<16xf32>,
      tpu.vector_store %parallel_loop3A_113[%parallel_loop3A_114], %broadcast_in_dim3A_5 {strides = array<i32>} : memref<128xf32, #tpu.memory_space<vmem>>, vector<16xf32>,
      %parallel_loop3A_116 = tpu.memref_slice %arg6[%parallel_loop3A_100] : memref<16384xf32, #tpu.memory_space<vmem>> -> memref<128xf32, #tpu.memory_space<vmem>>
      %parallel_loop3A_117 = arith.constant 80 : index
      %parallel_loop3A_118 = tpu.vector_load %parallel_loop3A_116[%parallel_loop3A_117] {strides = array<i32>} : memref<128xf32, #tpu.memory_space<vmem>>, vector<16xf32>,
      tpu.vector_store %parallel_loop3A_116[%parallel_loop3A_117], %broadcast_in_dim3A_5 {strides = array<i32>} : memref<128xf32, #tpu.memory_space<vmem>>, vector<16xf32>,
      %parallel_loop3A_119 = tpu.memref_slice %arg6[%parallel_loop3A_100] : memref<16384xf32, #tpu.memory_space<vmem>> -> memref<128xf32, #tpu.memory_space<vmem>>
      %parallel_loop3A_120 = arith.constant 96 : index
      %parallel_loop3A_121 = tpu.vector_load %parallel_loop3A_119[%parallel_loop3A_120] {strides = array<i32>} : memref<128xf32, #tpu.memory_space<vmem>>, vector<16xf32>,
      tpu.vector_store %parallel_loop3A_119[%parallel_loop3A_120], %broadcast_in_dim3A_5 {strides = array<i32>} : memref<128xf32, #tpu.memory_space<vmem>>, vector<16xf32>,
      %parallel_loop3A_122 = tpu.memref_slice %arg6[%parallel_loop3A_100] : memref<16384xf32, #tpu.memory_space<vmem>> -> memref<128xf32, #tpu.memory_space<vmem>>
      %parallel_loop3A_123 = arith.constant 112 : index
      %parallel_loop3A_124 = tpu.vector_load %parallel_loop3A_122[%parallel_loop3A_123] {strides = array<i32>} : memref<128xf32, #tpu.memory_space<vmem>>, vector<16xf32>,
      tpu.vector_store %parallel_loop3A_122[%parallel_loop3A_123], %broadcast_in_dim3A_5 {strides = array<i32>} : memref<128xf32, #tpu.memory_space<vmem>>, vector<16xf32>,
      %parallel_loop3A_125 = arith.constant 0 : i32
      %parallel_loop3A_126 = vector.broadcast %parallel_loop3A_125 : i32 to vector<16xi32>
      %parallel_loop3A_127 = arith.addi %iota3A, %parallel_loop3A_126 : vector<16xi32>
      %parallel_loop3A_128 = tpu.vector_load_idx %arg4[%parallel_loop3A_97, %parallel_loop3A_127] : memref<128x200xi32, #tpu.memory_space<vmem>>[vector<16xi32>, vector<16xi32>], vector<16xi32>,
      %parallel_loop3A_129 = tpu.memref_slice %arg6[%parallel_loop3A_100] : memref<16384xf32, #tpu.memory_space<vmem>> -> memref<128xf32, #tpu.memory_space<vmem>>
      tpu.vector_store_idx %parallel_loop3A_129[%parallel_loop3A_128], %broadcast_in_dim3A_3 {add = true} : memref<128xf32, #tpu.memory_space<vmem>>[vector<16xi32>], vector<16xf32>,
      %parallel_loop3A_130 = arith.constant 16 : i32
      %parallel_loop3A_131 = vector.broadcast %parallel_loop3A_130 : i32 to vector<16xi32>
      %parallel_loop3A_132 = arith.addi %iota3A, %parallel_loop3A_131 : vector<16xi32>
      %parallel_loop3A_133 = tpu.vector_load_idx %arg4[%parallel_loop3A_97, %parallel_loop3A_132] : memref<128x200xi32, #tpu.memory_space<vmem>>[vector<16xi32>, vector<16xi32>], vector<16xi32>,
      %parallel_loop3A_134 = tpu.memref_slice %arg6[%parallel_loop3A_100] : memref<16384xf32, #tpu.memory_space<vmem>> -> memref<128xf32, #tpu.memory_space<vmem>>
      tpu.vector_store_idx %parallel_loop3A_134[%parallel_loop3A_133], %broadcast_in_dim3A_3 {add = true} : memref<128xf32, #tpu.memory_space<vmem>>[vector<16xi32>], vector<16xf32>,
      %parallel_loop3A_135 = arith.constant 32 : i32
      %parallel_loop3A_136 = vector.broadcast %parallel_loop3A_135 : i32 to vector<16xi32>
      %parallel_loop3A_137 = arith.addi %iota3A, %parallel_loop3A_136 : vector<16xi32>
      %parallel_loop3A_138 = tpu.vector_load_idx %arg4[%parallel_loop3A_97, %parallel_loop3A_137] : memref<128x200xi32, #tpu.memory_space<vmem>>[vector<16xi32>, vector<16xi32>], vector<16xi32>,
      %parallel_loop3A_139 = tpu.memref_slice %arg6[%parallel_loop3A_100] : memref<16384xf32, #tpu.memory_space<vmem>> -> memref<128xf32, #tpu.memory_space<vmem>>
      tpu.vector_store_idx %parallel_loop3A_139[%parallel_loop3A_138], %broadcast_in_dim3A_3 {add = true} : memref<128xf32, #tpu.memory_space<vmem>>[vector<16xi32>], vector<16xf32>,
      %parallel_loop3A_140 = arith.constant 48 : i32
      %parallel_loop3A_141 = vector.broadcast %parallel_loop3A_140 : i32 to vector<16xi32>
      %parallel_loop3A_142 = arith.addi %iota3A, %parallel_loop3A_141 : vector<16xi32>
      %parallel_loop3A_143 = tpu.vector_load_idx %arg4[%parallel_loop3A_97, %parallel_loop3A_142] : memref<128x200xi32, #tpu.memory_space<vmem>>[vector<16xi32>, vector<16xi32>], vector<16xi32>,
      %parallel_loop3A_144 = tpu.memref_slice %arg6[%parallel_loop3A_100] : memref<16384xf32, #tpu.memory_space<vmem>> -> memref<128xf32, #tpu.memory_space<vmem>>
      tpu.vector_store_idx %parallel_loop3A_144[%parallel_loop3A_143], %broadcast_in_dim3A_3 {add = true} : memref<128xf32, #tpu.memory_space<vmem>>[vector<16xi32>], vector<16xf32>,
      %parallel_loop3A_145 = arith.constant 64 : i32
      %parallel_loop3A_146 = vector.broadcast %parallel_loop3A_145 : i32 to vector<16xi32>
      %parallel_loop3A_147 = arith.addi %iota3A, %parallel_loop3A_146 : vector<16xi32>
      %parallel_loop3A_148 = tpu.vector_load_idx %arg4[%parallel_loop3A_97, %parallel_loop3A_147] : memref<128x200xi32, #tpu.memory_space<vmem>>[vector<16xi32>, vector<16xi32>], vector<16xi32>,
      %parallel_loop3A_149 = tpu.memref_slice %arg6[%parallel_loop3A_100] : memref<16384xf32, #tpu.memory_space<vmem>> -> memref<128xf32, #tpu.memory_space<vmem>>
      tpu.vector_store_idx %parallel_loop3A_149[%parallel_loop3A_148], %broadcast_in_dim3A_3 {add = true} : memref<128xf32, #tpu.memory_space<vmem>>[vector<16xi32>], vector<16xf32>,
      %parallel_loop3A_150 = arith.constant 80 : i32
      %parallel_loop3A_151 = vector.broadcast %parallel_loop3A_150 : i32 to vector<16xi32>
      %parallel_loop3A_152 = arith.addi %iota3A, %parallel_loop3A_151 : vector<16xi32>
      %parallel_loop3A_153 = tpu.vector_load_idx %arg4[%parallel_loop3A_97, %parallel_loop3A_152] : memref<128x200xi32, #tpu.memory_space<vmem>>[vector<16xi32>, vector<16xi32>], vector<16xi32>,
      %parallel_loop3A_154 = tpu.memref_slice %arg6[%parallel_loop3A_100] : memref<16384xf32, #tpu.memory_space<vmem>> -> memref<128xf32, #tpu.memory_space<vmem>>
      tpu.vector_store_idx %parallel_loop3A_154[%parallel_loop3A_153], %broadcast_in_dim3A_3 {add = true} : memref<128xf32, #tpu.memory_space<vmem>>[vector<16xi32>], vector<16xf32>,
      %parallel_loop3A_155 = arith.constant 96 : i32
      %parallel_loop3A_156 = vector.broadcast %parallel_loop3A_155 : i32 to vector<16xi32>
      %parallel_loop3A_157 = arith.addi %iota3A, %parallel_loop3A_156 : vector<16xi32>
      %parallel_loop3A_158 = tpu.vector_load_idx %arg4[%parallel_loop3A_97, %parallel_loop3A_157] : memref<128x200xi32, #tpu.memory_space<vmem>>[vector<16xi32>, vector<16xi32>], vector<16xi32>,
      %parallel_loop3A_159 = tpu.memref_slice %arg6[%parallel_loop3A_100] : memref<16384xf32, #tpu.memory_space<vmem>> -> memref<128xf32, #tpu.memory_space<vmem>>
      tpu.vector_store_idx %parallel_loop3A_159[%parallel_loop3A_158], %broadcast_in_dim3A_3 {add = true} : memref<128xf32, #tpu.memory_space<vmem>>[vector<16xi32>], vector<16xf32>,
      %parallel_loop3A_160 = arith.constant 112 : i32
      %parallel_loop3A_161 = vector.broadcast %parallel_loop3A_160 : i32 to vector<16xi32>
      %parallel_loop3A_162 = arith.addi %iota3A, %parallel_loop3A_161 : vector<16xi32>
      %parallel_loop3A_163 = tpu.vector_load_idx %arg4[%parallel_loop3A_97, %parallel_loop3A_162] : memref<128x200xi32, #tpu.memory_space<vmem>>[vector<16xi32>, vector<16xi32>], vector<16xi32>,
      %parallel_loop3A_164 = tpu.memref_slice %arg6[%parallel_loop3A_100] : memref<16384xf32, #tpu.memory_space<vmem>> -> memref<128xf32, #tpu.memory_space<vmem>>
      tpu.vector_store_idx %parallel_loop3A_164[%parallel_loop3A_163], %broadcast_in_dim3A_3 {add = true} : memref<128xf32, #tpu.memory_space<vmem>>[vector<16xi32>], vector<16xf32>,
      %parallel_loop3A_165 = arith.constant 128 : i32
      %parallel_loop3A_166 = vector.broadcast %parallel_loop3A_165 : i32 to vector<16xi32>
      %parallel_loop3A_167 = arith.addi %iota3A, %parallel_loop3A_166 : vector<16xi32>
      %parallel_loop3A_168 = tpu.vector_load_idx %arg4[%parallel_loop3A_97, %parallel_loop3A_167] : memref<128x200xi32, #tpu.memory_space<vmem>>[vector<16xi32>, vector<16xi32>], vector<16xi32>,
      %parallel_loop3A_169 = tpu.memref_slice %arg6[%parallel_loop3A_100] : memref<16384xf32, #tpu.memory_space<vmem>> -> memref<128xf32, #tpu.memory_space<vmem>>
      tpu.vector_store_idx %parallel_loop3A_169[%parallel_loop3A_168], %broadcast_in_dim3A_3 {add = true} : memref<128xf32, #tpu.memory_space<vmem>>[vector<16xi32>], vector<16xf32>,
      %parallel_loop3A_170 = arith.constant 144 : i32
      %parallel_loop3A_171 = vector.broadcast %parallel_loop3A_170 : i32 to vector<16xi32>
      %parallel_loop3A_172 = arith.addi %iota3A, %parallel_loop3A_171 : vector<16xi32>
      %parallel_loop3A_173 = tpu.vector_load_idx %arg4[%parallel_loop3A_97, %parallel_loop3A_172] : memref<128x200xi32, #tpu.memory_space<vmem>>[vector<16xi32>, vector<16xi32>], vector<16xi32>,
      %parallel_loop3A_174 = tpu.memref_slice %arg6[%parallel_loop3A_100] : memref<16384xf32, #tpu.memory_space<vmem>> -> memref<128xf32, #tpu.memory_space<vmem>>
      tpu.vector_store_idx %parallel_loop3A_174[%parallel_loop3A_173], %broadcast_in_dim3A_3 {add = true} : memref<128xf32, #tpu.memory_space<vmem>>[vector<16xi32>], vector<16xf32>,
      %parallel_loop3A_175 = arith.constant 160 : i32
      %parallel_loop3A_176 = vector.broadcast %parallel_loop3A_175 : i32 to vector<16xi32>
      %parallel_loop3A_177 = arith.addi %iota3A, %parallel_loop3A_176 : vector<16xi32>
      %parallel_loop3A_178 = tpu.vector_load_idx %arg4[%parallel_loop3A_97, %parallel_loop3A_177] : memref<128x200xi32, #tpu.memory_space<vmem>>[vector<16xi32>, vector<16xi32>], vector<16xi32>,
      %parallel_loop3A_179 = tpu.memref_slice %arg6[%parallel_loop3A_100] : memref<16384xf32, #tpu.memory_space<vmem>> -> memref<128xf32, #tpu.memory_space<vmem>>
      tpu.vector_store_idx %parallel_loop3A_179[%parallel_loop3A_178], %broadcast_in_dim3A_3 {add = true} : memref<128xf32, #tpu.memory_space<vmem>>[vector<16xi32>], vector<16xf32>,
      %parallel_loop3A_180 = arith.constant 176 : i32
      %parallel_loop3A_181 = vector.broadcast %parallel_loop3A_180 : i32 to vector<16xi32>
      %parallel_loop3A_182 = arith.addi %iota3A, %parallel_loop3A_181 : vector<16xi32>
      %parallel_loop3A_183 = tpu.vector_load_idx %arg4[%parallel_loop3A_97, %parallel_loop3A_182] : memref<128x200xi32, #tpu.memory_space<vmem>>[vector<16xi32>, vector<16xi32>], vector<16xi32>,
      %parallel_loop3A_184 = tpu.memref_slice %arg6[%parallel_loop3A_100] : memref<16384xf32, #tpu.memory_space<vmem>> -> memref<128xf32, #tpu.memory_space<vmem>>
      tpu.vector_store_idx %parallel_loop3A_184[%parallel_loop3A_183], %broadcast_in_dim3A_3 {add = true} : memref<128xf32, #tpu.memory_space<vmem>>[vector<16xi32>], vector<16xf32>,
      %parallel_loop3A_185 = arith.constant 184 : i32
      %parallel_loop3A_186 = vector.broadcast %parallel_loop3A_185 : i32 to vector<16xi32>
      %parallel_loop3A_187 = arith.addi %iota3A, %parallel_loop3A_186 : vector<16xi32>
      %parallel_loop3A_188 = tpu.vector_load_idx %arg4[%parallel_loop3A_97, %parallel_loop3A_187] : memref<128x200xi32, #tpu.memory_space<vmem>>[vector<16xi32>, vector<16xi32>], vector<16xi32>,
      %parallel_loop3A_189 = tpu.memref_slice %arg6[%parallel_loop3A_100] : memref<16384xf32, #tpu.memory_space<vmem>> -> memref<128xf32, #tpu.memory_space<vmem>>
      tpu.vector_store_idx %parallel_loop3A_189[%parallel_loop3A_188], %broadcast_in_dim3A_3 masked %ge3A_7 {add = true} : memref<128xf32, #tpu.memory_space<vmem>>[vector<16xi32>], vector<16xf32>, vector<16xi1>
    } {sc.loop_unroll_factor = 2 : i64, sc.parallel_access}
    %add3A_25 = arith.constant 0 : i32
    %add3A_26 = arith.addi %mul3A_2, %add3A_25 : i32
    %mul3A_27 = arith.constant 128 : i32
    %mul3A_28 = arith.muli %add3A_26, %mul3A_27 : i32
    %multiple_of3A_29 = tpu.assume_multiple %mul3A_28, 8 : i32
    %dma_start3A_30 = tpu.memref_slice %arg3[%multiple_of3A_29] : memref<2097152xf32, #tpu.memory_space<hbm>> -> memref<16384xf32, #tpu.memory_space<hbm>>
    %dma_start3A_31 = tpu.memref_slice %arg3[%multiple_of3A_29] : memref<2097152xf32, #tpu.memory_space<hbm>> -> memref<16384xf32, #tpu.memory_space<hbm>>
    tpu.enqueue_dma source(%arg6 : memref<16384xf32, #tpu.memory_space<vmem>>) target(%dma_start3A_31 : memref<16384xf32, #tpu.memory_space<hbm>>) target_semaphore(%arg10 : memref<!tpu.dma_semaphore, #tpu.memory_space<semaphore_mem>>)
    %add3A_32 = arith.constant 256 : i32
    %add3A_33 = arith.addi %mul3A_2, %add3A_32 : i32
    %multiple_of3A_34 = tpu.assume_multiple %add3A_33, 8 : i32
    %dma_start3A_35 = arith.constant 0 : i32
    %dma_start3A_36 = tpu.memref_slice %arg2[%multiple_of3A_34, %dma_start3A_35] : memref<16384x200xi32, #tpu.memory_space<hbm>> -> memref<128x200xi32, #tpu.memory_space<hbm>>
    %dma_start3A_37 = arith.constant 0 : i32
    %dma_start3A_38 = tpu.memref_slice %arg2[%multiple_of3A_34, %dma_start3A_37] : memref<16384x200xi32, #tpu.memory_space<hbm>> -> memref<128x200xi32, #tpu.memory_space<hbm>>
    tpu.enqueue_dma source(%dma_start3A_38 : memref<128x200xi32, #tpu.memory_space<hbm>>) target(%arg4 : memref<128x200xi32, #tpu.memory_space<vmem>>) target_semaphore(%arg8 : memref<!tpu.dma_semaphore, #tpu.memory_space<semaphore_mem>>)
    %dma_wait3A_39 = arith.constant 0 : i32
    %dma_wait3A_40 = tpu.memref_slice %arg2[%multiple_of3A_15, %dma_wait3A_39] : memref<16384x200xi32, #tpu.memory_space<hbm>> -> memref<128x200xi32, #tpu.memory_space<hbm>>
    %dma_wait3A_41 = arith.constant 0 : i32
    %dma_wait3A_42 = tpu.memref_slice %arg2[%multiple_of3A_15, %dma_wait3A_41] : memref<16384x200xi32, #tpu.memory_space<hbm>> -> memref<128x200xi32, #tpu.memory_space<hbm>>
    tpu.wait_dma2 semaphore(%arg9 : memref<!tpu.dma_semaphore, #tpu.memory_space<semaphore_mem>>) src(%dma_wait3A_42 : memref<128x200xi32, #tpu.memory_space<hbm>>) dst(%arg5 : memref<128x200xi32, #tpu.memory_space<vmem>>)
    %parallel_loop3A_43 = arith.constant 0 : i32
    %parallel_loop3A_44 = arith.constant 128 : i32
    %parallel_loop3A_45 = arith.constant 1 : i32
    scf.for %parallel_loop3A_96 = %parallel_loop3A_43 to %parallel_loop3A_44 step %parallel_loop3A_45  : i32 {
      %parallel_loop3A_97 = vector.broadcast %parallel_loop3A_96 : i32 to vector<16xi32>
      %parallel_loop3A_98 = arith.constant 128 : i32
      %parallel_loop3A_99 = arith.muli %parallel_loop3A_96, %parallel_loop3A_98 : i32
      %parallel_loop3A_100 = tpu.assume_multiple %parallel_loop3A_99, 8 : i32
      %parallel_loop3A_101 = tpu.memref_slice %arg7[%parallel_loop3A_100] : memref<16384xf32, #tpu.memory_space<vmem>> -> memref<128xf32, #tpu.memory_space<vmem>>
      %parallel_loop3A_102 = arith.constant 0 : index
      %parallel_loop3A_103 = tpu.vector_load %parallel_loop3A_101[%parallel_loop3A_102] {strides = array<i32>} : memref<128xf32, #tpu.memory_space<vmem>>, vector<16xf32>,
      tpu.vector_store %parallel_loop3A_101[%parallel_loop3A_102], %broadcast_in_dim3A_5 {strides = array<i32>} : memref<128xf32, #tpu.memory_space<vmem>>, vector<16xf32>,
      %parallel_loop3A_104 = tpu.memref_slice %arg7[%parallel_loop3A_100] : memref<16384xf32, #tpu.memory_space<vmem>> -> memref<128xf32, #tpu.memory_space<vmem>>
      %parallel_loop3A_105 = arith.constant 16 : index
      %parallel_loop3A_106 = tpu.vector_load %parallel_loop3A_104[%parallel_loop3A_105] {strides = array<i32>} : memref<128xf32, #tpu.memory_space<vmem>>, vector<16xf32>,
      tpu.vector_store %parallel_loop3A_104[%parallel_loop3A_105], %broadcast_in_dim3A_5 {strides = array<i32>} : memref<128xf32, #tpu.memory_space<vmem>>, vector<16xf32>,
      %parallel_loop3A_107 = tpu.memref_slice %arg7[%parallel_loop3A_100] : memref<16384xf32, #tpu.memory_space<vmem>> -> memref<128xf32, #tpu.memory_space<vmem>>
      %parallel_loop3A_108 = arith.constant 32 : index
      %parallel_loop3A_109 = tpu.vector_load %parallel_loop3A_107[%parallel_loop3A_108] {strides = array<i32>} : memref<128xf32, #tpu.memory_space<vmem>>, vector<16xf32>,
      tpu.vector_store %parallel_loop3A_107[%parallel_loop3A_108], %broadcast_in_dim3A_5 {strides = array<i32>} : memref<128xf32, #tpu.memory_space<vmem>>, vector<16xf32>,
      %parallel_loop3A_110 = tpu.memref_slice %arg7[%parallel_loop3A_100] : memref<16384xf32, #tpu.memory_space<vmem>> -> memref<128xf32, #tpu.memory_space<vmem>>
      %parallel_loop3A_111 = arith.constant 48 : index
      %parallel_loop3A_112 = tpu.vector_load %parallel_loop3A_110[%parallel_loop3A_111] {strides = array<i32>} : memref<128xf32, #tpu.memory_space<vmem>>, vector<16xf32>,
      tpu.vector_store %parallel_loop3A_110[%parallel_loop3A_111], %broadcast_in_dim3A_5 {strides = array<i32>} : memref<128xf32, #tpu.memory_space<vmem>>, vector<16xf32>,
      %parallel_loop3A_113 = tpu.memref_slice %arg7[%parallel_loop3A_100] : memref<16384xf32, #tpu.memory_space<vmem>> -> memref<128xf32, #tpu.memory_space<vmem>>
      %parallel_loop3A_114 = arith.constant 64 : index
      %parallel_loop3A_115 = tpu.vector_load %parallel_loop3A_113[%parallel_loop3A_114] {strides = array<i32>} : memref<128xf32, #tpu.memory_space<vmem>>, vector<16xf32>,
      tpu.vector_store %parallel_loop3A_113[%parallel_loop3A_114], %broadcast_in_dim3A_5 {strides = array<i32>} : memref<128xf32, #tpu.memory_space<vmem>>, vector<16xf32>,
      %parallel_loop3A_116 = tpu.memref_slice %arg7[%parallel_loop3A_100] : memref<16384xf32, #tpu.memory_space<vmem>> -> memref<128xf32, #tpu.memory_space<vmem>>
      %parallel_loop3A_117 = arith.constant 80 : index
      %parallel_loop3A_118 = tpu.vector_load %parallel_loop3A_116[%parallel_loop3A_117] {strides = array<i32>} : memref<128xf32, #tpu.memory_space<vmem>>, vector<16xf32>,
      tpu.vector_store %parallel_loop3A_116[%parallel_loop3A_117], %broadcast_in_dim3A_5 {strides = array<i32>} : memref<128xf32, #tpu.memory_space<vmem>>, vector<16xf32>,
      %parallel_loop3A_119 = tpu.memref_slice %arg7[%parallel_loop3A_100] : memref<16384xf32, #tpu.memory_space<vmem>> -> memref<128xf32, #tpu.memory_space<vmem>>
      %parallel_loop3A_120 = arith.constant 96 : index
      %parallel_loop3A_121 = tpu.vector_load %parallel_loop3A_119[%parallel_loop3A_120] {strides = array<i32>} : memref<128xf32, #tpu.memory_space<vmem>>, vector<16xf32>,
      tpu.vector_store %parallel_loop3A_119[%parallel_loop3A_120], %broadcast_in_dim3A_5 {strides = array<i32>} : memref<128xf32, #tpu.memory_space<vmem>>, vector<16xf32>,
      %parallel_loop3A_122 = tpu.memref_slice %arg7[%parallel_loop3A_100] : memref<16384xf32, #tpu.memory_space<vmem>> -> memref<128xf32, #tpu.memory_space<vmem>>
      %parallel_loop3A_123 = arith.constant 112 : index
      %parallel_loop3A_124 = tpu.vector_load %parallel_loop3A_122[%parallel_loop3A_123] {strides = array<i32>} : memref<128xf32, #tpu.memory_space<vmem>>, vector<16xf32>,
      tpu.vector_store %parallel_loop3A_122[%parallel_loop3A_123], %broadcast_in_dim3A_5 {strides = array<i32>} : memref<128xf32, #tpu.memory_space<vmem>>, vector<16xf32>,
      %parallel_loop3A_125 = arith.constant 0 : i32
      %parallel_loop3A_126 = vector.broadcast %parallel_loop3A_125 : i32 to vector<16xi32>
      %parallel_loop3A_127 = arith.addi %iota3A, %parallel_loop3A_126 : vector<16xi32>
      %parallel_loop3A_128 = tpu.vector_load_idx %arg5[%parallel_loop3A_97, %parallel_loop3A_127] : memref<128x200xi32, #tpu.memory_space<vmem>>[vector<16xi32>, vector<16xi32>], vector<16xi32>,
      %parallel_loop3A_129 = tpu.memref_slice %arg7[%parallel_loop3A_100] : memref<16384xf32, #tpu.memory_space<vmem>> -> memref<128xf32, #tpu.memory_space<vmem>>
      tpu.vector_store_idx %parallel_loop3A_129[%parallel_loop3A_128], %broadcast_in_dim3A_3 {add = true} : memref<128xf32, #tpu.memory_space<vmem>>[vector<16xi32>], vector<16xf32>,
      %parallel_loop3A_130 = arith.constant 16 : i32
      %parallel_loop3A_131 = vector.broadcast %parallel_loop3A_130 : i32 to vector<16xi32>
      %parallel_loop3A_132 = arith.addi %iota3A, %parallel_loop3A_131 : vector<16xi32>
      %parallel_loop3A_133 = tpu.vector_load_idx %arg5[%parallel_loop3A_97, %parallel_loop3A_132] : memref<128x200xi32, #tpu.memory_space<vmem>>[vector<16xi32>, vector<16xi32>], vector<16xi32>,
      %parallel_loop3A_134 = tpu.memref_slice %arg7[%parallel_loop3A_100] : memref<16384xf32, #tpu.memory_space<vmem>> -> memref<128xf32, #tpu.memory_space<vmem>>
      tpu.vector_store_idx %parallel_loop3A_134[%parallel_loop3A_133], %broadcast_in_dim3A_3 {add = true} : memref<128xf32, #tpu.memory_space<vmem>>[vector<16xi32>], vector<16xf32>,
      %parallel_loop3A_135 = arith.constant 32 : i32
      %parallel_loop3A_136 = vector.broadcast %parallel_loop3A_135 : i32 to vector<16xi32>
      %parallel_loop3A_137 = arith.addi %iota3A, %parallel_loop3A_136 : vector<16xi32>
      %parallel_loop3A_138 = tpu.vector_load_idx %arg5[%parallel_loop3A_97, %parallel_loop3A_137] : memref<128x200xi32, #tpu.memory_space<vmem>>[vector<16xi32>, vector<16xi32>], vector<16xi32>,
      %parallel_loop3A_139 = tpu.memref_slice %arg7[%parallel_loop3A_100] : memref<16384xf32, #tpu.memory_space<vmem>> -> memref<128xf32, #tpu.memory_space<vmem>>
      tpu.vector_store_idx %parallel_loop3A_139[%parallel_loop3A_138], %broadcast_in_dim3A_3 {add = true} : memref<128xf32, #tpu.memory_space<vmem>>[vector<16xi32>], vector<16xf32>,
      %parallel_loop3A_140 = arith.constant 48 : i32
      %parallel_loop3A_141 = vector.broadcast %parallel_loop3A_140 : i32 to vector<16xi32>
      %parallel_loop3A_142 = arith.addi %iota3A, %parallel_loop3A_141 : vector<16xi32>
      %parallel_loop3A_143 = tpu.vector_load_idx %arg5[%parallel_loop3A_97, %parallel_loop3A_142] : memref<128x200xi32, #tpu.memory_space<vmem>>[vector<16xi32>, vector<16xi32>], vector<16xi32>,
      %parallel_loop3A_144 = tpu.memref_slice %arg7[%parallel_loop3A_100] : memref<16384xf32, #tpu.memory_space<vmem>> -> memref<128xf32, #tpu.memory_space<vmem>>
      tpu.vector_store_idx %parallel_loop3A_144[%parallel_loop3A_143], %broadcast_in_dim3A_3 {add = true} : memref<128xf32, #tpu.memory_space<vmem>>[vector<16xi32>], vector<16xf32>,
      %parallel_loop3A_145 = arith.constant 64 : i32
      %parallel_loop3A_146 = vector.broadcast %parallel_loop3A_145 : i32 to vector<16xi32>
      %parallel_loop3A_147 = arith.addi %iota3A, %parallel_loop3A_146 : vector<16xi32>
      %parallel_loop3A_148 = tpu.vector_load_idx %arg5[%parallel_loop3A_97, %parallel_loop3A_147] : memref<128x200xi32, #tpu.memory_space<vmem>>[vector<16xi32>, vector<16xi32>], vector<16xi32>,
      %parallel_loop3A_149 = tpu.memref_slice %arg7[%parallel_loop3A_100] : memref<16384xf32, #tpu.memory_space<vmem>> -> memref<128xf32, #tpu.memory_space<vmem>>
      tpu.vector_store_idx %parallel_loop3A_149[%parallel_loop3A_148], %broadcast_in_dim3A_3 {add = true} : memref<128xf32, #tpu.memory_space<vmem>>[vector<16xi32>], vector<16xf32>,
      %parallel_loop3A_150 = arith.constant 80 : i32
      %parallel_loop3A_151 = vector.broadcast %parallel_loop3A_150 : i32 to vector<16xi32>
      %parallel_loop3A_152 = arith.addi %iota3A, %parallel_loop3A_151 : vector<16xi32>
      %parallel_loop3A_153 = tpu.vector_load_idx %arg5[%parallel_loop3A_97, %parallel_loop3A_152] : memref<128x200xi32, #tpu.memory_space<vmem>>[vector<16xi32>, vector<16xi32>], vector<16xi32>,
      %parallel_loop3A_154 = tpu.memref_slice %arg7[%parallel_loop3A_100] : memref<16384xf32, #tpu.memory_space<vmem>> -> memref<128xf32, #tpu.memory_space<vmem>>
      tpu.vector_store_idx %parallel_loop3A_154[%parallel_loop3A_153], %broadcast_in_dim3A_3 {add = true} : memref<128xf32, #tpu.memory_space<vmem>>[vector<16xi32>], vector<16xf32>,
      %parallel_loop3A_155 = arith.constant 96 : i32
      %parallel_loop3A_156 = vector.broadcast %parallel_loop3A_155 : i32 to vector<16xi32>
      %parallel_loop3A_157 = arith.addi %iota3A, %parallel_loop3A_156 : vector<16xi32>
      %parallel_loop3A_158 = tpu.vector_load_idx %arg5[%parallel_loop3A_97, %parallel_loop3A_157] : memref<128x200xi32, #tpu.memory_space<vmem>>[vector<16xi32>, vector<16xi32>], vector<16xi32>,
      %parallel_loop3A_159 = tpu.memref_slice %arg7[%parallel_loop3A_100] : memref<16384xf32, #tpu.memory_space<vmem>> -> memref<128xf32, #tpu.memory_space<vmem>>
      tpu.vector_store_idx %parallel_loop3A_159[%parallel_loop3A_158], %broadcast_in_dim3A_3 {add = true} : memref<128xf32, #tpu.memory_space<vmem>>[vector<16xi32>], vector<16xf32>,
      %parallel_loop3A_160 = arith.constant 112 : i32
      %parallel_loop3A_161 = vector.broadcast %parallel_loop3A_160 : i32 to vector<16xi32>
      %parallel_loop3A_162 = arith.addi %iota3A, %parallel_loop3A_161 : vector<16xi32>
      %parallel_loop3A_163 = tpu.vector_load_idx %arg5[%parallel_loop3A_97, %parallel_loop3A_162] : memref<128x200xi32, #tpu.memory_space<vmem>>[vector<16xi32>, vector<16xi32>], vector<16xi32>,
      %parallel_loop3A_164 = tpu.memref_slice %arg7[%parallel_loop3A_100] : memref<16384xf32, #tpu.memory_space<vmem>> -> memref<128xf32, #tpu.memory_space<vmem>>
      tpu.vector_store_idx %parallel_loop3A_164[%parallel_loop3A_163], %broadcast_in_dim3A_3 {add = true} : memref<128xf32, #tpu.memory_space<vmem>>[vector<16xi32>], vector<16xf32>,
      %parallel_loop3A_165 = arith.constant 128 : i32
      %parallel_loop3A_166 = vector.broadcast %parallel_loop3A_165 : i32 to vector<16xi32>
      %parallel_loop3A_167 = arith.addi %iota3A, %parallel_loop3A_166 : vector<16xi32>
      %parallel_loop3A_168 = tpu.vector_load_idx %arg5[%parallel_loop3A_97, %parallel_loop3A_167] : memref<128x200xi32, #tpu.memory_space<vmem>>[vector<16xi32>, vector<16xi32>], vector<16xi32>,
      %parallel_loop3A_169 = tpu.memref_slice %arg7[%parallel_loop3A_100] : memref<16384xf32, #tpu.memory_space<vmem>> -> memref<128xf32, #tpu.memory_space<vmem>>
      tpu.vector_store_idx %parallel_loop3A_169[%parallel_loop3A_168], %broadcast_in_dim3A_3 {add = true} : memref<128xf32, #tpu.memory_space<vmem>>[vector<16xi32>], vector<16xf32>,
      %parallel_loop3A_170 = arith.constant 144 : i32
      %parallel_loop3A_171 = vector.broadcast %parallel_loop3A_170 : i32 to vector<16xi32>
      %parallel_loop3A_172 = arith.addi %iota3A, %parallel_loop3A_171 : vector<16xi32>
      %parallel_loop3A_173 = tpu.vector_load_idx %arg5[%parallel_loop3A_97, %parallel_loop3A_172] : memref<128x200xi32, #tpu.memory_space<vmem>>[vector<16xi32>, vector<16xi32>], vector<16xi32>,
      %parallel_loop3A_174 = tpu.memref_slice %arg7[%parallel_loop3A_100] : memref<16384xf32, #tpu.memory_space<vmem>> -> memref<128xf32, #tpu.memory_space<vmem>>
      tpu.vector_store_idx %parallel_loop3A_174[%parallel_loop3A_173], %broadcast_in_dim3A_3 {add = true} : memref<128xf32, #tpu.memory_space<vmem>>[vector<16xi32>], vector<16xf32>,
      %parallel_loop3A_175 = arith.constant 160 : i32
      %parallel_loop3A_176 = vector.broadcast %parallel_loop3A_175 : i32 to vector<16xi32>
      %parallel_loop3A_177 = arith.addi %iota3A, %parallel_loop3A_176 : vector<16xi32>
      %parallel_loop3A_178 = tpu.vector_load_idx %arg5[%parallel_loop3A_97, %parallel_loop3A_177] : memref<128x200xi32, #tpu.memory_space<vmem>>[vector<16xi32>, vector<16xi32>], vector<16xi32>,
      %parallel_loop3A_179 = tpu.memref_slice %arg7[%parallel_loop3A_100] : memref<16384xf32, #tpu.memory_space<vmem>> -> memref<128xf32, #tpu.memory_space<vmem>>
      tpu.vector_store_idx %parallel_loop3A_179[%parallel_loop3A_178], %broadcast_in_dim3A_3 {add = true} : memref<128xf32, #tpu.memory_space<vmem>>[vector<16xi32>], vector<16xf32>,
      %parallel_loop3A_180 = arith.constant 176 : i32
      %parallel_loop3A_181 = vector.broadcast %parallel_loop3A_180 : i32 to vector<16xi32>
      %parallel_loop3A_182 = arith.addi %iota3A, %parallel_loop3A_181 : vector<16xi32>
      %parallel_loop3A_183 = tpu.vector_load_idx %arg5[%parallel_loop3A_97, %parallel_loop3A_182] : memref<128x200xi32, #tpu.memory_space<vmem>>[vector<16xi32>, vector<16xi32>], vector<16xi32>,
      %parallel_loop3A_184 = tpu.memref_slice %arg7[%parallel_loop3A_100] : memref<16384xf32, #tpu.memory_space<vmem>> -> memref<128xf32, #tpu.memory_space<vmem>>
      tpu.vector_store_idx %parallel_loop3A_184[%parallel_loop3A_183], %broadcast_in_dim3A_3 {add = true} : memref<128xf32, #tpu.memory_space<vmem>>[vector<16xi32>], vector<16xf32>,
      %parallel_loop3A_185 = arith.constant 184 : i32
      %parallel_loop3A_186 = vector.broadcast %parallel_loop3A_185 : i32 to vector<16xi32>
      %parallel_loop3A_187 = arith.addi %iota3A, %parallel_loop3A_186 : vector<16xi32>
      %parallel_loop3A_188 = tpu.vector_load_idx %arg5[%parallel_loop3A_97, %parallel_loop3A_187] : memref<128x200xi32, #tpu.memory_space<vmem>>[vector<16xi32>, vector<16xi32>], vector<16xi32>,
      %parallel_loop3A_189 = tpu.memref_slice %arg7[%parallel_loop3A_100] : memref<16384xf32, #tpu.memory_space<vmem>> -> memref<128xf32, #tpu.memory_space<vmem>>
      tpu.vector_store_idx %parallel_loop3A_189[%parallel_loop3A_188], %broadcast_in_dim3A_3 masked %ge3A_7 {add = true} : memref<128xf32, #tpu.memory_space<vmem>>[vector<16xi32>], vector<16xf32>, vector<16xi1>
    } {sc.loop_unroll_factor = 2 : i64, sc.parallel_access}
    %add3A_46 = arith.constant 128 : i32
    %add3A_47 = arith.addi %mul3A_2, %add3A_46 : i32
    %mul3A_48 = arith.constant 128 : i32
    %mul3A_49 = arith.muli %add3A_47, %mul3A_48 : i32
    %multiple_of3A_50 = tpu.assume_multiple %mul3A_49, 8 : i32
    %dma_start3A_51 = tpu.memref_slice %arg3[%multiple_of3A_50] : memref<2097152xf32, #tpu.memory_space<hbm>> -> memref<16384xf32, #tpu.memory_space<hbm>>
    %dma_start3A_52 = tpu.memref_slice %arg3[%multiple_of3A_50] : memref<2097152xf32, #tpu.memory_space<hbm>> -> memref<16384xf32, #tpu.memory_space<hbm>>
    tpu.enqueue_dma source(%arg7 : memref<16384xf32, #tpu.memory_space<vmem>>) target(%dma_start3A_52 : memref<16384xf32, #tpu.memory_space<hbm>>) target_semaphore(%arg11 : memref<!tpu.dma_semaphore, #tpu.memory_space<semaphore_mem>>)
    %add3A_53 = arith.constant 384 : i32
    %add3A_54 = arith.addi %mul3A_2, %add3A_53 : i32
    %multiple_of3A_55 = tpu.assume_multiple %add3A_54, 8 : i32
    %dma_start3A_56 = arith.constant 0 : i32
    %dma_start3A_57 = tpu.memref_slice %arg2[%multiple_of3A_55, %dma_start3A_56] : memref<16384x200xi32, #tpu.memory_space<hbm>> -> memref<128x200xi32, #tpu.memory_space<hbm>>
    %dma_start3A_58 = arith.constant 0 : i32
    %dma_start3A_59 = tpu.memref_slice %arg2[%multiple_of3A_55, %dma_start3A_58] : memref<16384x200xi32, #tpu.memory_space<hbm>> -> memref<128x200xi32, #tpu.memory_space<hbm>>
    tpu.enqueue_dma source(%dma_start3A_59 : memref<128x200xi32, #tpu.memory_space<hbm>>) target(%arg5 : memref<128x200xi32, #tpu.memory_space<vmem>>) target_semaphore(%arg9 : memref<!tpu.dma_semaphore, #tpu.memory_space<semaphore_mem>>)
    %dma_wait3A_60 = arith.constant 0 : i32
    %dma_wait3A_61 = tpu.memref_slice %arg2[%multiple_of3A_34, %dma_wait3A_60] : memref<16384x200xi32, #tpu.memory_space<hbm>> -> memref<128x200xi32, #tpu.memory_space<hbm>>
    %dma_wait3A_62 = arith.constant 0 : i32
    %dma_wait3A_63 = tpu.memref_slice %arg2[%multiple_of3A_34, %dma_wait3A_62] : memref<16384x200xi32, #tpu.memory_space<hbm>> -> memref<128x200xi32, #tpu.memory_space<hbm>>
    tpu.wait_dma2 semaphore(%arg8 : memref<!tpu.dma_semaphore, #tpu.memory_space<semaphore_mem>>) src(%dma_wait3A_63 : memref<128x200xi32, #tpu.memory_space<hbm>>) dst(%arg4 : memref<128x200xi32, #tpu.memory_space<vmem>>)
    %dma_wait3A_64 = tpu.memref_slice %arg3[%multiple_of3A_29] : memref<2097152xf32, #tpu.memory_space<hbm>> -> memref<16384xf32, #tpu.memory_space<hbm>>
    %dma_wait3A_65 = tpu.memref_slice %arg3[%multiple_of3A_29] : memref<2097152xf32, #tpu.memory_space<hbm>> -> memref<16384xf32, #tpu.memory_space<hbm>>
    tpu.wait_dma2 semaphore(%arg10 : memref<!tpu.dma_semaphore, #tpu.memory_space<semaphore_mem>>) src(%arg6 : memref<16384xf32, #tpu.memory_space<vmem>>) dst(%dma_wait3A_65 : memref<16384xf32, #tpu.memory_space<hbm>>)
    %parallel_loop3A_66 = arith.constant 0 : i32
    %parallel_loop3A_67 = arith.constant 128 : i32
    %parallel_loop3A_68 = arith.constant 1 : i32
    scf.for %parallel_loop3A_96 = %parallel_loop3A_66 to %parallel_loop3A_67 step %parallel_loop3A_68  : i32 {
      %parallel_loop3A_97 = vector.broadcast %parallel_loop3A_96 : i32 to vector<16xi32>
      %parallel_loop3A_98 = arith.constant 128 : i32
      %parallel_loop3A_99 = arith.muli %parallel_loop3A_96, %parallel_loop3A_98 : i32
      %parallel_loop3A_100 = tpu.assume_multiple %parallel_loop3A_99, 8 : i32
      %parallel_loop3A_101 = tpu.memref_slice %arg6[%parallel_loop3A_100] : memref<16384xf32, #tpu.memory_space<vmem>> -> memref<128xf32, #tpu.memory_space<vmem>>
      %parallel_loop3A_102 = arith.constant 0 : index
      %parallel_loop3A_103 = tpu.vector_load %parallel_loop3A_101[%parallel_loop3A_102] {strides = array<i32>} : memref<128xf32, #tpu.memory_space<vmem>>, vector<16xf32>,
      tpu.vector_store %parallel_loop3A_101[%parallel_loop3A_102], %broadcast_in_dim3A_5 {strides = array<i32>} : memref<128xf32, #tpu.memory_space<vmem>>, vector<16xf32>,
      %parallel_loop3A_104 = tpu.memref_slice %arg6[%parallel_loop3A_100] : memref<16384xf32, #tpu.memory_space<vmem>> -> memref<128xf32, #tpu.memory_space<vmem>>
      %parallel_loop3A_105 = arith.constant 16 : index
      %parallel_loop3A_106 = tpu.vector_load %parallel_loop3A_104[%parallel_loop3A_105] {strides = array<i32>} : memref<128xf32, #tpu.memory_space<vmem>>, vector<16xf32>,
      tpu.vector_store %parallel_loop3A_104[%parallel_loop3A_105], %broadcast_in_dim3A_5 {strides = array<i32>} : memref<128xf32, #tpu.memory_space<vmem>>, vector<16xf32>,
      %parallel_loop3A_107 = tpu.memref_slice %arg6[%parallel_loop3A_100] : memref<16384xf32, #tpu.memory_space<vmem>> -> memref<128xf32, #tpu.memory_space<vmem>>
      %parallel_loop3A_108 = arith.constant 32 : index
      %parallel_loop3A_109 = tpu.vector_load %parallel_loop3A_107[%parallel_loop3A_108] {strides = array<i32>} : memref<128xf32, #tpu.memory_space<vmem>>, vector<16xf32>,
      tpu.vector_store %parallel_loop3A_107[%parallel_loop3A_108], %broadcast_in_dim3A_5 {strides = array<i32>} : memref<128xf32, #tpu.memory_space<vmem>>, vector<16xf32>,
      %parallel_loop3A_110 = tpu.memref_slice %arg6[%parallel_loop3A_100] : memref<16384xf32, #tpu.memory_space<vmem>> -> memref<128xf32, #tpu.memory_space<vmem>>
      %parallel_loop3A_111 = arith.constant 48 : index
      %parallel_loop3A_112 = tpu.vector_load %parallel_loop3A_110[%parallel_loop3A_111] {strides = array<i32>} : memref<128xf32, #tpu.memory_space<vmem>>, vector<16xf32>,
      tpu.vector_store %parallel_loop3A_110[%parallel_loop3A_111], %broadcast_in_dim3A_5 {strides = array<i32>} : memref<128xf32, #tpu.memory_space<vmem>>, vector<16xf32>,
      %parallel_loop3A_113 = tpu.memref_slice %arg6[%parallel_loop3A_100] : memref<16384xf32, #tpu.memory_space<vmem>> -> memref<128xf32, #tpu.memory_space<vmem>>
      %parallel_loop3A_114 = arith.constant 64 : index
      %parallel_loop3A_115 = tpu.vector_load %parallel_loop3A_113[%parallel_loop3A_114] {strides = array<i32>} : memref<128xf32, #tpu.memory_space<vmem>>, vector<16xf32>,
      tpu.vector_store %parallel_loop3A_113[%parallel_loop3A_114], %broadcast_in_dim3A_5 {strides = array<i32>} : memref<128xf32, #tpu.memory_space<vmem>>, vector<16xf32>,
      %parallel_loop3A_116 = tpu.memref_slice %arg6[%parallel_loop3A_100] : memref<16384xf32, #tpu.memory_space<vmem>> -> memref<128xf32, #tpu.memory_space<vmem>>
      %parallel_loop3A_117 = arith.constant 80 : index
      %parallel_loop3A_118 = tpu.vector_load %parallel_loop3A_116[%parallel_loop3A_117] {strides = array<i32>} : memref<128xf32, #tpu.memory_space<vmem>>, vector<16xf32>,
      tpu.vector_store %parallel_loop3A_116[%parallel_loop3A_117], %broadcast_in_dim3A_5 {strides = array<i32>} : memref<128xf32, #tpu.memory_space<vmem>>, vector<16xf32>,
      %parallel_loop3A_119 = tpu.memref_slice %arg6[%parallel_loop3A_100] : memref<16384xf32, #tpu.memory_space<vmem>> -> memref<128xf32, #tpu.memory_space<vmem>>
      %parallel_loop3A_120 = arith.constant 96 : index
      %parallel_loop3A_121 = tpu.vector_load %parallel_loop3A_119[%parallel_loop3A_120] {strides = array<i32>} : memref<128xf32, #tpu.memory_space<vmem>>, vector<16xf32>,
      tpu.vector_store %parallel_loop3A_119[%parallel_loop3A_120], %broadcast_in_dim3A_5 {strides = array<i32>} : memref<128xf32, #tpu.memory_space<vmem>>, vector<16xf32>,
      %parallel_loop3A_122 = tpu.memref_slice %arg6[%parallel_loop3A_100] : memref<16384xf32, #tpu.memory_space<vmem>> -> memref<128xf32, #tpu.memory_space<vmem>>
      %parallel_loop3A_123 = arith.constant 112 : index
      %parallel_loop3A_124 = tpu.vector_load %parallel_loop3A_122[%parallel_loop3A_123] {strides = array<i32>} : memref<128xf32, #tpu.memory_space<vmem>>, vector<16xf32>,
      tpu.vector_store %parallel_loop3A_122[%parallel_loop3A_123], %broadcast_in_dim3A_5 {strides = array<i32>} : memref<128xf32, #tpu.memory_space<vmem>>, vector<16xf32>,
      %parallel_loop3A_125 = arith.constant 0 : i32
      %parallel_loop3A_126 = vector.broadcast %parallel_loop3A_125 : i32 to vector<16xi32>
      %parallel_loop3A_127 = arith.addi %iota3A, %parallel_loop3A_126 : vector<16xi32>
      %parallel_loop3A_128 = tpu.vector_load_idx %arg4[%parallel_loop3A_97, %parallel_loop3A_127] : memref<128x200xi32, #tpu.memory_space<vmem>>[vector<16xi32>, vector<16xi32>], vector<16xi32>,
      %parallel_loop3A_129 = tpu.memref_slice %arg6[%parallel_loop3A_100] : memref<16384xf32, #tpu.memory_space<vmem>> -> memref<128xf32, #tpu.memory_space<vmem>>
      tpu.vector_store_idx %parallel_loop3A_129[%parallel_loop3A_128], %broadcast_in_dim3A_3 {add = true} : memref<128xf32, #tpu.memory_space<vmem>>[vector<16xi32>], vector<16xf32>,
      %parallel_loop3A_130 = arith.constant 16 : i32
      %parallel_loop3A_131 = vector.broadcast %parallel_loop3A_130 : i32 to vector<16xi32>
      %parallel_loop3A_132 = arith.addi %iota3A, %parallel_loop3A_131 : vector<16xi32>
      %parallel_loop3A_133 = tpu.vector_load_idx %arg4[%parallel_loop3A_97, %parallel_loop3A_132] : memref<128x200xi32, #tpu.memory_space<vmem>>[vector<16xi32>, vector<16xi32>], vector<16xi32>,
      %parallel_loop3A_134 = tpu.memref_slice %arg6[%parallel_loop3A_100] : memref<16384xf32, #tpu.memory_space<vmem>> -> memref<128xf32, #tpu.memory_space<vmem>>
      tpu.vector_store_idx %parallel_loop3A_134[%parallel_loop3A_133], %broadcast_in_dim3A_3 {add = true} : memref<128xf32, #tpu.memory_space<vmem>>[vector<16xi32>], vector<16xf32>,
      %parallel_loop3A_135 = arith.constant 32 : i32
      %parallel_loop3A_136 = vector.broadcast %parallel_loop3A_135 : i32 to vector<16xi32>
      %parallel_loop3A_137 = arith.addi %iota3A, %parallel_loop3A_136 : vector<16xi32>
      %parallel_loop3A_138 = tpu.vector_load_idx %arg4[%parallel_loop3A_97, %parallel_loop3A_137] : memref<128x200xi32, #tpu.memory_space<vmem>>[vector<16xi32>, vector<16xi32>], vector<16xi32>,
      %parallel_loop3A_139 = tpu.memref_slice %arg6[%parallel_loop3A_100] : memref<16384xf32, #tpu.memory_space<vmem>> -> memref<128xf32, #tpu.memory_space<vmem>>
      tpu.vector_store_idx %parallel_loop3A_139[%parallel_loop3A_138], %broadcast_in_dim3A_3 {add = true} : memref<128xf32, #tpu.memory_space<vmem>>[vector<16xi32>], vector<16xf32>,
      %parallel_loop3A_140 = arith.constant 48 : i32
      %parallel_loop3A_141 = vector.broadcast %parallel_loop3A_140 : i32 to vector<16xi32>
      %parallel_loop3A_142 = arith.addi %iota3A, %parallel_loop3A_141 : vector<16xi32>
      %parallel_loop3A_143 = tpu.vector_load_idx %arg4[%parallel_loop3A_97, %parallel_loop3A_142] : memref<128x200xi32, #tpu.memory_space<vmem>>[vector<16xi32>, vector<16xi32>], vector<16xi32>,
      %parallel_loop3A_144 = tpu.memref_slice %arg6[%parallel_loop3A_100] : memref<16384xf32, #tpu.memory_space<vmem>> -> memref<128xf32, #tpu.memory_space<vmem>>
      tpu.vector_store_idx %parallel_loop3A_144[%parallel_loop3A_143], %broadcast_in_dim3A_3 {add = true} : memref<128xf32, #tpu.memory_space<vmem>>[vector<16xi32>], vector<16xf32>,
      %parallel_loop3A_145 = arith.constant 64 : i32
      %parallel_loop3A_146 = vector.broadcast %parallel_loop3A_145 : i32 to vector<16xi32>
      %parallel_loop3A_147 = arith.addi %iota3A, %parallel_loop3A_146 : vector<16xi32>
      %parallel_loop3A_148 = tpu.vector_load_idx %arg4[%parallel_loop3A_97, %parallel_loop3A_147] : memref<128x200xi32, #tpu.memory_space<vmem>>[vector<16xi32>, vector<16xi32>], vector<16xi32>,
      %parallel_loop3A_149 = tpu.memref_slice %arg6[%parallel_loop3A_100] : memref<16384xf32, #tpu.memory_space<vmem>> -> memref<128xf32, #tpu.memory_space<vmem>>
      tpu.vector_store_idx %parallel_loop3A_149[%parallel_loop3A_148], %broadcast_in_dim3A_3 {add = true} : memref<128xf32, #tpu.memory_space<vmem>>[vector<16xi32>], vector<16xf32>,
      %parallel_loop3A_150 = arith.constant 80 : i32
      %parallel_loop3A_151 = vector.broadcast %parallel_loop3A_150 : i32 to vector<16xi32>
      %parallel_loop3A_152 = arith.addi %iota3A, %parallel_loop3A_151 : vector<16xi32>
      %parallel_loop3A_153 = tpu.vector_load_idx %arg4[%parallel_loop3A_97, %parallel_loop3A_152] : memref<128x200xi32, #tpu.memory_space<vmem>>[vector<16xi32>, vector<16xi32>], vector<16xi32>,
      %parallel_loop3A_154 = tpu.memref_slice %arg6[%parallel_loop3A_100] : memref<16384xf32, #tpu.memory_space<vmem>> -> memref<128xf32, #tpu.memory_space<vmem>>
      tpu.vector_store_idx %parallel_loop3A_154[%parallel_loop3A_153], %broadcast_in_dim3A_3 {add = true} : memref<128xf32, #tpu.memory_space<vmem>>[vector<16xi32>], vector<16xf32>,
      %parallel_loop3A_155 = arith.constant 96 : i32
      %parallel_loop3A_156 = vector.broadcast %parallel_loop3A_155 : i32 to vector<16xi32>
      %parallel_loop3A_157 = arith.addi %iota3A, %parallel_loop3A_156 : vector<16xi32>
      %parallel_loop3A_158 = tpu.vector_load_idx %arg4[%parallel_loop3A_97, %parallel_loop3A_157] : memref<128x200xi32, #tpu.memory_space<vmem>>[vector<16xi32>, vector<16xi32>], vector<16xi32>,
      %parallel_loop3A_159 = tpu.memref_slice %arg6[%parallel_loop3A_100] : memref<16384xf32, #tpu.memory_space<vmem>> -> memref<128xf32, #tpu.memory_space<vmem>>
      tpu.vector_store_idx %parallel_loop3A_159[%parallel_loop3A_158], %broadcast_in_dim3A_3 {add = true} : memref<128xf32, #tpu.memory_space<vmem>>[vector<16xi32>], vector<16xf32>,
      %parallel_loop3A_160 = arith.constant 112 : i32
      %parallel_loop3A_161 = vector.broadcast %parallel_loop3A_160 : i32 to vector<16xi32>
      %parallel_loop3A_162 = arith.addi %iota3A, %parallel_loop3A_161 : vector<16xi32>
      %parallel_loop3A_163 = tpu.vector_load_idx %arg4[%parallel_loop3A_97, %parallel_loop3A_162] : memref<128x200xi32, #tpu.memory_space<vmem>>[vector<16xi32>, vector<16xi32>], vector<16xi32>,
      %parallel_loop3A_164 = tpu.memref_slice %arg6[%parallel_loop3A_100] : memref<16384xf32, #tpu.memory_space<vmem>> -> memref<128xf32, #tpu.memory_space<vmem>>
      tpu.vector_store_idx %parallel_loop3A_164[%parallel_loop3A_163], %broadcast_in_dim3A_3 {add = true} : memref<128xf32, #tpu.memory_space<vmem>>[vector<16xi32>], vector<16xf32>,
      %parallel_loop3A_165 = arith.constant 128 : i32
      %parallel_loop3A_166 = vector.broadcast %parallel_loop3A_165 : i32 to vector<16xi32>
      %parallel_loop3A_167 = arith.addi %iota3A, %parallel_loop3A_166 : vector<16xi32>
      %parallel_loop3A_168 = tpu.vector_load_idx %arg4[%parallel_loop3A_97, %parallel_loop3A_167] : memref<128x200xi32, #tpu.memory_space<vmem>>[vector<16xi32>, vector<16xi32>], vector<16xi32>,
      %parallel_loop3A_169 = tpu.memref_slice %arg6[%parallel_loop3A_100] : memref<16384xf32, #tpu.memory_space<vmem>> -> memref<128xf32, #tpu.memory_space<vmem>>
      tpu.vector_store_idx %parallel_loop3A_169[%parallel_loop3A_168], %broadcast_in_dim3A_3 {add = true} : memref<128xf32, #tpu.memory_space<vmem>>[vector<16xi32>], vector<16xf32>,
      %parallel_loop3A_170 = arith.constant 144 : i32
      %parallel_loop3A_171 = vector.broadcast %parallel_loop3A_170 : i32 to vector<16xi32>
      %parallel_loop3A_172 = arith.addi %iota3A, %parallel_loop3A_171 : vector<16xi32>
      %parallel_loop3A_173 = tpu.vector_load_idx %arg4[%parallel_loop3A_97, %parallel_loop3A_172] : memref<128x200xi32, #tpu.memory_space<vmem>>[vector<16xi32>, vector<16xi32>], vector<16xi32>,
      %parallel_loop3A_174 = tpu.memref_slice %arg6[%parallel_loop3A_100] : memref<16384xf32, #tpu.memory_space<vmem>> -> memref<128xf32, #tpu.memory_space<vmem>>
      tpu.vector_store_idx %parallel_loop3A_174[%parallel_loop3A_173], %broadcast_in_dim3A_3 {add = true} : memref<128xf32, #tpu.memory_space<vmem>>[vector<16xi32>], vector<16xf32>,
      %parallel_loop3A_175 = arith.constant 160 : i32
      %parallel_loop3A_176 = vector.broadcast %parallel_loop3A_175 : i32 to vector<16xi32>
      %parallel_loop3A_177 = arith.addi %iota3A, %parallel_loop3A_176 : vector<16xi32>
      %parallel_loop3A_178 = tpu.vector_load_idx %arg4[%parallel_loop3A_97, %parallel_loop3A_177] : memref<128x200xi32, #tpu.memory_space<vmem>>[vector<16xi32>, vector<16xi32>], vector<16xi32>,
      %parallel_loop3A_179 = tpu.memref_slice %arg6[%parallel_loop3A_100] : memref<16384xf32, #tpu.memory_space<vmem>> -> memref<128xf32, #tpu.memory_space<vmem>>
      tpu.vector_store_idx %parallel_loop3A_179[%parallel_loop3A_178], %broadcast_in_dim3A_3 {add = true} : memref<128xf32, #tpu.memory_space<vmem>>[vector<16xi32>], vector<16xf32>,
      %parallel_loop3A_180 = arith.constant 176 : i32
      %parallel_loop3A_181 = vector.broadcast %parallel_loop3A_180 : i32 to vector<16xi32>
      %parallel_loop3A_182 = arith.addi %iota3A, %parallel_loop3A_181 : vector<16xi32>
      %parallel_loop3A_183 = tpu.vector_load_idx %arg4[%parallel_loop3A_97, %parallel_loop3A_182] : memref<128x200xi32, #tpu.memory_space<vmem>>[vector<16xi32>, vector<16xi32>], vector<16xi32>,
      %parallel_loop3A_184 = tpu.memref_slice %arg6[%parallel_loop3A_100] : memref<16384xf32, #tpu.memory_space<vmem>> -> memref<128xf32, #tpu.memory_space<vmem>>
      tpu.vector_store_idx %parallel_loop3A_184[%parallel_loop3A_183], %broadcast_in_dim3A_3 {add = true} : memref<128xf32, #tpu.memory_space<vmem>>[vector<16xi32>], vector<16xf32>,
      %parallel_loop3A_185 = arith.constant 184 : i32
      %parallel_loop3A_186 = vector.broadcast %parallel_loop3A_185 : i32 to vector<16xi32>
      %parallel_loop3A_187 = arith.addi %iota3A, %parallel_loop3A_186 : vector<16xi32>
      %parallel_loop3A_188 = tpu.vector_load_idx %arg4[%parallel_loop3A_97, %parallel_loop3A_187] : memref<128x200xi32, #tpu.memory_space<vmem>>[vector<16xi32>, vector<16xi32>], vector<16xi32>,
      %parallel_loop3A_189 = tpu.memref_slice %arg6[%parallel_loop3A_100] : memref<16384xf32, #tpu.memory_space<vmem>> -> memref<128xf32, #tpu.memory_space<vmem>>
      tpu.vector_store_idx %parallel_loop3A_189[%parallel_loop3A_188], %broadcast_in_dim3A_3 masked %ge3A_7 {add = true} : memref<128xf32, #tpu.memory_space<vmem>>[vector<16xi32>], vector<16xf32>, vector<16xi1>
    } {sc.loop_unroll_factor = 2 : i64, sc.parallel_access}
    %add3A_69 = arith.constant 256 : i32
    %add3A_70 = arith.addi %mul3A_2, %add3A_69 : i32
    %mul3A_71 = arith.constant 128 : i32
    %mul3A_72 = arith.muli %add3A_70, %mul3A_71 : i32
    %multiple_of3A_73 = tpu.assume_multiple %mul3A_72, 8 : i32
    %dma_start3A_74 = tpu.memref_slice %arg3[%multiple_of3A_73] : memref<2097152xf32, #tpu.memory_space<hbm>> -> memref<16384xf32, #tpu.memory_space<hbm>>
    %dma_start3A_75 = tpu.memref_slice %arg3[%multiple_of3A_73] : memref<2097152xf32, #tpu.memory_space<hbm>> -> memref<16384xf32, #tpu.memory_space<hbm>>
    tpu.enqueue_dma source(%arg6 : memref<16384xf32, #tpu.memory_space<vmem>>) target(%dma_start3A_75 : memref<16384xf32, #tpu.memory_space<hbm>>) target_semaphore(%arg10 : memref<!tpu.dma_semaphore, #tpu.memory_space<semaphore_mem>>)
    %dma_wait3A_76 = arith.constant 0 : i32
    %dma_wait3A_77 = tpu.memref_slice %arg2[%multiple_of3A_55, %dma_wait3A_76] : memref<16384x200xi32, #tpu.memory_space<hbm>> -> memref<128x200xi32, #tpu.memory_space<hbm>>
    %dma_wait3A_78 = arith.constant 0 : i32
    %dma_wait3A_79 = tpu.memref_slice %arg2[%multiple_of3A_55, %dma_wait3A_78] : memref<16384x200xi32, #tpu.memory_space<hbm>> -> memref<128x200xi32, #tpu.memory_space<hbm>>
    tpu.wait_dma2 semaphore(%arg9 : memref<!tpu.dma_semaphore, #tpu.memory_space<semaphore_mem>>) src(%dma_wait3A_79 : memref<128x200xi32, #tpu.memory_space<hbm>>) dst(%arg5 : memref<128x200xi32, #tpu.memory_space<vmem>>)
    %dma_wait3A_80 = tpu.memref_slice %arg3[%multiple_of3A_50] : memref<2097152xf32, #tpu.memory_space<hbm>> -> memref<16384xf32, #tpu.memory_space<hbm>>
    %dma_wait3A_81 = tpu.memref_slice %arg3[%multiple_of3A_50] : memref<2097152xf32, #tpu.memory_space<hbm>> -> memref<16384xf32, #tpu.memory_space<hbm>>
    tpu.wait_dma2 semaphore(%arg11 : memref<!tpu.dma_semaphore, #tpu.memory_space<semaphore_mem>>) src(%arg7 : memref<16384xf32, #tpu.memory_space<vmem>>) dst(%dma_wait3A_81 : memref<16384xf32, #tpu.memory_space<hbm>>)
    %parallel_loop3A_82 = arith.constant 0 : i32
    %parallel_loop3A_83 = arith.constant 128 : i32
    %parallel_loop3A_84 = arith.constant 1 : i32
    scf.for %parallel_loop3A_96 = %parallel_loop3A_82 to %parallel_loop3A_83 step %parallel_loop3A_84  : i32 {
      %parallel_loop3A_97 = vector.broadcast %parallel_loop3A_96 : i32 to vector<16xi32>
      %parallel_loop3A_98 = arith.constant 128 : i32
      %parallel_loop3A_99 = arith.muli %parallel_loop3A_96, %parallel_loop3A_98 : i32
      %parallel_loop3A_100 = tpu.assume_multiple %parallel_loop3A_99, 8 : i32
      %parallel_loop3A_101 = tpu.memref_slice %arg7[%parallel_loop3A_100] : memref<16384xf32, #tpu.memory_space<vmem>> -> memref<128xf32, #tpu.memory_space<vmem>>
      %parallel_loop3A_102 = arith.constant 0 : index
      %parallel_loop3A_103 = tpu.vector_load %parallel_loop3A_101[%parallel_loop3A_102] {strides = array<i32>} : memref<128xf32, #tpu.memory_space<vmem>>, vector<16xf32>,
      tpu.vector_store %parallel_loop3A_101[%parallel_loop3A_102], %broadcast_in_dim3A_5 {strides = array<i32>} : memref<128xf32, #tpu.memory_space<vmem>>, vector<16xf32>,
      %parallel_loop3A_104 = tpu.memref_slice %arg7[%parallel_loop3A_100] : memref<16384xf32, #tpu.memory_space<vmem>> -> memref<128xf32, #tpu.memory_space<vmem>>
      %parallel_loop3A_105 = arith.constant 16 : index
      %parallel_loop3A_106 = tpu.vector_load %parallel_loop3A_104[%parallel_loop3A_105] {strides = array<i32>} : memref<128xf32, #tpu.memory_space<vmem>>, vector<16xf32>,
      tpu.vector_store %parallel_loop3A_104[%parallel_loop3A_105], %broadcast_in_dim3A_5 {strides = array<i32>} : memref<128xf32, #tpu.memory_space<vmem>>, vector<16xf32>,
      %parallel_loop3A_107 = tpu.memref_slice %arg7[%parallel_loop3A_100] : memref<16384xf32, #tpu.memory_space<vmem>> -> memref<128xf32, #tpu.memory_space<vmem>>
      %parallel_loop3A_108 = arith.constant 32 : index
      %parallel_loop3A_109 = tpu.vector_load %parallel_loop3A_107[%parallel_loop3A_108] {strides = array<i32>} : memref<128xf32, #tpu.memory_space<vmem>>, vector<16xf32>,
      tpu.vector_store %parallel_loop3A_107[%parallel_loop3A_108], %broadcast_in_dim3A_5 {strides = array<i32>} : memref<128xf32, #tpu.memory_space<vmem>>, vector<16xf32>,
      %parallel_loop3A_110 = tpu.memref_slice %arg7[%parallel_loop3A_100] : memref<16384xf32, #tpu.memory_space<vmem>> -> memref<128xf32, #tpu.memory_space<vmem>>
      %parallel_loop3A_111 = arith.constant 48 : index
      %parallel_loop3A_112 = tpu.vector_load %parallel_loop3A_110[%parallel_loop3A_111] {strides = array<i32>} : memref<128xf32, #tpu.memory_space<vmem>>, vector<16xf32>,
      tpu.vector_store %parallel_loop3A_110[%parallel_loop3A_111], %broadcast_in_dim3A_5 {strides = array<i32>} : memref<128xf32, #tpu.memory_space<vmem>>, vector<16xf32>,
      %parallel_loop3A_113 = tpu.memref_slice %arg7[%parallel_loop3A_100] : memref<16384xf32, #tpu.memory_space<vmem>> -> memref<128xf32, #tpu.memory_space<vmem>>
      %parallel_loop3A_114 = arith.constant 64 : index
      %parallel_loop3A_115 = tpu.vector_load %parallel_loop3A_113[%parallel_loop3A_114] {strides = array<i32>} : memref<128xf32, #tpu.memory_space<vmem>>, vector<16xf32>,
      tpu.vector_store %parallel_loop3A_113[%parallel_loop3A_114], %broadcast_in_dim3A_5 {strides = array<i32>} : memref<128xf32, #tpu.memory_space<vmem>>, vector<16xf32>,
      %parallel_loop3A_116 = tpu.memref_slice %arg7[%parallel_loop3A_100] : memref<16384xf32, #tpu.memory_space<vmem>> -> memref<128xf32, #tpu.memory_space<vmem>>
      %parallel_loop3A_117 = arith.constant 80 : index
      %parallel_loop3A_118 = tpu.vector_load %parallel_loop3A_116[%parallel_loop3A_117] {strides = array<i32>} : memref<128xf32, #tpu.memory_space<vmem>>, vector<16xf32>,
      tpu.vector_store %parallel_loop3A_116[%parallel_loop3A_117], %broadcast_in_dim3A_5 {strides = array<i32>} : memref<128xf32, #tpu.memory_space<vmem>>, vector<16xf32>,
      %parallel_loop3A_119 = tpu.memref_slice %arg7[%parallel_loop3A_100] : memref<16384xf32, #tpu.memory_space<vmem>> -> memref<128xf32, #tpu.memory_space<vmem>>
      %parallel_loop3A_120 = arith.constant 96 : index
      %parallel_loop3A_121 = tpu.vector_load %parallel_loop3A_119[%parallel_loop3A_120] {strides = array<i32>} : memref<128xf32, #tpu.memory_space<vmem>>, vector<16xf32>,
      tpu.vector_store %parallel_loop3A_119[%parallel_loop3A_120], %broadcast_in_dim3A_5 {strides = array<i32>} : memref<128xf32, #tpu.memory_space<vmem>>, vector<16xf32>,
      %parallel_loop3A_122 = tpu.memref_slice %arg7[%parallel_loop3A_100] : memref<16384xf32, #tpu.memory_space<vmem>> -> memref<128xf32, #tpu.memory_space<vmem>>
      %parallel_loop3A_123 = arith.constant 112 : index
      %parallel_loop3A_124 = tpu.vector_load %parallel_loop3A_122[%parallel_loop3A_123] {strides = array<i32>} : memref<128xf32, #tpu.memory_space<vmem>>, vector<16xf32>,
      tpu.vector_store %parallel_loop3A_122[%parallel_loop3A_123], %broadcast_in_dim3A_5 {strides = array<i32>} : memref<128xf32, #tpu.memory_space<vmem>>, vector<16xf32>,
      %parallel_loop3A_125 = arith.constant 0 : i32
      %parallel_loop3A_126 = vector.broadcast %parallel_loop3A_125 : i32 to vector<16xi32>
      %parallel_loop3A_127 = arith.addi %iota3A, %parallel_loop3A_126 : vector<16xi32>
      %parallel_loop3A_128 = tpu.vector_load_idx %arg5[%parallel_loop3A_97, %parallel_loop3A_127] : memref<128x200xi32, #tpu.memory_space<vmem>>[vector<16xi32>, vector<16xi32>], vector<16xi32>,
      %parallel_loop3A_129 = tpu.memref_slice %arg7[%parallel_loop3A_100] : memref<16384xf32, #tpu.memory_space<vmem>> -> memref<128xf32, #tpu.memory_space<vmem>>
      tpu.vector_store_idx %parallel_loop3A_129[%parallel_loop3A_128], %broadcast_in_dim3A_3 {add = true} : memref<128xf32, #tpu.memory_space<vmem>>[vector<16xi32>], vector<16xf32>,
      %parallel_loop3A_130 = arith.constant 16 : i32
      %parallel_loop3A_131 = vector.broadcast %parallel_loop3A_130 : i32 to vector<16xi32>
      %parallel_loop3A_132 = arith.addi %iota3A, %parallel_loop3A_131 : vector<16xi32>
      %parallel_loop3A_133 = tpu.vector_load_idx %arg5[%parallel_loop3A_97, %parallel_loop3A_132] : memref<128x200xi32, #tpu.memory_space<vmem>>[vector<16xi32>, vector<16xi32>], vector<16xi32>,
      %parallel_loop3A_134 = tpu.memref_slice %arg7[%parallel_loop3A_100] : memref<16384xf32, #tpu.memory_space<vmem>> -> memref<128xf32, #tpu.memory_space<vmem>>
      tpu.vector_store_idx %parallel_loop3A_134[%parallel_loop3A_133], %broadcast_in_dim3A_3 {add = true} : memref<128xf32, #tpu.memory_space<vmem>>[vector<16xi32>], vector<16xf32>,
      %parallel_loop3A_135 = arith.constant 32 : i32
      %parallel_loop3A_136 = vector.broadcast %parallel_loop3A_135 : i32 to vector<16xi32>
      %parallel_loop3A_137 = arith.addi %iota3A, %parallel_loop3A_136 : vector<16xi32>
      %parallel_loop3A_138 = tpu.vector_load_idx %arg5[%parallel_loop3A_97, %parallel_loop3A_137] : memref<128x200xi32, #tpu.memory_space<vmem>>[vector<16xi32>, vector<16xi32>], vector<16xi32>,
      %parallel_loop3A_139 = tpu.memref_slice %arg7[%parallel_loop3A_100] : memref<16384xf32, #tpu.memory_space<vmem>> -> memref<128xf32, #tpu.memory_space<vmem>>
      tpu.vector_store_idx %parallel_loop3A_139[%parallel_loop3A_138], %broadcast_in_dim3A_3 {add = true} : memref<128xf32, #tpu.memory_space<vmem>>[vector<16xi32>], vector<16xf32>,
      %parallel_loop3A_140 = arith.constant 48 : i32
      %parallel_loop3A_141 = vector.broadcast %parallel_loop3A_140 : i32 to vector<16xi32>
      %parallel_loop3A_142 = arith.addi %iota3A, %parallel_loop3A_141 : vector<16xi32>
      %parallel_loop3A_143 = tpu.vector_load_idx %arg5[%parallel_loop3A_97, %parallel_loop3A_142] : memref<128x200xi32, #tpu.memory_space<vmem>>[vector<16xi32>, vector<16xi32>], vector<16xi32>,
      %parallel_loop3A_144 = tpu.memref_slice %arg7[%parallel_loop3A_100] : memref<16384xf32, #tpu.memory_space<vmem>> -> memref<128xf32, #tpu.memory_space<vmem>>
      tpu.vector_store_idx %parallel_loop3A_144[%parallel_loop3A_143], %broadcast_in_dim3A_3 {add = true} : memref<128xf32, #tpu.memory_space<vmem>>[vector<16xi32>], vector<16xf32>,
      %parallel_loop3A_145 = arith.constant 64 : i32
      %parallel_loop3A_146 = vector.broadcast %parallel_loop3A_145 : i32 to vector<16xi32>
      %parallel_loop3A_147 = arith.addi %iota3A, %parallel_loop3A_146 : vector<16xi32>
      %parallel_loop3A_148 = tpu.vector_load_idx %arg5[%parallel_loop3A_97, %parallel_loop3A_147] : memref<128x200xi32, #tpu.memory_space<vmem>>[vector<16xi32>, vector<16xi32>], vector<16xi32>,
      %parallel_loop3A_149 = tpu.memref_slice %arg7[%parallel_loop3A_100] : memref<16384xf32, #tpu.memory_space<vmem>> -> memref<128xf32, #tpu.memory_space<vmem>>
      tpu.vector_store_idx %parallel_loop3A_149[%parallel_loop3A_148], %broadcast_in_dim3A_3 {add = true} : memref<128xf32, #tpu.memory_space<vmem>>[vector<16xi32>], vector<16xf32>,
      %parallel_loop3A_150 = arith.constant 80 : i32
      %parallel_loop3A_151 = vector.broadcast %parallel_loop3A_150 : i32 to vector<16xi32>
      %parallel_loop3A_152 = arith.addi %iota3A, %parallel_loop3A_151 : vector<16xi32>
      %parallel_loop3A_153 = tpu.vector_load_idx %arg5[%parallel_loop3A_97, %parallel_loop3A_152] : memref<128x200xi32, #tpu.memory_space<vmem>>[vector<16xi32>, vector<16xi32>], vector<16xi32>,
      %parallel_loop3A_154 = tpu.memref_slice %arg7[%parallel_loop3A_100] : memref<16384xf32, #tpu.memory_space<vmem>> -> memref<128xf32, #tpu.memory_space<vmem>>
      tpu.vector_store_idx %parallel_loop3A_154[%parallel_loop3A_153], %broadcast_in_dim3A_3 {add = true} : memref<128xf32, #tpu.memory_space<vmem>>[vector<16xi32>], vector<16xf32>,
      %parallel_loop3A_155 = arith.constant 96 : i32
      %parallel_loop3A_156 = vector.broadcast %parallel_loop3A_155 : i32 to vector<16xi32>
      %parallel_loop3A_157 = arith.addi %iota3A, %parallel_loop3A_156 : vector<16xi32>
      %parallel_loop3A_158 = tpu.vector_load_idx %arg5[%parallel_loop3A_97, %parallel_loop3A_157] : memref<128x200xi32, #tpu.memory_space<vmem>>[vector<16xi32>, vector<16xi32>], vector<16xi32>,
      %parallel_loop3A_159 = tpu.memref_slice %arg7[%parallel_loop3A_100] : memref<16384xf32, #tpu.memory_space<vmem>> -> memref<128xf32, #tpu.memory_space<vmem>>
      tpu.vector_store_idx %parallel_loop3A_159[%parallel_loop3A_158], %broadcast_in_dim3A_3 {add = true} : memref<128xf32, #tpu.memory_space<vmem>>[vector<16xi32>], vector<16xf32>,
      %parallel_loop3A_160 = arith.constant 112 : i32
      %parallel_loop3A_161 = vector.broadcast %parallel_loop3A_160 : i32 to vector<16xi32>
      %parallel_loop3A_162 = arith.addi %iota3A, %parallel_loop3A_161 : vector<16xi32>
      %parallel_loop3A_163 = tpu.vector_load_idx %arg5[%parallel_loop3A_97, %parallel_loop3A_162] : memref<128x200xi32, #tpu.memory_space<vmem>>[vector<16xi32>, vector<16xi32>], vector<16xi32>,
      %parallel_loop3A_164 = tpu.memref_slice %arg7[%parallel_loop3A_100] : memref<16384xf32, #tpu.memory_space<vmem>> -> memref<128xf32, #tpu.memory_space<vmem>>
      tpu.vector_store_idx %parallel_loop3A_164[%parallel_loop3A_163], %broadcast_in_dim3A_3 {add = true} : memref<128xf32, #tpu.memory_space<vmem>>[vector<16xi32>], vector<16xf32>,
      %parallel_loop3A_165 = arith.constant 128 : i32
      %parallel_loop3A_166 = vector.broadcast %parallel_loop3A_165 : i32 to vector<16xi32>
      %parallel_loop3A_167 = arith.addi %iota3A, %parallel_loop3A_166 : vector<16xi32>
      %parallel_loop3A_168 = tpu.vector_load_idx %arg5[%parallel_loop3A_97, %parallel_loop3A_167] : memref<128x200xi32, #tpu.memory_space<vmem>>[vector<16xi32>, vector<16xi32>], vector<16xi32>,
      %parallel_loop3A_169 = tpu.memref_slice %arg7[%parallel_loop3A_100] : memref<16384xf32, #tpu.memory_space<vmem>> -> memref<128xf32, #tpu.memory_space<vmem>>
      tpu.vector_store_idx %parallel_loop3A_169[%parallel_loop3A_168], %broadcast_in_dim3A_3 {add = true} : memref<128xf32, #tpu.memory_space<vmem>>[vector<16xi32>], vector<16xf32>,
      %parallel_loop3A_170 = arith.constant 144 : i32
      %parallel_loop3A_171 = vector.broadcast %parallel_loop3A_170 : i32 to vector<16xi32>
      %parallel_loop3A_172 = arith.addi %iota3A, %parallel_loop3A_171 : vector<16xi32>
      %parallel_loop3A_173 = tpu.vector_load_idx %arg5[%parallel_loop3A_97, %parallel_loop3A_172] : memref<128x200xi32, #tpu.memory_space<vmem>>[vector<16xi32>, vector<16xi32>], vector<16xi32>,
      %parallel_loop3A_174 = tpu.memref_slice %arg7[%parallel_loop3A_100] : memref<16384xf32, #tpu.memory_space<vmem>> -> memref<128xf32, #tpu.memory_space<vmem>>
      tpu.vector_store_idx %parallel_loop3A_174[%parallel_loop3A_173], %broadcast_in_dim3A_3 {add = true} : memref<128xf32, #tpu.memory_space<vmem>>[vector<16xi32>], vector<16xf32>,
      %parallel_loop3A_175 = arith.constant 160 : i32
      %parallel_loop3A_176 = vector.broadcast %parallel_loop3A_175 : i32 to vector<16xi32>
      %parallel_loop3A_177 = arith.addi %iota3A, %parallel_loop3A_176 : vector<16xi32>
      %parallel_loop3A_178 = tpu.vector_load_idx %arg5[%parallel_loop3A_97, %parallel_loop3A_177] : memref<128x200xi32, #tpu.memory_space<vmem>>[vector<16xi32>, vector<16xi32>], vector<16xi32>,
      %parallel_loop3A_179 = tpu.memref_slice %arg7[%parallel_loop3A_100] : memref<16384xf32, #tpu.memory_space<vmem>> -> memref<128xf32, #tpu.memory_space<vmem>>
      tpu.vector_store_idx %parallel_loop3A_179[%parallel_loop3A_178], %broadcast_in_dim3A_3 {add = true} : memref<128xf32, #tpu.memory_space<vmem>>[vector<16xi32>], vector<16xf32>,
      %parallel_loop3A_180 = arith.constant 176 : i32
      %parallel_loop3A_181 = vector.broadcast %parallel_loop3A_180 : i32 to vector<16xi32>
      %parallel_loop3A_182 = arith.addi %iota3A, %parallel_loop3A_181 : vector<16xi32>
      %parallel_loop3A_183 = tpu.vector_load_idx %arg5[%parallel_loop3A_97, %parallel_loop3A_182] : memref<128x200xi32, #tpu.memory_space<vmem>>[vector<16xi32>, vector<16xi32>], vector<16xi32>,
      %parallel_loop3A_184 = tpu.memref_slice %arg7[%parallel_loop3A_100] : memref<16384xf32, #tpu.memory_space<vmem>> -> memref<128xf32, #tpu.memory_space<vmem>>
      tpu.vector_store_idx %parallel_loop3A_184[%parallel_loop3A_183], %broadcast_in_dim3A_3 {add = true} : memref<128xf32, #tpu.memory_space<vmem>>[vector<16xi32>], vector<16xf32>,
      %parallel_loop3A_185 = arith.constant 184 : i32
      %parallel_loop3A_186 = vector.broadcast %parallel_loop3A_185 : i32 to vector<16xi32>
      %parallel_loop3A_187 = arith.addi %iota3A, %parallel_loop3A_186 : vector<16xi32>
      %parallel_loop3A_188 = tpu.vector_load_idx %arg5[%parallel_loop3A_97, %parallel_loop3A_187] : memref<128x200xi32, #tpu.memory_space<vmem>>[vector<16xi32>, vector<16xi32>], vector<16xi32>,
      %parallel_loop3A_189 = tpu.memref_slice %arg7[%parallel_loop3A_100] : memref<16384xf32, #tpu.memory_space<vmem>> -> memref<128xf32, #tpu.memory_space<vmem>>
      tpu.vector_store_idx %parallel_loop3A_189[%parallel_loop3A_188], %broadcast_in_dim3A_3 masked %ge3A_7 {add = true} : memref<128xf32, #tpu.memory_space<vmem>>[vector<16xi32>], vector<16xf32>, vector<16xi1>
    } {sc.loop_unroll_factor = 2 : i64, sc.parallel_access}
    %add3A_85 = arith.constant 384 : i32
    %add3A_86 = arith.addi %mul3A_2, %add3A_85 : i32
    %mul3A_87 = arith.constant 128 : i32
    %mul3A_88 = arith.muli %add3A_86, %mul3A_87 : i32
    %multiple_of3A_89 = tpu.assume_multiple %mul3A_88, 8 : i32
    %dma_start3A_90 = tpu.memref_slice %arg3[%multiple_of3A_89] : memref<2097152xf32, #tpu.memory_space<hbm>> -> memref<16384xf32, #tpu.memory_space<hbm>>
    %dma_start3A_91 = tpu.memref_slice %arg3[%multiple_of3A_89] : memref<2097152xf32, #tpu.memory_space<hbm>> -> memref<16384xf32, #tpu.memory_space<hbm>>
    tpu.enqueue_dma source(%arg7 : memref<16384xf32, #tpu.memory_space<vmem>>) target(%dma_start3A_91 : memref<16384xf32, #tpu.memory_space<hbm>>) target_semaphore(%arg11 : memref<!tpu.dma_semaphore, #tpu.memory_space<semaphore_mem>>)
    %dma_wait3A_92 = tpu.memref_slice %arg3[%multiple_of3A_73] : memref<2097152xf32, #tpu.memory_space<hbm>> -> memref<16384xf32, #tpu.memory_space<hbm>>
    %dma_wait3A_93 = tpu.memref_slice %arg3[%multiple_of3A_73] : memref<2097152xf32, #tpu.memory_space<hbm>> -> memref<16384xf32, #tpu.memory_space<hbm>>
    tpu.wait_dma2 semaphore(%arg10 : memref<!tpu.dma_semaphore, #tpu.memory_space<semaphore_mem>>) src(%arg6 : memref<16384xf32, #tpu.memory_space<vmem>>) dst(%dma_wait3A_93 : memref<16384xf32, #tpu.memory_space<hbm>>)
    %dma_wait3A_94 = tpu.memref_slice %arg3[%multiple_of3A_89] : memref<2097152xf32, #tpu.memory_space<hbm>> -> memref<16384xf32, #tpu.memory_space<hbm>>
    %dma_wait3A_95 = tpu.memref_slice %arg3[%multiple_of3A_89] : memref<2097152xf32, #tpu.memory_space<hbm>> -> memref<16384xf32, #tpu.memory_space<hbm>>
    tpu.wait_dma2 semaphore(%arg11 : memref<!tpu.dma_semaphore, #tpu.memory_space<semaphore_mem>>) src(%arg7 : memref<16384xf32, #tpu.memory_space<vmem>>) dst(%dma_wait3A_95 : memref<16384xf32, #tpu.memory_space<hbm>>)
    return
  }
}

module attributes {stable_mosaic.version = 14 : i64} {
  func.func @_matmul_kernel(%arg0: i32, %arg1: memref<8192x128xf32, #tpu.memory_space<vmem>>, %arg2: memref<256x128xbf16, #tpu.memory_space<vmem>>, %arg3: memref<8192x128xf32, #tpu.memory_space<vmem>>) attributes {dimension_semantics = [#tpu.dimension_semantics<arbitrary>], iteration_bounds = array<i64: 2>, scalar_prefetch = 0 : i64, scratch_operands = 0 : i64, tpu.core_type = #tpu.core_type<tc>, window_params = [{transform_indices = @transform_0, window_bounds = array<i64: 8192, 128>}, {pipeline_mode = #tpu.pipeline_mode<synchronous>, transform_indices = @transform_1, window_bounds = array<i64: 256, 128>}, {transform_indices = @transform_2, window_bounds = array<i64: 8192, 128>}]} {
    %get3A = arith.constant 0 : index
    %get3A_0 = arith.constant 0 : index
    %get3A_1 = vector.load %arg1[%get3A, %get3A_0] : memref<8192x128xf32, #tpu.memory_space<vmem>>, vector<8192x128xf32>
    %convert_element_type3A = arith.truncf %get3A_1 : vector<8192x128xf32> to vector<8192x128xbf16>
    %concatenate3A = tpu.concatenate %convert_element_type3A, %convert_element_type3A in 1 : vector<8192x128xbf16>, vector<8192x128xbf16> -> vector<8192x256xbf16>
    %get3A_2 = arith.constant 0 : index
    %get3A_3 = arith.constant 0 : index
    %get3A_4 = vector.load %arg2[%get3A_2, %get3A_3] : memref<256x128xbf16, #tpu.memory_space<vmem>>, vector<256x128xbf16>
    %dot_general3A = arith.constant dense<0.000000e+00> : vector<8192x128xf32>
    %dot_general3A_5 = tpu.matmul %concatenate3A, %get3A_4, %dot_general3A {dimension_numbers = #tpu.dot_dimension_numbers<[1], [0], [0], [1], [0, 0, 1, 1], [], []>, transpose_lhs_hint = false} : vector<8192x256xbf16>, vector<256x128xbf16>, vector<8192x128xf32> -> vector<8192x128xf32>
    %mul3A = arith.constant 5.000000e-03 : f32
    %mul3A_6 = vector.broadcast %mul3A : f32 to vector<8192x128xf32>
    %mul3A_7 = arith.mulf %dot_general3A_5, %mul3A_6 : vector<8192x128xf32>
    %swap3A = arith.constant 0 : index
    %swap3A_8 = arith.constant 0 : index
    %swap3A_9 = vector.load %arg3[%swap3A, %swap3A_8] : memref<8192x128xf32, #tpu.memory_space<vmem>>, vector<8192x128xf32>
    tpu.vector_store %arg3[%swap3A, %swap3A_8], %mul3A_7 {strides = array<i32>} : memref<8192x128xf32, #tpu.memory_space<vmem>>, vector<8192x128xf32>,
    return
  }
  func.func @transform_0(%arg0: i32) -> (i32, i32) {
    %c0_i32 = arith.constant 0 : i32
    %c0_i32_0 = arith.constant 0 : i32
    return %arg0, %c0_i32 : i32, i32
  }
  func.func @transform_1(%arg0: i32) -> (i32, i32) {
    %c0_i32 = arith.constant 0 : i32
    %c0_i32_0 = arith.constant 0 : i32
    %c0_i32_1 = arith.constant 0 : i32
    return %c0_i32, %c0_i32_0 : i32, i32
  }
  func.func @transform_2(%arg0: i32) -> (i32, i32) {
    %c0_i32 = arith.constant 0 : i32
    %c0_i32_0 = arith.constant 0 : i32
    return %arg0, %c0_i32 : i32, i32
  }
}

</mosaic_0001>

<sc_bundles>
// kernel: kernel.4.cloned.1.call-start
scs
__scs_entry_jumppad:
0x0: {  	(pc) =	sbr.rel $0x88, $3  }
0x1: {  	(tag) =	ssettag $0x0;
	lr =	simm.s32 $0x1  }
0x2: {  	[smem:$0x3F9F] =	sst lr;
	_ =	strace $0xD0000000  }
0x3: {  	_ = 	snop  }
0x4: {  	_ = 	snop  }
0x5: {  	_ = 	snop  }
0x6: {  	_ = 	snop  }
0x7: {  	_ = 	snop  }
__scs_overlays_trampoline_lowered:
0x8: {  	[smem:$0x3FAE] =	sst s0  }
0x9: {  	[smem:$0x3FAF] =	sst s1  }
0xa: {  	[smem:$0x3FB0] =	sst s2  }
0xb: {  	[smem:$0x3FB1] =	sst s3  }
0xc: {  	[smem:$0x3FB2] =	sst s4  }
0xd: {  	[smem:$0x3FB3] =	sst s5  }
0xe: {  	[smem:$0x3FB4] =	sst s6  }
0xf: {  	[smem:$0x3FB5] =	sst s7  }
0x10: {  	[smem:$0x3FB6] =	sst s8  }
0x11: {  	[smem:$0x3FB7] =	sst s9;
	s0 =	simm.s32 @!p0 $0x0  }
0x12: {  	s1 =	sld [smem:$0x3F9D];
	s0 =	simm.s32 @p0 $0x1  }
0x13: {  	[smem:$0x3FB8] =	sst s0;
	s0 =	simm.s32 @!p1 $0x0  }
0x14: {  	s2 =	sld [smem:$0x3F9C];
	s0 =	simm.s32 @p1 $0x1  }
0x15: {  	[smem:$0x3FB9] =	sst s0;
	s0 =	simm.s32 @!p2 $0x0  }
0x16: {  	s3 =	sld [smem:$0x3FDB];
	s0 =	simm.s32 @p2 $0x1  }
0x17: {  	s4 =	simm.s32 $0x1BF5;
	[smem:$0x3FBB] =	sst s0  }
0x18: {  	s0 =	sld [smem:$0x3F9E];
	_ =	swait.ge [sflag:s4], $0x0  }
0x19: {  	s7 =	sld [smem:$0x3F9F]  }
0x1a: {  	s8 =	sadd.s32 $0xFFFFE003, lr  }
0x1b: {  	s9 =	sadd.s32 $0xFFFFFEF7, lr;
	s5 =	simm.s32 $0xFFFFFFFF;
	p2 =	slt.u32 s8, $0xFFFFF086  }
0x1c: {  	p1 =	slt.u32 s9, $0xF7A;
	s5 =	simm.s32 @!p2 $0x0  }
0x1d: {  	s5 =	simm.s32 @p1 $0x1;
	p0 =	seq.s32 s7, s2  }
0x1e: {  	s7 =	smul.u32 @!p0 $0xF7A, s2;
	p2 =	seq.s32 @!p0 s5, $0x0  }
0x1f: {  	s9 =	smul.u32 $0xF7A, s1;
	s8 =	simm.s32 @!p0 $0x1BF5;
	p2 =	por !p2, p0  }
0x20: {  	[sflag:s8] =	ssyncset.s32 @!p0 $0xFFFFF086;
	s6 =	sadd.s32 @!p0 s3, s7;
	s7 =	simm.s32 @!p0 $0x108  }
0x21: {  	s3 =	sadd.s32 s3, s9;
	s6 =	sadd.s32 @!p0 $0x88, s6;
	s7 =	simm.s32 @p2 $0x1082  }
0x22: {  	[simem:s7], [sflag:s8] =	dma.local @!p0 [hbm:s6], $0xF7A  }
0x23: {  	s9 =	sor.u32 $0xD0000000, s2;
	s6 =	simm.s32 $0x108;
	_ =	swait.ge @!p0 [sflag:s8], $0x0  }
0x24: {  	s3 =	sadd.s32 $0x88, s3;
	s6 =	simm.s32 @!p1 $0x1082;
	[sflag:s4] =	ssyncset.s32 $0xFFFFF086  }
0x25: {  	[simem:s6], [sflag:s4] =	dma.local [hbm:s3], $0xF7A  }
0x26: {  	[smem:$0x3F9F] =	sst s1;
	(tag) =	ssettag s2;
	_ =	strace s9  }
0x27: {  	s1 =	sld [smem:$0x3FAF]  }
0x28: {  	s2 =	sld [smem:$0x3FB0]  }
0x29: {  	s4 =	sld [smem:$0x3FB2]  }
0x2a: {  	p0 =	seq.s32 s5, $0x0;
	s5 =	sld [smem:$0x3FB3]  }
0x2b: {  	s6 =	sld [smem:$0x3FB4]  }
0x2c: {  	s7 =	sld [smem:$0x3FB5]  }
0x2d: {  	s3 =	simm.s32 $0x108;
	s8 =	sld [smem:$0x3FB6]  }
0x2e: {  	s3 =	simm.s32 @!p0 $0x1082;
	s9 =	sld [smem:$0x3FB7]  }
0x2f: {  	lr =	sadd.s32 s0, s3;
	s0 =	sld [smem:$0x3FAE]  }
0x30: {  	s3 =	sld [smem:$0x3FB1]  }
0x31: {  	[smem:$0x3FBA] =	sst s10  }
0x32: {  	s10 =	sld [smem:$0x3FB8];
	_ =	sdelay $0x3  }
0x33: {  	p0 =	seq.s32 s10, $0x1;
	s10 =	sld [smem:$0x3FBA];
	_ =	sdelay $0x3  }
0x34: {  	[smem:$0x3FBA] =	sst s10  }
0x35: {  	s10 =	sld [smem:$0x3FB9];
	_ =	sdelay $0x3  }
0x36: {  	p1 =	seq.s32 s10, $0x1;
	s10 =	sld [smem:$0x3FBA];
	_ =	sdelay $0x3  }
0x37: {  	[smem:$0x3FBA] =	sst s10  }
0x38: {  	s10 =	sld [smem:$0x3FBB]  }
0x39: {  	_ = 	snop;
	(pc) =	sbr.ind lr, $3  }
0x3a: {  	_ = 	snop  }
0x3b: {  	_ = 	snop  }
0x3c: {  	p2 =	seq.s32 s10, $0x1;
	s10 =	sld [smem:$0x3FBA]  }
0x3d: {  	_ =	shalt  }
0x3e: {  	_ =	shalt  }
0x3f: {  	_ =	shalt  }
0x40: {  	_ =	shalt  }
0x41: {  	_ =	shalt  }
0x42: {  	_ =	shalt  }
0x43: {  	_ =	shalt  }
0x44: {  	_ =	shalt  }
0x45: {  	_ =	shalt  }
0x46: {  	_ =	shalt  }
0x47: {  	_ =	shalt  }
0x48: {  	_ =	shalt  }
0x49: {  	_ =	shalt  }
0x4a: {  	_ =	shalt  }
0x4b: {  	_ =	shalt  }
0x4c: {  	_ =	shalt  }
0x4d: {  	_ =	shalt  }
0x4e: {  	_ =	shalt  }
0x4f: {  	_ =	shalt  }
0x50: {  	_ =	shalt  }
0x51: {  	_ =	shalt  }
0x52: {  	_ =	shalt  }
0x53: {  	_ =	shalt  }
0x54: {  	_ =	shalt  }
0x55: {  	_ =	shalt  }
0x56: {  	_ =	shalt  }
0x57: {  	_ =	shalt  }
0x58: {  	_ =	shalt  }
0x59: {  	_ =	shalt  }
0x5a: {  	_ =	shalt  }
0x5b: {  	_ =	shalt  }
0x5c: {  	_ =	shalt  }
0x5d: {  	_ =	shalt  }
0x5e: {  	_ =	shalt  }
0x5f: {  	_ =	shalt  }
0x60: {  	_ =	shalt  }
0x61: {  	_ =	shalt  }
0x62: {  	_ =	shalt  }
0x63: {  	_ =	shalt  }
0x64: {  	_ =	shalt  }
0x65: {  	_ =	shalt  }
0x66: {  	_ =	shalt  }
0x67: {  	_ =	shalt  }
0x68: {  	_ =	shalt  }
0x69: {  	_ =	shalt  }
0x6a: {  	_ =	shalt  }
0x6b: {  	_ =	shalt  }
0x6c: {  	_ =	shalt  }
0x6d: {  	_ =	shalt  }
0x6e: {  	_ =	shalt  }
0x6f: {  	_ =	shalt  }
0x70: {  	_ =	shalt  }
0x71: {  	_ =	shalt  }
0x72: {  	_ =	shalt  }
0x73: {  	_ =	shalt  }
0x74: {  	_ =	shalt  }
0x75: {  	_ =	shalt  }
0x76: {  	_ =	shalt  }
0x77: {  	_ =	shalt  }
0x78: {  	_ =	shalt  }
0x79: {  	_ =	shalt  }
0x7a: {  	_ =	shalt  }
0x7b: {  	_ =	shalt  }
0x7c: {  	_ =	shalt  }
0x7d: {  	_ =	shalt  }
0x7e: {  	_ =	shalt  }
0x7f: {  	_ =	shalt  }
0x80: {  	_ =	shalt  }
0x81: {  	_ =	shalt  }
0x82: {  	_ =	shalt  }
0x83: {  	_ =	shalt  }
0x84: {  	_ =	shalt  }
0x85: {  	_ =	shalt  }
0x86: {  	_ =	shalt  }
0x87: {  	_ =	shalt  }
.Lfunc_end0:
.L_simem_size_0:
called_computation_lowered:
.L_overlay_start_0:
0x88: {  	s2 =	sld [smem:$0x3FD9]  }
0x89: {  	s3 =	sld [smem:$0x3FFE];
	_ =	sdelay $0x1  }
0x8a: {  	s1 =	srdreg.scid  }
0x8b: {  	s0 =	sand.u32 $0x1, s1  }
0x8c: {  	s17 =	sshll.u32 s0, $0xA;
	s2 =	sadd.s32 s3, s2  }
0x8d: {  	s2 =	sadd.s32 s2, s17  }
0x8e: {  	[smem:$0x3FC6] =	sst s2  }
0x8f: {  	_ = 	snop  }
0x90: {  	s2 =	sld [smem:$0x3FD0];
	(tm) =	ssettm $0x1  }
0x91: {  	s18 =	sld [smem:$0x3FFB];
	_ =	sdelay $0x3  }
0x92: {  	_ =	strace s18  }
0x93: {  	s3 =	sld [smem:$0x3FFC];
	_ =	sdelay $0x3  }
0x94: {  	_ =	strace s3  }
0x95: {  	s3 =	sld [smem:$0x3FFD];
	_ =	sdelay $0x3  }
0x96: {  	_ =	strace s3  }
0x97: {  	_ =	strace $0x8FFFFFFF  }
0x98: {  	s19 =	sld [smem:$0x3FDB];
	_ =	sdelay $0x1  }
0x99: {  	s4 =	simm.s32 $_scs_section_size  }
0x9a: {  	s5 =	simm.s32 $_size__tile_overlayer_lowered;
	s6 =	simm.s32 $_tile_overlayer_lowered  }
0x9b: {  	s22 =	simm.s32 $0x1BFF;
	s21 =	sshll.u32 s6, $0x1;
	s3 =	sadd.s32 s4, s19  }
0x9c: {  	s7 =	simm.s32 $0x0;
	s20 =	sshll.u32 s5, $0x1;
	s5 =	sadd.s32 s21, s3  }
0x9d: {  	[timem:s7], [sflag:s22] =	dma.local [hbm:s5], s20  }
0x9e: {  	_ =	swait.ge [sflag:s22], s20  }
0x9f: {  	s4 =	ssub.s32 $0x0, s20;
	[sflag:s22] =	ssyncset.done $0x0  }
0xa0: {  	[sflag:s22] =	ssyncadd.s32 s4;
	_ =	sdelay $0x1  }
0xa1: {  	s23 =	simm.s32 $0x1B8B  }
0xa2: {  	_ =	swait.ge [sflag:s23], $0x1  }
0xa3: {  	[sflag:s23] =	ssyncset.done $0x0  }
0xa4: {  	s25 =	simm.s32 $0x1B8E;
	s24 =	sld [smem:$0x3FFE];
	[sflag:s23] =	ssyncadd.s32 $0xFFFFFFFF  }
0xa5: {  	s26 =	simm.s32 $execute0_lowered;
	[smem:$0x3FD2] =	sst s25  }
0xa6: {  	s5 =	sshll.u32 s26, $0x1;
	_ =	strace $0x80000046;
	[dreg:$0x1] =	wrdreg $0xFFFFFFFF  }
0xa7: {  	s28 =	simm.s32 $_size_execute0_lowered;
	s3 =	sadd.s32 s3, s5;
	[dreg:$0x0] =	wrdreg $0x0  }
0xa8: {  	s5 =	sshll.u32 s28, $0x1;
	[dreg:$0x2] =	wrdreg s3  }
0xa9: {  	[dreg:$0x3] =	wrdreg s5  }
0xaa: {  	[dreg:$0x4] =	wrdreg $0xC0  }
0xab: {  	_ =	task [dreg:s7], $0x5FFFF  }
0xac: {  	[dreg:$0x1] =	wrdreg $0xFFFFFFFF  }
0xad: {  	[dreg:$0x0] =	wrdreg $0x60  }
0xae: {  	[dreg:$0x2] =	wrdreg s24  }
0xaf: {  	[dreg:$0x3] =	wrdreg s2  }
0xb0: {  	[dreg:$0x4] =	wrdreg $0x9  }
0xb1: {  	_ =	task.clear_ibuf [dreg:s7], $0x5FFFF;
	_ =	strace $0x90000046  }
0xb2: {  	s29 =	simm.s32 $0x9;
	_ =	strace $0x80000048  }
0xb3: {  	_ =	swait.ge [sflag:s29], $0x1  }
0xb4: {  	[sflag:s29] =	ssyncadd.s32 $0xFFFFFFFF  }
0xb5: {  	_ =	strace $0x90000048  }
0xb6: {  	_ =	sfence  }
0xb7: {  	s30 =	sld [smem:$0x0];
	_ =	sdelay $0x2  }
0xb8: {  	s31 =	sshll.u32 s1, $0xD;
	s1 =	sshrl.u32 s1, $0x2  }
0xb9: {  	s3 =	sand.u32 $0x4000, s31;
	s1 =	sadd.s32 s1, s30  }
0xba: {  	s0 =	sor.u32 s3, s0;
	s1 =	sshll.u32 s1, $0x11  }
0xbb: {  	s0 =	sor.u32 s1, s0  }
0xbc: {  	s0 =	sadd.s32 $0x8F2B, s0  }
0xbd: {  	[sflag:s0] =	ssyncadd.remote.s32 $0x1  }
0xbe: {  	_ =	sfence.sel $0xFFFF  }
0xbf: {  	[dreg:$0x0] =	wrdreg $0xFFFFFFFF;
	(pc) =	sbr.abs _section_cstart, $3  }
0xc0: {  	[dreg:$0x1] =	wrdreg $0xFFFFFFFF  }
0xc1: {  	_ =	task.clear_ibuf [dreg:s7], $0x2FFFF;
	_ =	strace $0x9FFFFFFF  }
0xc2: {  	(tm) =	ssettm $0x7FFFFFFF  }
0xc3: {  	_ =	shalt  }
tec
execute0_lowered:
.L_overlay_start_1:
0x0: {  	(tag) =	ssettag $0x1  }
0x1: {  	s3 =	rddreg [dreg:$0x0]  }
0x2: {  	s10 =	rddreg [dreg:$0x1]  }
0x3: {  	s0 =	rddreg [dreg:$0x2];
	s2 =	simm.s32 $0x0;
	s4 =	srdreg.scid  }
0x4: {  	s1 =	stileid.u32;
	s15 =	simm.s32 $0x2;
	s16 =	simm.s32 $0x14000  }
0x5: {  	s17 =	simm.s32 $0x3;
	s18 =	simm.s32 $0x4;
	s19 =	simm.s32 $0x0  }
0x6: {  	[smem:$0x7FF] =	sst s2;
	s4 =	sand.u32 $0x1, s4;
	s5 =	sshll.u32 s1, $0x1  }
0x7: {  	s8 =	sadd.s32 $0xA00, s3;
	s5 =	sor.u32 s4, s5;
	s29 =	ssub.s32 $0x2, s4  }
0x8: {  	_ =	strace $0x80000047;
	s9 =	sshll.u32 s5, $0x9;
	s4 =	sshrl.u32 s29, $0x1  }
0x9: {  	s6 =	sshll.u32 s5, $0xE;
	s5 =	sshll.u32 s5, $0xD;
	s7 =	sor.u32 $0x80, s9  }
0xa: {  	s11 =	ssub.s32 s29, s4;
	s3 =	sadd.s32 s8, s6;
	s12 =	sor.u32 $0x100, s9  }
0xb: {  	v0 =	vlaneseq.u32;
	s5 =	sadd.s32 s10, s5;
	s9 =	sor.u32 $0x180, s9;
	s30 =	sshll.u32 s7, $0x5  }
0xc: {  	v1 =	vimm.f32 $0.0e+00;
	v2 =	vimm.f32 $1.000000000e+00;
	vm0 =	vcmask $0x3F20;
	s31 =	sshll.u32 s12, $0x5;
	s7 =	sshll.u32 s7, $0x4;
	s13 =	sshll.u32 s9, $0x5  }
0xd: {  	v3 =	vor.u32 $0x10, v0;
	v4 =	vor.u32 $0x20, v0;
	v5 =	vor.u32 $0x30, v0;
	s12 =	sshll.u32 s12, $0x4;
	s14 =	sshll.u32 s9, $0x4;
	s11 =	smax.u32 s11, $0x1  }
0xe: {  	v6 =	vor.u32 $0x40, v0;
	v7 =	vor.u32 $0x50, v0;
	v8 =	vor.u32 $0x60, v0;
	s4 =	sadd.s32 s8, s30;
	s6 =	sadd.s32 s8, s31;
	s7 =	sadd.s32 s10, s7  }
0xf: {  	v9 =	vor.u32 $0x70, v0;
	v10 =	vor.u32 $0x400, v0;
	v11 =	vor.u32 $0x410, v0;
	s8 =	sadd.s32 s8, s13;
	s9 =	sadd.s32 s10, s12;
	s10 =	sadd.s32 s10, s14  }
0x10: {  	v12 =	vor.u32 $0x420, v0;
	v13 =	vor.u32 $0x430, v0;
	v14 =	vadd.s32 $0x438, v0;
	s12 =	simm.s32 $0x8000;
	s13 =	simm.s32 $0x1;
	s14 =	simm.s32 $0x10000  }
.LBB2_1:
0x11: {  	[tilespmem:s2], [sflag:$0x1] =	stream.linear.gather [hbm4b:s3+s2], $0x8000, $0x38;
	[tilespmem:$0x18000] =	vst v63  }
0x12: {  	_ = 	snop  }
0x13: {  	[tilespmem:s12], [sflag:$0x2] =	stream.linear.gather [hbm4b:s4+s2], $0x8000, $0x38;
	[tilespmem:$0x18000] =	vst v63  }
0x14: {  	_ =	swait.ge [sflag:s13], $0x8000  }
0x15: {  	s21 =	simm.s32 $0x1;
	[sflag:s13] =	ssyncset.done $0x0  }
0x16: {  	s20 =	simm.s32 $0x10080;
	v15 =	vmov s21;
	[sflag:s13] =	ssyncadd.s32 $0xFFFF8000  }
0x17: {  	v16 =	vshll.u32 v15, $0x8;
	v15 =	vshll.u32 v15, $0x7;
	[tilespmem:s20+$0x60] =	vst v1  }
0x18: {  	v16 =	vand.u32 $0x7800, v16;
	v15 =	vand.u32 $0x380, v15;
	[tilespmem:s20+$0x50] =	vst v1  }
0x19: {  	v21 =	vor.u32 v15, v16;
	[tilespmem:s20+$0x40] =	vst v1  }
0x1a: {  	v15 =	vor.u32 v0, v21;
	[tilespmem:s20+$0x30] =	vst v1  }
0x1b: {  	[tilespmem:s20+$0x70] =	vst v1  }
0x1c: {  	[tilespmem:s20+$0x20] =	vst v1  }
0x1d: {  	[tilespmem:s20+$0x10] =	vst v1  }
0x1e: {  	[tilespmem:s20+$0x0] =	vst v1  }
0x1f: {  	v15 =	vld.idx.msk [tilespmem:v15+s2+$0x0], $0xffff;
	_ =	sdelay $0x3  }
0x20: {  	v16 =	vor.u32 v3, v21;
	_ =	sdelay $0x3  }
0x21: {  	[tilespmem:v15+s20+$0x0] =	vst.idx.add.f32.msk $0xffff, v2  }
0x22: {  	v15 =	vld.idx.msk [tilespmem:v16+s2+$0x0], $0xffff;
	_ =	sdelay $0x3  }
0x23: {  	v16 =	vor.u32 v4, v21;
	_ =	sdelay $0x1  }
0x24: {  	[tilespmem:s20+$0xFFFFFFE0] =	vst v1  }
0x25: {  	[tilespmem:s20+$0xFFFFFFF0] =	vst v1  }
0x26: {  	[tilespmem:v15+s20+$0x0] =	vst.idx.add.f32.msk $0xffff, v2  }
0x27: {  	[tilespmem:s20+$0xFFFFFFD0] =	vst v1;
	v15 =	vld.idx.msk [tilespmem:v16+s2+$0x0], $0xffff  }
0x28: {  	s21 =	simm.s32 $0x10180;
	[tilespmem:s20+$0xFFFFFFA0] =	vst v1  }
0x29: {  	[tilespmem:s21+$0x60] =	vst v1  }
0x2a: {  	s22 =	simm.s32 $0x3;
	[tilespmem:s21+$0x50] =	vst v1  }
0x2b: {  	v17 =	vmov s22;
	[tilespmem:s21+$0x40] =	vst v1;
	v16 =	vor.u32 v5, v21  }
0x2c: {  	v18 =	vshll.u32 v17, $0x8;
	v17 =	vshll.u32 v17, $0x7;
	[tilespmem:s20+$0xFFFFFFC0] =	vst v1  }
0x2d: {  	v19 =	vmov s2;
	v18 =	vand.u32 $0x7800, v18;
	v17 =	vand.u32 $0x380, v17;
	[tilespmem:s20+$0xFFFFFFB0] =	vst v1  }
0x2e: {  	v20 =	vshll.u32 v19, $0x8;
	v19 =	vshll.u32 v19, $0x7;
	v17 =	vor.u32 v17, v18;
	[tilespmem:s21+$0x30] =	vst v1  }
0x2f: {  	v18 =	vand.u32 $0x300, v19;
	[tilespmem:v15+s20+$0x0] =	vst.idx.add.f32.msk $0xffff, v2;
	v15 =	vand.u32 $0x7800, v20;
	v20 =	vor.u32 v0, v17  }
0x30: {  	[tilespmem:s21+$0x70] =	vst v1;
	v16 =	vld.idx.msk [tilespmem:v16+s2+$0x0], $0xffff;
	v19 =	vor.u32 v18, v15  }
0x31: {  	[tilespmem:s21+$0x20] =	vst v1;
	v15 =	vor.u32 v0, v19  }
0x32: {  	[tilespmem:s21+$0x10] =	vst v1  }
0x33: {  	[tilespmem:s21+$0x0] =	vst v1  }
0x34: {  	[tilespmem:s20+$0xFFFFFF90] =	vst v1;
	v18 =	vor.u32 v6, v21;
	v20 =	vld.idx.msk [tilespmem:v20+s2+$0x0], $0xffff  }
0x35: {  	[tilespmem:s20+$0xFFFFFF80] =	vst v1  }
0x36: {  	v15 =	vld.idx.msk [tilespmem:v15+s2+$0x0], $0xffff;
	_ =	sdelay $0x1  }
0x37: {  	[tilespmem:v16+s20+$0x0] =	vst.idx.add.f32.msk $0xffff, v2;
	v16 =	vor.u32 v3, v17  }
0x38: {  	v18 =	vld.idx.msk [tilespmem:v18+s2+$0x0], $0xffff  }
0x39: {  	v22 =	vor.u32 v3, v19;
	_ =	sdelay $0x1  }
0x3a: {  	[tilespmem:v20+s21+$0x0] =	vst.idx.add.f32.msk $0xffff, v2  }
0x3b: {  	v20 =	vor.u32 v7, v21;
	v16 =	vld.idx.msk [tilespmem:v16+s2+$0x0], $0xffff  }
0x3c: {  	[tilespmem:v15+s20+$0xFFFFFF80] =	vst.idx.add.f32.msk $0xffff, v2  }
0x3d: {  	[tilespmem:s21+$0xFFFFFFE0] =	vst v1;
	v15 =	vld.idx.msk [tilespmem:v22+s2+$0x0], $0xffff  }
0x3e: {  	[tilespmem:s21+$0xFFFFFFF0] =	vst v1  }
0x3f: {  	[tilespmem:v18+s20+$0x0] =	vst.idx.add.f32.msk $0xffff, v2;
	v18 =	vor.u32 v4, v17  }
0x40: {  	[tilespmem:s21+$0xFFFFFFD0] =	vst v1;
	v20 =	vld.idx.msk [tilespmem:v20+s2+$0x0], $0xffff  }
0x41: {  	s22 =	simm.s32 $0x10280;
	[tilespmem:s21+$0xFFFFFFA0] =	vst v1;
	v22 =	vor.u32 v4, v19  }
0x42: {  	[tilespmem:s22+$0x60] =	vst v1  }
0x43: {  	[tilespmem:v16+s21+$0x0] =	vst.idx.add.f32.msk $0xffff, v2  }
0x44: {  	[tilespmem:s22+$0x50] =	vst v1;
	v16 =	vld.idx.msk [tilespmem:v18+s2+$0x0], $0xffff  }
0x45: {  	[tilespmem:v15+s20+$0xFFFFFF80] =	vst.idx.add.f32.msk $0xffff, v2  }
0x46: {  	[tilespmem:s22+$0x40] =	vst v1;
	v18 =	vld.idx.msk [tilespmem:v22+s2+$0x0], $0xffff  }
0x47: {  	s29 =	simm.s32 $0x5;
	[tilespmem:s21+$0xFFFFFFC0] =	vst v1  }
0x48: {  	s23 =	simm.s32 $0x2;
	v23 =	vmov s29;
	[tilespmem:v20+s20+$0x0] =	vst.idx.add.f32.msk $0xffff, v2;
	v20 =	vor.u32 v5, v17  }
0x49: {  	v25 =	vshll.u32 v23, $0x8;
	[tilespmem:s21+$0xFFFFFFB0] =	vst v1;
	v15 =	vmov s23  }
0x4a: {  	[tilespmem:s21+$0xFFFFFF90] =	vst v1;
	v24 =	vor.u32 v5, v19;
	v22 =	vshll.u32 v15, $0x8;
	v15 =	vshll.u32 v15, $0x7  }
0x4b: {  	v23 =	vshll.u32 v23, $0x7;
	[tilespmem:s21+$0xFFFFFF80] =	vst v1;
	v22 =	vand.u32 $0x7800, v22;
	v15 =	vand.u32 $0x300, v15  }
0x4c: {  	v23 =	vand.u32 $0x380, v23;
	v15 =	vor.u32 v15, v22;
	v22 =	vand.u32 $0x7800, v25;
	[tilespmem:v16+s21+$0x0] =	vst.idx.add.f32.msk $0xffff, v2  }
0x4d: {  	[tilespmem:s22+$0x30] =	vst v1;
	v25 =	vor.u32 v0, v15;
	v16 =	vor.u32 v23, v22;
	v20 =	vld.idx.msk [tilespmem:v20+s2+$0x0], $0xffff  }
0x4e: {  	v22 =	vor.u32 v0, v16;
	[tilespmem:v18+s20+$0xFFFFFF80] =	vst.idx.add.f32.msk $0xffff, v2  }
0x4f: {  	[tilespmem:s22+$0x70] =	vst v1;
	v18 =	vor.u32 v8, v21;
	v23 =	vld.idx.msk [tilespmem:v24+s2+$0x0], $0xffff  }
0x50: {  	[tilespmem:s22+$0x20] =	vst v1  }
0x51: {  	[tilespmem:s22+$0x10] =	vst v1;
	v24 =	vor.u32 v6, v17  }
0x52: {  	[tilespmem:s22+$0x0] =	vst v1;
	v25 =	vld.idx.msk [tilespmem:v25+s2+$0x0], $0xffff  }
0x53: {  	v26 =	vor.u32 v6, v19;
	v22 =	vld.idx.msk [tilespmem:v22+s2+$0x0], $0xffff  }
0x54: {  	v18 =	vld.idx.msk [tilespmem:v18+s2+$0x0], $0xffff  }
0x55: {  	[tilespmem:v20+s21+$0x0] =	vst.idx.add.f32.msk $0xffff, v2  }
0x56: {  	v20 =	vld.idx.msk [tilespmem:v24+s2+$0x0], $0xffff  }
0x57: {  	[tilespmem:v23+s20+$0xFFFFFF80] =	vst.idx.add.f32.msk $0xffff, v2  }
0x58: {  	v23 =	vor.u32 v9, v21;
	v24 =	vld.idx.msk [tilespmem:v26+s2+$0x0], $0xffff;
	_ =	sdelay $0x1  }
0x59: {  	[tilespmem:v25+s21+$0xFFFFFF80] =	vst.idx.add.f32.msk $0xffff, v2;
	v25 =	vor.u32 v7, v17  }
0x5a: {  	[tilespmem:v22+s22+$0x0] =	vst.idx.add.f32.msk $0xffff, v2  }
0x5b: {  	v22 =	vor.u32 v7, v19;
	[tilespmem:v18+s20+$0x0] =	vst.idx.add.f32.msk $0xffff, v2  }
0x5c: {  	v18 =	vld.idx.msk [tilespmem:v23+s2+$0x0], $0xffff  }
0x5d: {  	[tilespmem:v20+s21+$0x0] =	vst.idx.add.f32.msk $0xffff, v2  }
0x5e: {  	[tilespmem:s22+$0xFFFFFFE0] =	vst v1;
	v20 =	vor.u32 v3, v16;
	v23 =	vld.idx.msk [tilespmem:v25+s2+$0x0], $0xffff  }
0x5f: {  	[tilespmem:v24+s20+$0xFFFFFF80] =	vst.idx.add.f32.msk $0xffff, v2  }
0x60: {  	[tilespmem:s22+$0xFFFFFFF0] =	vst v1;
	v24 =	vor.u32 v10, v21;
	v22 =	vld.idx.msk [tilespmem:v22+s2+$0x0], $0xffff  }
0x61: {  	[tilespmem:s22+$0xFFFFFFD0] =	vst v1;
	v25 =	vor.u32 v3, v15  }
0x62: {  	[tilespmem:s22+$0xFFFFFFA0] =	vst v1  }
0x63: {  	[tilespmem:s22+$0xFFFFFFC0] =	vst v1;
	v20 =	vld.idx.msk [tilespmem:v20+s2+$0x0], $0xffff  }
0x64: {  	[tilespmem:v18+s20+$0x0] =	vst.idx.add.f32.msk $0xffff, v2;
	v18 =	vor.u32 v8, v19  }
0x65: {  	[tilespmem:s22+$0xFFFFFFB0] =	vst v1;
	v24 =	vld.idx.msk [tilespmem:v24+s2+$0x0], $0xffff  }
0x66: {  	[tilespmem:s22+$0xFFFFFF90] =	vst v1;
	v25 =	vld.idx.msk [tilespmem:v25+s2+$0x0], $0xffff  }
0x67: {  	[tilespmem:v23+s21+$0x0] =	vst.idx.add.f32.msk $0xffff, v2  }
0x68: {  	[tilespmem:v22+s20+$0xFFFFFF80] =	vst.idx.add.f32.msk $0xffff, v2  }
0x69: {  	[tilespmem:s22+$0xFFFFFF80] =	vst v1;
	s23 =	simm.s32 $0x10380;
	v22 =	vor.u32 v11, v21;
	v23 =	vld.idx.msk [tilespmem:v18+s2+$0x0], $0xffff  }
0x6a: {  	[tilespmem:s23+$0x60] =	vst v1;
	v26 =	vor.u32 v4, v16  }
0x6b: {  	s24 =	simm.s32 $0x4;
	[tilespmem:s23+$0x50] =	vst v1  }
0x6c: {  	v18 =	vmov s24;
	[tilespmem:v20+s22+$0x0] =	vst.idx.add.f32.msk $0xffff, v2  }
0x6d: {  	v20 =	vshll.u32 v18, $0x8;
	v18 =	vshll.u32 v18, $0x7;
	[tilespmem:v24+s20+$0x0] =	vst.idx.add.f32.msk $0xffff, v2;
	v24 =	vor.u32 v4, v15  }
0x6e: {  	s30 =	simm.s32 $0x7;
	v27 =	vor.u32 v8, v17;
	[tilespmem:s23+$0x40] =	vst v1;
	v20 =	vand.u32 $0x7800, v20;
	v18 =	vand.u32 $0x300, v18;
	v22 =	vld.idx.msk [tilespmem:v22+s2+$0x0], $0xffff  }
0x6f: {  	v28 =	vor.u32 v9, v19;
	[tilespmem:s23+$0x30] =	vst v1;
	v26 =	vld.idx.msk [tilespmem:v26+s2+$0x0], $0xffff;
	v18 =	vor.u32 v18, v20;
	v20 =	vmov s30  }
0x70: {  	[tilespmem:v25+s21+$0xFFFFFF80] =	vst.idx.add.f32.msk $0xffff, v2;
	v29 =	vor.u32 v0, v18;
	v30 =	vshll.u32 v20, $0x8;
	v20 =	vshll.u32 v20, $0x7  }
0x71: {  	v25 =	vand.u32 $0x7800, v30;
	v20 =	vand.u32 $0x380, v20;
	[tilespmem:v23+s20+$0xFFFFFF80] =	vst.idx.add.f32.msk $0xffff, v2  }
0x72: {  	[tilespmem:s23+$0x70] =	vst v1;
	v20 =	vor.u32 v20, v25;
	v23 =	vld.idx.msk [tilespmem:v24+s2+$0x0], $0xffff  }
0x73: {  	[tilespmem:s23+$0x20] =	vst v1;
	v27 =	vld.idx.msk [tilespmem:v27+s2+$0x0], $0xffff;
	v25 =	vor.u32 v0, v20  }
0x74: {  	[tilespmem:s23+$0x10] =	vst v1;
	v24 =	vor.u32 v12, v21;
	v28 =	vld.idx.msk [tilespmem:v28+s2+$0x0], $0xffff  }
0x75: {  	[tilespmem:s23+$0x0] =	vst v1;
	v29 =	vld.idx.msk [tilespmem:v29+s2+$0x0], $0xffff  }
0x76: {  	[tilespmem:v22+s20+$0x0] =	vst.idx.add.f32.msk $0xffff, v2;
	v22 =	vor.u32 v5, v15  }
0x77: {  	[tilespmem:v26+s22+$0x0] =	vst.idx.add.f32.msk $0xffff, v2  }
0x78: {  	v30 =	vor.u32 v10, v19;
	v25 =	vld.idx.msk [tilespmem:v25+s2+$0x0], $0xffff  }
0x79: {  	v24 =	vld.idx.msk [tilespmem:v24+s2+$0x0], $0xffff  }
0x7a: {  	v26 =	vor.u32 v5, v16;
	[tilespmem:v23+s21+$0xFFFFFF80] =	vst.idx.add.f32.msk $0xffff, v2  }
0x7b: {  	v22 =	vld.idx.msk [tilespmem:v22+s2+$0x0], $0xffff  }
0x7c: {  	[tilespmem:v28+s20+$0xFFFFFF80] =	vst.idx.add.f32.msk $0xffff, v2  }
0x7d: {  	v23 =	vld.idx.msk [tilespmem:v30+s2+$0x0], $0xffff  }
0x7e: {  	[tilespmem:v27+s21+$0x0] =	vst.idx.add.f32.msk $0xffff, v2;
	v28 =	vor.u32 v13, v21  }
0x7f: {  	v26 =	vld.idx.msk [tilespmem:v26+s2+$0x0], $0xffff  }
0x80: {  	[tilespmem:v29+s22+$0xFFFFFF80] =	vst.idx.add.f32.msk $0xffff, v2  }
0x81: {  	[tilespmem:v25+s23+$0x0] =	vst.idx.add.f32.msk $0xffff, v2;
	v25 =	vor.u32 v11, v19  }
0x82: {  	[tilespmem:v24+s20+$0x0] =	vst.idx.add.f32.msk $0xffff, v2  }
0x83: {  	v24 =	vor.u32 v6, v16;
	v28 =	vld.idx.msk [tilespmem:v28+s2+$0x0], $0xffff  }
0x84: {  	v27 =	vor.u32 v3, v18;
	[tilespmem:v22+s21+$0xFFFFFF80] =	vst.idx.add.f32.msk $0xffff, v2  }
0x85: {  	v22 =	vor.u32 v6, v15;
	[tilespmem:v23+s20+$0xFFFFFF80] =	vst.idx.add.f32.msk $0xffff, v2  }
0x86: {  	v30 =	vld.idx.msk [tilespmem:v25+s2+$0x0], $0xffff  }
0x87: {  	v29 =	vor.u32 v14, v21;
	[tilespmem:v26+s22+$0x0] =	vst.idx.add.f32.msk $0xffff, v2  }
0x88: {  	s31 =	simm.s32 $0x6;
	v23 =	vor.u32 v9, v17;
	v33 =	vld.idx.msk [tilespmem:v24+s2+$0x0], $0xffff  }
0x89: {  	[tilespmem:s23+$0xFFFFFFE0] =	vst v1;
	v27 =	vld.idx.msk [tilespmem:v27+s2+$0x0], $0xffff;
	v25 =	vmov s31  }
0x8a: {  	v34 =	vor.u32 v12, v19;
	[tilespmem:s23+$0xFFFFFFF0] =	vst v1;
	v21 =	vshll.u32 v25, $0x8;
	v24 =	vshll.u32 v25, $0x7;
	v32 =	vld.idx.msk [tilespmem:v22+s2+$0x0], $0xffff  }
0x8b: {  	v21 =	vand.u32 $0x7800, v21;
	v26 =	vand.u32 $0x300, v24;
	[tilespmem:v28+s20+$0x0] =	vst.idx.add.f32.msk $0xffff, v2  }
0x8c: {  	v25 =	vor.u32 v7, v15;
	v21 =	vor.u32 v26, v21;
	v22 =	vld.idx.msk [tilespmem:v29+s2+$0x0], $0xffff;
	v29 =	vor.u32 v7, v16  }
0x8d: {  	v24 =	vor.u32 v7, v18;
	v28 =	vor.u32 v3, v20;
	v31 =	vld.idx.msk [tilespmem:v23+s2+$0x0], $0xffff;
	v23 =	vor.u32 v7, v21  }
0x8e: {  	s25 =	simm.s32 $0x10480;
	s24 =	simm.s32 $0x8;
	v26 =	vor.u32 v0, v21;
	[tilespmem:v30+s20+$0xFFFFFF80] =	vst.idx.add.f32.msk $0xffff, v2;
	v30 =	vor.u32 v13, v19  }
.LBB2_2:
0x8f: {  	v35 =	vmov s24;
	s26 =	sadd.s32 $0x1, s24;
	p0 =	slt.u32 s24, $0x7E;
	s24 =	sadd.s32 $0x2, s24;
	[tilespmem:s23+$0xFFFFFFD0] =	vst v1;
	v36 =	vor.u32 v4, v20;
	v37 =	vor.u32 v10, v17;
	v34 =	vld.idx.msk [tilespmem:v34+s2+$0x0], $0xffff  }
0x90: {  	v38 =	vshll.u32 v35, $0x8;
	v35 =	vshll.u32 v35, $0x7;
	v39 =	vmov s26;
	[tilespmem:v33+s22+$0x0] =	vst.idx.add.f32.msk $0xffff, v2  }
0x91: {  	[tilespmem:s25+$0xFFFFFFE0] =	vst v1;
	v33 =	vand.u32 $0x7800, v38;
	v38 =	vshll.u32 v39, $0x8;
	v39 =	vshll.u32 v39, $0x7;
	v40 =	vld.idx.msk [tilespmem:v29+s2+$0x0], $0xffff  }
0x92: {  	v29 =	vand.u32 $0x300, v35;
	v35 =	vand.u32 $0x7800, v38;
	v38 =	vand.u32 $0x380, v39;
	[tilespmem:s23+$0xFFFFFFA0] =	vst v1;
	v28 =	vld.idx.msk [tilespmem:v28+s2+$0x0], $0xffff  }
0x93: {  	v33 =	vor.u32 v29, v33;
	v29 =	vor.u32 v38, v35;
	[tilespmem:v32+s21+$0xFFFFFF80] =	vst.idx.add.f32.msk $0xffff, v2  }
0x94: {  	v32 =	vor.u32 v7, v33;
	[tilespmem:s25+$0x60] =	vst v1;
	v35 =	vor.u32 v0, v29;
	v38 =	vld.idx.msk [tilespmem:v25+s2+$0x0], $0xffff;
	v25 =	vmov v24  }
0x95: {  	v39 =	vor.u32 v8, v16;
	v24 =	vmov v23;
	v23 =	vmov v32;
	[tilespmem:v31+s21+$0x0] =	vst.idx.add.f32.msk $0xffff, v2  }
0x96: {  	[tilespmem:s25+$0x50] =	vst v1;
	v31 =	vld.idx.msk [tilespmem:v37+s2+$0x0], $0xffff  }
0x97: {  	[tilespmem:v34+s20+$0xFFFFFF80] =	vst.idx.add.f32.msk $0xffff, v2  }
0x98: {  	v32 =	vor.u32 v8, v15;
	[tilespmem:s25+$0x40] =	vst v1;
	v30 =	vld.idx.msk [tilespmem:v30+s2+$0x0], $0xffff  }
0x99: {  	v34 =	vor.u32 v0, v33;
	[tilespmem:v40+s22+$0x0] =	vst.idx.add.f32.msk $0xffff, v2  }
0x9a: {  	[tilespmem:s23+$0xFFFFFFC0] =	vst v1;
	v37 =	vld.idx.msk [tilespmem:v39+s2+$0x0], $0xffff;
	v39 =	vor.u32 v11, v17  }
0x9b: {  	[tilespmem:v28+s23+$0x0] =	vst.idx.add.f32.msk $0xffff, v2  }
0x9c: {  	[tilespmem:v38+s21+$0xFFFFFF80] =	vst.idx.add.f32.msk $0xffff, v2  }
0x9d: {  	v38 =	vor.u32 v14, v19;
	v19 =	vmovc v15;
	v15 =	vmov v18;
	v18 =	vmov v21;
	[tilespmem:s23+$0xFFFFFFB0] =	vst v1;
	v32 =	vld.idx.msk [tilespmem:v32+s2+$0x0], $0xffff  }
0x9e: {  	v28 =	vor.u32 v3, v29;
	v21 =	vmov v33;
	[tilespmem:v31+s21+$0x0] =	vst.idx.add.f32.msk $0xffff, v2  }
0x9f: {  	[tilespmem:s23+$0xFFFFFF90] =	vst v1;
	v31 =	vld.idx.msk [tilespmem:v39+s2+$0x0], $0xffff  }
0xa0: {  	[tilespmem:v30+s20+$0xFFFFFF80] =	vst.idx.add.f32.msk $0xffff, v2  }
0xa1: {  	v33 =	vor.u32 v4, v15;
	[tilespmem:s23+$0xFFFFFF80] =	vst v1;
	v30 =	vld.idx.msk [tilespmem:v36+s2+$0x0], $0xffff  }
0xa2: {  	v36 =	vor.u32 v9, v19;
	[tilespmem:s25+$0x30] =	vst v1;
	v38 =	vld.idx.msk [tilespmem:v38+s2+$0x0], $0xffff  }
0xa3: {  	[tilespmem:v22+s20+$0x0] =	vst.idx.add.f32.msk vm0, v2  }
0xa4: {  	[tilespmem:v27+s22+$0xFFFFFF80] =	vst.idx.add.f32.msk $0xffff, v2  }
0xa5: {  	[tilespmem:v32+s21+$0xFFFFFF80] =	vst.idx.add.f32.msk $0xffff, v2  }
0xa6: {  	v27 =	vor.u32 v12, v17;
	[tilespmem:s25+$0x70] =	vst v1;
	v22 =	vld.idx.msk [tilespmem:v33+s2+$0x0], $0xffff  }
0xa7: {  	[tilespmem:s25+$0x20] =	vst v1;
	v32 =	vld.idx.msk [tilespmem:v36+s2+$0x0], $0xffff  }
0xa8: {  	[tilespmem:s25+$0x10] =	vst v1;
	v33 =	vld.idx.msk [tilespmem:v26+s2+$0x0], $0xffff;
	v26 =	vmov v34  }
0xa9: {  	[tilespmem:v31+s21+$0x0] =	vst.idx.add.f32.msk $0xffff, v2  }
0xaa: {  	v31 =	vor.u32 v5, v15;
	[tilespmem:v38+s20+$0xFFFFFF80] =	vst.idx.add.f32.msk vm0, v2;
	s20 =	smov.u32 s21;
	s21 =	smov.u32 s22;
	s22 =	smov.u32 s23  }
0xab: {  	s23 =	smov.u32 s25;
	[tilespmem:s25+$0x0] =	vst v1;
	v27 =	vld.idx.msk [tilespmem:v27+s2+$0x0], $0xffff  }
0xac: {  	v34 =	vld.idx.msk [tilespmem:v35+s2+$0x0], $0xffff;
	v35 =	vor.u32 v10, v19  }
0xad: {  	[tilespmem:v30+s22+$0x0] =	vst.idx.add.f32.msk $0xffff, v2;
	v30 =	vor.u32 v5, v20  }
0xae: {  	[tilespmem:v22+s21+$0xFFFFFF80] =	vst.idx.add.f32.msk $0xffff, v2  }
0xaf: {  	v22 =	vld.idx.msk [tilespmem:v31+s2+$0x0], $0xffff  }
0xb0: {  	[tilespmem:v32+s20+$0xFFFFFF80] =	vst.idx.add.f32.msk $0xffff, v2  }
0xb1: {  	v32 =	vor.u32 v13, v17;
	v31 =	vld.idx.msk [tilespmem:v35+s2+$0x0], $0xffff  }
0xb2: {  	v30 =	vld.idx.msk [tilespmem:v30+s2+$0x0], $0xffff  }
0xb3: {  	[tilespmem:v33+s22+$0xFFFFFF80] =	vst.idx.add.f32.msk $0xffff, v2  }
0xb4: {  	[tilespmem:v34+s25+$0x0] =	vst.idx.add.f32.msk $0xffff, v2  }
0xb5: {  	v33 =	vor.u32 v11, v19;
	[tilespmem:v27+s20+$0x0] =	vst.idx.add.f32.msk $0xffff, v2  }
0xb6: {  	v35 =	vld.idx.msk [tilespmem:v32+s2+$0x0], $0xffff  }
0xb7: {  	v27 =	vor.u32 v6, v20;
	[tilespmem:v37+s21+$0x0] =	vst.idx.add.f32.msk $0xffff, v2  }
0xb8: {  	v32 =	vor.u32 v3, v18;
	[tilespmem:v22+s21+$0xFFFFFF80] =	vst.idx.add.f32.msk $0xffff, v2  }
0xb9: {  	v22 =	vor.u32 v6, v15;
	[tilespmem:v31+s20+$0xFFFFFF80] =	vst.idx.add.f32.msk $0xffff, v2  }
0xba: {  	v31 =	vor.u32 v9, v16;
	v36 =	vld.idx.msk [tilespmem:v33+s2+$0x0], $0xffff  }
0xbb: {  	[tilespmem:v30+s22+$0x0] =	vst.idx.add.f32.msk $0xffff, v2  }
0xbc: {  	v30 =	vor.u32 v14, v17;
	v17 =	vmovc v16;
	v16 =	vmov v20;
	v20 =	vmov v29;
	v33 =	vld.idx.msk [tilespmem:v27+s2+$0x0], $0xffff  }
0xbd: {  	v27 =	vld.idx.msk [tilespmem:v32+s2+$0x0], $0xffff  }
.Ltmp0:
0xbe: {  	v34 =	vor.u32 v12, v19;
	v32 =	vld.idx.msk [tilespmem:v22+s2+$0x0], $0xffff;
	(pc) =	sbr.rel @p0 .LBB2_2-.Ltmp0, $4  }
0xbf: {  	v31 =	vld.idx.msk [tilespmem:v31+s2+$0x0], $0xffff  }
0xc0: {  	v29 =	vor.u32 v7, v16;
	[tilespmem:v35+s20+$0x0] =	vst.idx.add.f32.msk $0xffff, v2  }
0xc1: {  	[tilespmem:s25+$0xFFFFFFF0] =	vst v1;
	v22 =	vld.idx.msk [tilespmem:v30+s2+$0x0], $0xffff  }
0xc2: {  	s25 =	sadd.s32 $0x100, s25;
	v30 =	vor.u32 v13, v19;
	[tilespmem:v36+s20+$0xFFFFFF80] =	vst.idx.add.f32.msk $0xffff, v2  }
0xc3: {  	_ =	sdelay $0x2  }
0xc4: {  	[tilespmem:s23+$0xFFFFFFD0] =	vst v1  }
0xc5: {  	[tilespmem:v33+s22+$0x0] =	vst.idx.add.f32.msk $0xffff, v2  }
0xc6: {  	[tilespmem:s23+$0xFFFFFFA0] =	vst v1  }
0xc7: {  	[tilespmem:v32+s21+$0xFFFFFF80] =	vst.idx.add.f32.msk $0xffff, v2  }
0xc8: {  	v34 =	vld.idx.msk [tilespmem:v34+s2+$0x0], $0xffff;
	[tilespmem:s23+$0xFFFFFFC0] =	vst v1  }
0xc9: {  	[tilespmem:s23+$0xFFFFFFB0] =	vst v1;
	v29 =	vld.idx.msk [tilespmem:v29+s2+$0x0], $0xffff  }
0xca: {  	v57 =	vor.u32 v10, v17;
	v28 =	vld.idx.msk [tilespmem:v28+s2+$0x0], $0xffff;
	[tilespmem:s23+$0xFFFFFF90] =	vst v1  }
0xcb: {  	[tilespmem:v27+s22+$0xFFFFFF80] =	vst.idx.add.f32.msk $0xffff, v2  }
0xcc: {  	[tilespmem:v31+s21+$0x0] =	vst.idx.add.f32.msk $0xffff, v2  }
0xcd: {  	[tilespmem:s23+$0xFFFFFF80] =	vst v1;
	v25 =	vld.idx.msk [tilespmem:v25+s2+$0x0], $0xffff;
	v31 =	vor.u32 v8, v16  }
0xce: {  	v26 =	vld.idx.msk [tilespmem:v26+s2+$0x0], $0xffff  }
0xcf: {  	v58 =	vld.idx.msk [tilespmem:v57+s2+$0x0], $0xffff  }
0xd0: {  	[tilespmem:v34+s20+$0xFFFFFF80] =	vst.idx.add.f32.msk $0xffff, v2  }
0xd1: {  	[tilespmem:v29+s22+$0x0] =	vst.idx.add.f32.msk $0xffff, v2  }
0xd2: {  	v29 =	vld.idx.msk [tilespmem:v31+s2+$0x0], $0xffff;
	v31 =	vor.u32 v3, v21  }
0xd3: {  	v59 =	vor.u32 v8, v15;
	[tilespmem:v28+s23+$0x0] =	vst.idx.add.f32.msk $0xffff, v2  }
0xd4: {  	v30 =	vld.idx.msk [tilespmem:v30+s2+$0x0], $0xffff  }
0xd5: {  	v28 =	vor.u32 v11, v17;
	[tilespmem:v25+s21+$0xFFFFFF80] =	vst.idx.add.f32.msk $0xffff, v2  }
0xd6: {  	[tilespmem:v26+s23+$0xFFFFFF80] =	vst.idx.add.f32.msk $0xffff, v2;
	v26 =	vor.u32 v4, v18  }
0xd7: {  	v31 =	vld.idx.msk [tilespmem:v31+s2+$0x0], $0xffff  }
0xd8: {  	v60 =	vor.u32 v4, v20;
	v25 =	vld.idx.msk [tilespmem:v59+s2+$0x0], $0xffff  }
0xd9: {  	v19 =	vor.u32 v14, v19;
	[tilespmem:v58+s21+$0x0] =	vst.idx.add.f32.msk $0xffff, v2  }
0xda: {  	v28 =	vld.idx.msk [tilespmem:v28+s2+$0x0], $0xffff  }
0xdb: {  	v27 =	vor.u32 v4, v21;
	v26 =	vld.idx.msk [tilespmem:v26+s2+$0x0], $0xffff  }
0xdc: {  	[tilespmem:v30+s20+$0xFFFFFF80] =	vst.idx.add.f32.msk $0xffff, v2  }
0xdd: {  	v61 =	vor.u32 v9, v15;
	v30 =	vld.idx.msk [tilespmem:v60+s2+$0x0], $0xffff  }
0xde: {  	v19 =	vld.idx.msk [tilespmem:v19+s2+$0x0], $0xffff  }
0xdf: {  	[tilespmem:v31+s23+$0xFFFFFF80] =	vst.idx.add.f32.msk $0xffff, v2  }
0xe0: {  	v31 =	vor.u32 v5, v18;
	v27 =	vld.idx.msk [tilespmem:v27+s2+$0x0], $0xffff  }
0xe1: {  	[tilespmem:v25+s21+$0xFFFFFF80] =	vst.idx.add.f32.msk $0xffff, v2  }
0xe2: {  	v62 =	vor.u32 v5, v20;
	v25 =	vld.idx.msk [tilespmem:v61+s2+$0x0], $0xffff  }
0xe3: {  	[tilespmem:v28+s21+$0x0] =	vst.idx.add.f32.msk $0xffff, v2  }
0xe4: {  	[tilespmem:v26+s22+$0xFFFFFF80] =	vst.idx.add.f32.msk $0xffff, v2;
	v26 =	vor.u32 v5, v21  }
0xe5: {  	v31 =	vld.idx.msk [tilespmem:v31+s2+$0x0], $0xffff  }
0xe6: {  	[tilespmem:v30+s23+$0x0] =	vst.idx.add.f32.msk $0xffff, v2  }
0xe7: {  	v28 =	vor.u32 v12, v17;
	v32 =	vld.idx.msk [tilespmem:v62+s2+$0x0], $0xffff  }
0xe8: {  	[tilespmem:v27+s23+$0xFFFFFF80] =	vst.idx.add.f32.msk $0xffff, v2  }
0xe9: {  	v27 =	vor.u32 v6, v18;
	v26 =	vld.idx.msk [tilespmem:v26+s2+$0x0], $0xffff  }
0xea: {  	[tilespmem:v29+s22+$0x0] =	vst.idx.add.f32.msk $0xffff, v2  }
0xeb: {  	[tilespmem:v25+s21+$0xFFFFFF80] =	vst.idx.add.f32.msk $0xffff, v2;
	v25 =	vor.u32 v6, v20  }
0xec: {  	v28 =	vld.idx.msk [tilespmem:v28+s2+$0x0], $0xffff  }
0xed: {  	[tilespmem:v31+s22+$0xFFFFFF80] =	vst.idx.add.f32.msk $0xffff, v2;
	v31 =	vor.u32 v6, v21  }
0xee: {  	v30 =	vor.u32 v10, v15;
	v27 =	vld.idx.msk [tilespmem:v27+s2+$0x0], $0xffff  }
0xef: {  	[tilespmem:v32+s23+$0x0] =	vst.idx.add.f32.msk $0xffff, v2  }
0xf0: {  	v63 =	vor.u32 v13, v17;
	v25 =	vld.idx.msk [tilespmem:v25+s2+$0x0], $0xffff  }
0xf1: {  	[tilespmem:v26+s23+$0xFFFFFF80] =	vst.idx.add.f32.msk $0xffff, v2  }
0xf2: {  	v26 =	vld.idx.msk [tilespmem:v31+s2+$0x0], $0xffff  }
0xf3: {  	v30 =	vld.idx.msk [tilespmem:v30+s2+$0x0], $0xffff  }
0xf4: {  	[tilespmem:v28+s21+$0x0] =	vst.idx.add.f32.msk $0xffff, v2;
	v31 =	vor.u32 v7, v20  }
0xf5: {  	v28 =	vld.idx.msk [tilespmem:v63+s2+$0x0], $0xffff  }
0xf6: {  	[tilespmem:v27+s22+$0xFFFFFF80] =	vst.idx.add.f32.msk $0xffff, v2  }
0xf7: {  	v24 =	vld.idx.msk [tilespmem:v24+s2+$0x0], $0xffff  }
0xf8: {  	[tilespmem:v25+s23+$0x0] =	vst.idx.add.f32.msk $0xffff, v2  }
0xf9: {  	v27 =	vor.u32 v11, v15;
	v29 =	vld.idx.msk [tilespmem:v31+s2+$0x0], $0xffff  }
0xfa: {  	[tilespmem:v26+s23+$0xFFFFFF80] =	vst.idx.add.f32.msk $0xffff, v2  }
0xfb: {  	v26 =	vor.u32 v8, v18;
	v23 =	vld.idx.msk [tilespmem:v23+s2+$0x0], $0xffff  }
0xfc: {  	[tilespmem:v30+s21+$0xFFFFFF80] =	vst.idx.add.f32.msk $0xffff, v2  }
0xfd: {  	v30 =	vor.u32 v8, v20;
	[tilespmem:v28+s21+$0x0] =	vst.idx.add.f32.msk $0xffff, v2  }
0xfe: {  	v27 =	vld.idx.msk [tilespmem:v27+s2+$0x0], $0xffff  }
0xff: {  	[tilespmem:v24+s22+$0xFFFFFF80] =	vst.idx.add.f32.msk $0xffff, v2;
	v24 =	vor.u32 v8, v21  }
0x100: {  	v17 =	vor.u32 v14, v17;
	v26 =	vld.idx.msk [tilespmem:v26+s2+$0x0], $0xffff  }
0x101: {  	v25 =	vor.u32 v9, v16;
	[tilespmem:v29+s23+$0x0] =	vst.idx.add.f32.msk $0xffff, v2  }
0x102: {  	v29 =	vld.idx.msk [tilespmem:v30+s2+$0x0], $0xffff  }
0x103: {  	[tilespmem:v23+s23+$0xFFFFFF80] =	vst.idx.add.f32.msk $0xffff, v2  }
0x104: {  	v23 =	vor.u32 v9, v18;
	v24 =	vld.idx.msk [tilespmem:v24+s2+$0x0], $0xffff  }
0x105: {  	v17 =	vld.idx.msk [tilespmem:v17+s2+$0x0], $0xffff  }
0x106: {  	v28 =	vor.u32 v9, v20;
	v25 =	vld.idx.msk [tilespmem:v25+s2+$0x0], $0xffff  }
0x107: {  	[tilespmem:v27+s21+$0xFFFFFF80] =	vst.idx.add.f32.msk $0xffff, v2  }
0x108: {  	[tilespmem:v26+s22+$0xFFFFFF80] =	vst.idx.add.f32.msk $0xffff, v2;
	v26 =	vor.u32 v9, v21  }
0x109: {  	v23 =	vld.idx.msk [tilespmem:v23+s2+$0x0], $0xffff  }
0x10a: {  	v27 =	vor.u32 v12, v15;
	[tilespmem:v29+s23+$0x0] =	vst.idx.add.f32.msk $0xffff, v2  }
0x10b: {  	v29 =	vor.u32 v10, v16;
	v28 =	vld.idx.msk [tilespmem:v28+s2+$0x0], $0xffff  }
0x10c: {  	[tilespmem:v24+s23+$0xFFFFFF80] =	vst.idx.add.f32.msk $0xffff, v2  }
0x10d: {  	v24 =	vor.u32 v10, v18;
	v26 =	vld.idx.msk [tilespmem:v26+s2+$0x0], $0xffff  }
0x10e: {  	[tilespmem:v25+s22+$0x0] =	vst.idx.add.f32.msk $0xffff, v2  }
0x10f: {  	v25 =	vor.u32 v10, v20;
	v27 =	vld.idx.msk [tilespmem:v27+s2+$0x0], $0xffff  }
0x110: {  	v29 =	vld.idx.msk [tilespmem:v29+s2+$0x0], $0xffff  }
0x111: {  	[tilespmem:v23+s22+$0xFFFFFF80] =	vst.idx.add.f32.msk $0xffff, v2;
	v23 =	vor.u32 v10, v21  }
0x112: {  	v24 =	vld.idx.msk [tilespmem:v24+s2+$0x0], $0xffff  }
0x113: {  	[tilespmem:v28+s23+$0x0] =	vst.idx.add.f32.msk $0xffff, v2  }
0x114: {  	v28 =	vor.u32 v11, v16;
	v25 =	vld.idx.msk [tilespmem:v25+s2+$0x0], $0xffff  }
0x115: {  	[tilespmem:v26+s23+$0xFFFFFF80] =	vst.idx.add.f32.msk $0xffff, v2  }
0x116: {  	v26 =	vor.u32 v11, v18;
	v23 =	vld.idx.msk [tilespmem:v23+s2+$0x0], $0xffff  }
0x117: {  	[tilespmem:v27+s21+$0xFFFFFF80] =	vst.idx.add.f32.msk $0xffff, v2  }
0x118: {  	v27 =	vor.u32 v11, v20;
	[tilespmem:v29+s22+$0x0] =	vst.idx.add.f32.msk $0xffff, v2  }
0x119: {  	v28 =	vld.idx.msk [tilespmem:v28+s2+$0x0], $0xffff  }
0x11a: {  	[tilespmem:v24+s22+$0xFFFFFF80] =	vst.idx.add.f32.msk $0xffff, v2;
	v24 =	vor.u32 v11, v21  }
0x11b: {  	v29 =	vor.u32 v13, v15;
	v26 =	vld.idx.msk [tilespmem:v26+s2+$0x0], $0xffff  }
0x11c: {  	[tilespmem:v25+s23+$0x0] =	vst.idx.add.f32.msk $0xffff, v2  }
0x11d: {  	v25 =	vor.u32 v12, v16;
	v27 =	vld.idx.msk [tilespmem:v27+s2+$0x0], $0xffff  }
0x11e: {  	[tilespmem:v23+s23+$0xFFFFFF80] =	vst.idx.add.f32.msk $0xffff, v2  }
0x11f: {  	v23 =	vor.u32 v12, v18;
	v24 =	vld.idx.msk [tilespmem:v24+s2+$0x0], $0xffff  }
0x120: {  	v29 =	vld.idx.msk [tilespmem:v29+s2+$0x0], $0xffff  }
0x121: {  	[tilespmem:v28+s22+$0x0] =	vst.idx.add.f32.msk $0xffff, v2;
	v28 =	vor.u32 v12, v20  }
0x122: {  	v25 =	vld.idx.msk [tilespmem:v25+s2+$0x0], $0xffff  }
0x123: {  	[tilespmem:v26+s22+$0xFFFFFF80] =	vst.idx.add.f32.msk $0xffff, v2;
	v26 =	vor.u32 v12, v21  }
0x124: {  	v23 =	vld.idx.msk [tilespmem:v23+s2+$0x0], $0xffff  }
0x125: {  	[tilespmem:v27+s23+$0x0] =	vst.idx.add.f32.msk $0xffff, v2  }
0x126: {  	v27 =	vor.u32 v13, v16;
	v28 =	vld.idx.msk [tilespmem:v28+s2+$0x0], $0xffff  }
0x127: {  	[tilespmem:v24+s23+$0xFFFFFF80] =	vst.idx.add.f32.msk $0xffff, v2  }
0x128: {  	v24 =	vor.u32 v13, v18;
	v26 =	vld.idx.msk [tilespmem:v26+s2+$0x0], $0xffff  }
0x129: {  	[tilespmem:v29+s21+$0xFFFFFF80] =	vst.idx.add.f32.msk $0xffff, v2  }
0x12a: {  	[tilespmem:v25+s22+$0x0] =	vst.idx.add.f32.msk $0xffff, v2;
	v25 =	vor.u32 v13, v20  }
0x12b: {  	v27 =	vld.idx.msk [tilespmem:v27+s2+$0x0], $0xffff  }
0x12c: {  	[tilespmem:v23+s22+$0xFFFFFF80] =	vst.idx.add.f32.msk $0xffff, v2;
	v23 =	vor.u32 v13, v21  }
0x12d: {  	v15 =	vor.u32 v14, v15;
	v24 =	vld.idx.msk [tilespmem:v24+s2+$0x0], $0xffff  }
0x12e: {  	[tilespmem:v28+s23+$0x0] =	vst.idx.add.f32.msk $0xffff, v2  }
0x12f: {  	v16 =	vor.u32 v14, v16;
	v25 =	vld.idx.msk [tilespmem:v25+s2+$0x0], $0xffff  }
0x130: {  	[tilespmem:v26+s23+$0xFFFFFF80] =	vst.idx.add.f32.msk $0xffff, v2  }
0x131: {  	v18 =	vor.u32 v14, v18;
	v23 =	vld.idx.msk [tilespmem:v23+s2+$0x0], $0xffff  }
0x132: {  	v15 =	vld.idx.msk [tilespmem:v15+s2+$0x0], $0xffff  }
0x133: {  	v20 =	vor.u32 v14, v20;
	[tilespmem:v27+s22+$0x0] =	vst.idx.add.f32.msk $0xffff, v2  }
0x134: {  	v16 =	vld.idx.msk [tilespmem:v16+s2+$0x0], $0xffff  }
0x135: {  	v21 =	vor.u32 v14, v21;
	[tilespmem:v24+s22+$0xFFFFFF80] =	vst.idx.add.f32.msk $0xffff, v2  }
0x136: {  	v18 =	vld.idx.msk [tilespmem:v18+s2+$0x0], $0xffff  }
0x137: {  	[tilespmem:v25+s23+$0x0] =	vst.idx.add.f32.msk $0xffff, v2  }
0x138: {  	v20 =	vld.idx.msk [tilespmem:v20+s2+$0x0], $0xffff  }
0x139: {  	[tilespmem:v23+s23+$0xFFFFFF80] =	vst.idx.add.f32.msk $0xffff, v2  }
0x13a: {  	v21 =	vld.idx.msk [tilespmem:v21+s2+$0x0], $0xffff  }
0x13b: {  	[tilespmem:v22+s20+$0x0] =	vst.idx.add.f32.msk vm0, v2  }
0x13c: {  	[tilespmem:v19+s20+$0xFFFFFF80] =	vst.idx.add.f32.msk vm0, v2  }
0x13d: {  	[tilespmem:v17+s21+$0x0] =	vst.idx.add.f32.msk vm0, v2  }
0x13e: {  	[tilespmem:v15+s21+$0xFFFFFF80] =	vst.idx.add.f32.msk vm0, v2  }
0x13f: {  	[tilespmem:v16+s22+$0x0] =	vst.idx.add.f32.msk vm0, v2  }
0x140: {  	[tilespmem:v18+s22+$0xFFFFFF80] =	vst.idx.add.f32.msk vm0, v2  }
0x141: {  	[tilespmem:v20+s23+$0x0] =	vst.idx.add.f32.msk vm0, v2  }
0x142: {  	s24 =	simm.s32 $0x0;
	[tilespmem:v21+s23+$0xFFFFFF80] =	vst.idx.add.f32.msk vm0, v2  }
0x143: {  	[hbm4b:s5+s24] =	stream.linear.scatter [tilespmem:s14], [sflag:$0x3], $0x4000, $0x38;
	[tilespmem:$0x18000] =	vst v63  }
0x144: {  	_ = 	snop  }
0x145: {  	[tilespmem:s24], [sflag:$0x1] =	stream.linear.gather [hbm4b:s6+s24], $0x8000, $0x38;
	[tilespmem:$0x18000] =	vst v63  }
0x146: {  	_ =	swait.ge [sflag:s15], $0x8000  }
0x147: {  	s25 =	simm.s32 $0x1;
	[sflag:s15] =	ssyncset.done $0x0  }
0x148: {  	s20 =	simm.s32 $0x14080;
	v15 =	vmov s25;
	[sflag:s15] =	ssyncadd.s32 $0xFFFF8000  }
0x149: {  	v16 =	vshll.u32 v15, $0x8;
	v15 =	vshll.u32 v15, $0x7;
	[tilespmem:s20+$0x60] =	vst v1  }
0x14a: {  	v16 =	vand.u32 $0x7800, v16;
	v15 =	vand.u32 $0x380, v15;
	[tilespmem:s20+$0x50] =	vst v1  }
0x14b: {  	v21 =	vor.u32 v15, v16;
	[tilespmem:s20+$0x40] =	vst v1  }
0x14c: {  	v15 =	vor.u32 v0, v21;
	[tilespmem:s20+$0x30] =	vst v1  }
0x14d: {  	[tilespmem:s20+$0x70] =	vst v1  }
0x14e: {  	[tilespmem:s20+$0x20] =	vst v1  }
0x14f: {  	[tilespmem:s20+$0x10] =	vst v1  }
0x150: {  	[tilespmem:s20+$0x0] =	vst v1  }
0x151: {  	v15 =	vld.idx.msk [tilespmem:v15+s12+$0x0], $0xffff;
	_ =	sdelay $0x3  }
0x152: {  	v16 =	vor.u32 v3, v21;
	_ =	sdelay $0x3  }
0x153: {  	[tilespmem:v15+s20+$0x0] =	vst.idx.add.f32.msk $0xffff, v2  }
0x154: {  	v15 =	vld.idx.msk [tilespmem:v16+s12+$0x0], $0xffff;
	_ =	sdelay $0x3  }
0x155: {  	v16 =	vor.u32 v4, v21;
	_ =	sdelay $0x1  }
0x156: {  	[tilespmem:s20+$0xFFFFFFE0] =	vst v1  }
0x157: {  	[tilespmem:s20+$0xFFFFFFF0] =	vst v1  }
0x158: {  	[tilespmem:v15+s20+$0x0] =	vst.idx.add.f32.msk $0xffff, v2  }
0x159: {  	[tilespmem:s20+$0xFFFFFFD0] =	vst v1;
	v15 =	vld.idx.msk [tilespmem:v16+s12+$0x0], $0xffff  }
0x15a: {  	s21 =	simm.s32 $0x14180;
	[tilespmem:s20+$0xFFFFFFA0] =	vst v1  }
0x15b: {  	[tilespmem:s21+$0x60] =	vst v1  }
0x15c: {  	s26 =	simm.s32 $0x3;
	[tilespmem:s21+$0x50] =	vst v1  }
0x15d: {  	v17 =	vmov s26;
	[tilespmem:s21+$0x40] =	vst v1;
	v16 =	vor.u32 v5, v21  }
0x15e: {  	v18 =	vshll.u32 v17, $0x8;
	v17 =	vshll.u32 v17, $0x7;
	[tilespmem:s20+$0xFFFFFFC0] =	vst v1  }
0x15f: {  	v19 =	vmov s24;
	v18 =	vand.u32 $0x7800, v18;
	v17 =	vand.u32 $0x380, v17;
	[tilespmem:s20+$0xFFFFFFB0] =	vst v1  }
0x160: {  	v20 =	vshll.u32 v19, $0x8;
	v19 =	vshll.u32 v19, $0x7;
	v17 =	vor.u32 v17, v18;
	[tilespmem:s21+$0x30] =	vst v1  }
0x161: {  	v18 =	vand.u32 $0x300, v19;
	[tilespmem:v15+s20+$0x0] =	vst.idx.add.f32.msk $0xffff, v2;
	v15 =	vand.u32 $0x7800, v20;
	v20 =	vor.u32 v0, v17  }
0x162: {  	[tilespmem:s21+$0x70] =	vst v1;
	v16 =	vld.idx.msk [tilespmem:v16+s12+$0x0], $0xffff;
	v19 =	vor.u32 v18, v15  }
0x163: {  	[tilespmem:s21+$0x20] =	vst v1;
	v15 =	vor.u32 v0, v19  }
0x164: {  	[tilespmem:s21+$0x10] =	vst v1  }
0x165: {  	[tilespmem:s21+$0x0] =	vst v1  }
0x166: {  	[tilespmem:s20+$0xFFFFFF90] =	vst v1;
	v18 =	vor.u32 v6, v21;
	v20 =	vld.idx.msk [tilespmem:v20+s12+$0x0], $0xffff  }
0x167: {  	[tilespmem:s20+$0xFFFFFF80] =	vst v1  }
0x168: {  	v15 =	vld.idx.msk [tilespmem:v15+s12+$0x0], $0xffff;
	_ =	sdelay $0x1  }
0x169: {  	[tilespmem:v16+s20+$0x0] =	vst.idx.add.f32.msk $0xffff, v2;
	v16 =	vor.u32 v3, v17  }
0x16a: {  	v18 =	vld.idx.msk [tilespmem:v18+s12+$0x0], $0xffff  }
0x16b: {  	v22 =	vor.u32 v3, v19;
	_ =	sdelay $0x1  }
0x16c: {  	[tilespmem:v20+s21+$0x0] =	vst.idx.add.f32.msk $0xffff, v2  }
0x16d: {  	v20 =	vor.u32 v7, v21;
	v16 =	vld.idx.msk [tilespmem:v16+s12+$0x0], $0xffff  }
0x16e: {  	[tilespmem:v15+s20+$0xFFFFFF80] =	vst.idx.add.f32.msk $0xffff, v2  }
0x16f: {  	[tilespmem:s21+$0xFFFFFFE0] =	vst v1;
	v15 =	vld.idx.msk [tilespmem:v22+s12+$0x0], $0xffff  }
0x170: {  	[tilespmem:s21+$0xFFFFFFF0] =	vst v1  }
0x171: {  	[tilespmem:v18+s20+$0x0] =	vst.idx.add.f32.msk $0xffff, v2;
	v18 =	vor.u32 v4, v17  }
0x172: {  	[tilespmem:s21+$0xFFFFFFD0] =	vst v1;
	v20 =	vld.idx.msk [tilespmem:v20+s12+$0x0], $0xffff  }
0x173: {  	s22 =	simm.s32 $0x14280;
	[tilespmem:s21+$0xFFFFFFA0] =	vst v1;
	v22 =	vor.u32 v4, v19  }
0x174: {  	[tilespmem:s22+$0x60] =	vst v1  }
0x175: {  	[tilespmem:v16+s21+$0x0] =	vst.idx.add.f32.msk $0xffff, v2  }
0x176: {  	[tilespmem:s22+$0x50] =	vst v1;
	v16 =	vld.idx.msk [tilespmem:v18+s12+$0x0], $0xffff  }
0x177: {  	[tilespmem:v15+s20+$0xFFFFFF80] =	vst.idx.add.f32.msk $0xffff, v2  }
0x178: {  	[tilespmem:s22+$0x40] =	vst v1;
	v18 =	vld.idx.msk [tilespmem:v22+s12+$0x0], $0xffff  }
0x179: {  	s29 =	simm.s32 $0x5;
	[tilespmem:s21+$0xFFFFFFC0] =	vst v1  }
0x17a: {  	s28 =	simm.s32 $0x2;
	v23 =	vmov s29;
	[tilespmem:v20+s20+$0x0] =	vst.idx.add.f32.msk $0xffff, v2;
	v20 =	vor.u32 v5, v17  }
0x17b: {  	v25 =	vshll.u32 v23, $0x8;
	[tilespmem:s21+$0xFFFFFFB0] =	vst v1;
	v15 =	vmov s28  }
0x17c: {  	[tilespmem:s21+$0xFFFFFF90] =	vst v1;
	v24 =	vor.u32 v5, v19;
	v22 =	vshll.u32 v15, $0x8;
	v15 =	vshll.u32 v15, $0x7  }
0x17d: {  	v23 =	vshll.u32 v23, $0x7;
	[tilespmem:s21+$0xFFFFFF80] =	vst v1;
	v22 =	vand.u32 $0x7800, v22;
	v15 =	vand.u32 $0x300, v15  }
0x17e: {  	v23 =	vand.u32 $0x380, v23;
	v15 =	vor.u32 v15, v22;
	v22 =	vand.u32 $0x7800, v25;
	[tilespmem:v16+s21+$0x0] =	vst.idx.add.f32.msk $0xffff, v2  }
0x17f: {  	[tilespmem:s22+$0x30] =	vst v1;
	v25 =	vor.u32 v0, v15;
	v16 =	vor.u32 v23, v22;
	v20 =	vld.idx.msk [tilespmem:v20+s12+$0x0], $0xffff  }
0x180: {  	v22 =	vor.u32 v0, v16;
	[tilespmem:v18+s20+$0xFFFFFF80] =	vst.idx.add.f32.msk $0xffff, v2  }
0x181: {  	[tilespmem:s22+$0x70] =	vst v1;
	v18 =	vor.u32 v8, v21;
	v23 =	vld.idx.msk [tilespmem:v24+s12+$0x0], $0xffff  }
0x182: {  	[tilespmem:s22+$0x20] =	vst v1  }
0x183: {  	[tilespmem:s22+$0x10] =	vst v1;
	v24 =	vor.u32 v6, v17  }
0x184: {  	[tilespmem:s22+$0x0] =	vst v1;
	v25 =	vld.idx.msk [tilespmem:v25+s12+$0x0], $0xffff  }
0x185: {  	v26 =	vor.u32 v6, v19;
	v22 =	vld.idx.msk [tilespmem:v22+s12+$0x0], $0xffff  }
0x186: {  	v18 =	vld.idx.msk [tilespmem:v18+s12+$0x0], $0xffff  }
0x187: {  	[tilespmem:v20+s21+$0x0] =	vst.idx.add.f32.msk $0xffff, v2  }
0x188: {  	v20 =	vld.idx.msk [tilespmem:v24+s12+$0x0], $0xffff  }
0x189: {  	[tilespmem:v23+s20+$0xFFFFFF80] =	vst.idx.add.f32.msk $0xffff, v2  }
0x18a: {  	v23 =	vor.u32 v9, v21;
	v24 =	vld.idx.msk [tilespmem:v26+s12+$0x0], $0xffff;
	_ =	sdelay $0x1  }
0x18b: {  	[tilespmem:v25+s21+$0xFFFFFF80] =	vst.idx.add.f32.msk $0xffff, v2;
	v25 =	vor.u32 v7, v17  }
0x18c: {  	[tilespmem:v22+s22+$0x0] =	vst.idx.add.f32.msk $0xffff, v2  }
0x18d: {  	v22 =	vor.u32 v7, v19;
	[tilespmem:v18+s20+$0x0] =	vst.idx.add.f32.msk $0xffff, v2  }
0x18e: {  	v18 =	vld.idx.msk [tilespmem:v23+s12+$0x0], $0xffff  }
0x18f: {  	[tilespmem:v20+s21+$0x0] =	vst.idx.add.f32.msk $0xffff, v2  }
0x190: {  	[tilespmem:s22+$0xFFFFFFE0] =	vst v1;
	v20 =	vor.u32 v3, v16;
	v23 =	vld.idx.msk [tilespmem:v25+s12+$0x0], $0xffff  }
0x191: {  	[tilespmem:v24+s20+$0xFFFFFF80] =	vst.idx.add.f32.msk $0xffff, v2  }
0x192: {  	[tilespmem:s22+$0xFFFFFFF0] =	vst v1;
	v24 =	vor.u32 v10, v21;
	v22 =	vld.idx.msk [tilespmem:v22+s12+$0x0], $0xffff  }
0x193: {  	[tilespmem:s22+$0xFFFFFFD0] =	vst v1;
	v25 =	vor.u32 v3, v15  }
0x194: {  	s23 =	simm.s32 $0x14380;
	[tilespmem:s22+$0xFFFFFFA0] =	vst v1  }
0x195: {  	[tilespmem:s23+$0x60] =	vst v1;
	v20 =	vld.idx.msk [tilespmem:v20+s12+$0x0], $0xffff  }
0x196: {  	[tilespmem:v18+s20+$0x0] =	vst.idx.add.f32.msk $0xffff, v2;
	v18 =	vor.u32 v8, v19  }
0x197: {  	[tilespmem:s23+$0x50] =	vst v1;
	v24 =	vld.idx.msk [tilespmem:v24+s12+$0x0], $0xffff  }
0x198: {  	[tilespmem:s23+$0x40] =	vst v1;
	v25 =	vld.idx.msk [tilespmem:v25+s12+$0x0], $0xffff  }
0x199: {  	[tilespmem:v23+s21+$0x0] =	vst.idx.add.f32.msk $0xffff, v2  }
0x19a: {  	[tilespmem:v22+s20+$0xFFFFFF80] =	vst.idx.add.f32.msk $0xffff, v2  }
0x19b: {  	[tilespmem:s22+$0xFFFFFFC0] =	vst v1;
	v22 =	vor.u32 v11, v21;
	v23 =	vld.idx.msk [tilespmem:v18+s12+$0x0], $0xffff  }
0x19c: {  	[tilespmem:s22+$0xFFFFFFB0] =	vst v1;
	v26 =	vor.u32 v4, v16  }
0x19d: {  	s24 =	simm.s32 $0x4;
	[tilespmem:s22+$0xFFFFFF90] =	vst v1  }
0x19e: {  	v18 =	vmov s24;
	[tilespmem:v20+s22+$0x0] =	vst.idx.add.f32.msk $0xffff, v2  }
0x19f: {  	v20 =	vshll.u32 v18, $0x8;
	v18 =	vshll.u32 v18, $0x7;
	[tilespmem:v24+s20+$0x0] =	vst.idx.add.f32.msk $0xffff, v2;
	v24 =	vor.u32 v4, v15  }
0x1a0: {  	s30 =	simm.s32 $0x7;
	v27 =	vor.u32 v8, v17;
	[tilespmem:s22+$0xFFFFFF80] =	vst v1;
	v20 =	vand.u32 $0x7800, v20;
	v18 =	vand.u32 $0x300, v18;
	v22 =	vld.idx.msk [tilespmem:v22+s12+$0x0], $0xffff  }
0x1a1: {  	[tilespmem:s23+$0x30] =	vst v1;
	v28 =	vor.u32 v9, v19;
	v26 =	vld.idx.msk [tilespmem:v26+s12+$0x0], $0xffff;
	v18 =	vor.u32 v18, v20;
	v20 =	vmov s30  }
0x1a2: {  	[tilespmem:v25+s21+$0xFFFFFF80] =	vst.idx.add.f32.msk $0xffff, v2;
	v29 =	vor.u32 v0, v18;
	v30 =	vshll.u32 v20, $0x8;
	v20 =	vshll.u32 v20, $0x7  }
0x1a3: {  	v25 =	vand.u32 $0x7800, v30;
	v20 =	vand.u32 $0x380, v20;
	[tilespmem:v23+s20+$0xFFFFFF80] =	vst.idx.add.f32.msk $0xffff, v2  }
0x1a4: {  	[tilespmem:s23+$0x70] =	vst v1;
	v20 =	vor.u32 v20, v25;
	v23 =	vld.idx.msk [tilespmem:v24+s12+$0x0], $0xffff  }
0x1a5: {  	[tilespmem:s23+$0x20] =	vst v1;
	v27 =	vld.idx.msk [tilespmem:v27+s12+$0x0], $0xffff;
	v25 =	vor.u32 v0, v20  }
0x1a6: {  	[tilespmem:s23+$0x10] =	vst v1;
	v24 =	vor.u32 v12, v21;
	v28 =	vld.idx.msk [tilespmem:v28+s12+$0x0], $0xffff  }
0x1a7: {  	[tilespmem:s23+$0x0] =	vst v1;
	v29 =	vld.idx.msk [tilespmem:v29+s12+$0x0], $0xffff  }
0x1a8: {  	[tilespmem:v22+s20+$0x0] =	vst.idx.add.f32.msk $0xffff, v2;
	v22 =	vor.u32 v5, v15  }
0x1a9: {  	[tilespmem:v26+s22+$0x0] =	vst.idx.add.f32.msk $0xffff, v2  }
0x1aa: {  	v30 =	vor.u32 v10, v19;
	v25 =	vld.idx.msk [tilespmem:v25+s12+$0x0], $0xffff  }
0x1ab: {  	v24 =	vld.idx.msk [tilespmem:v24+s12+$0x0], $0xffff  }
0x1ac: {  	v26 =	vor.u32 v5, v16;
	[tilespmem:v23+s21+$0xFFFFFF80] =	vst.idx.add.f32.msk $0xffff, v2  }
0x1ad: {  	v22 =	vld.idx.msk [tilespmem:v22+s12+$0x0], $0xffff  }
0x1ae: {  	[tilespmem:v28+s20+$0xFFFFFF80] =	vst.idx.add.f32.msk $0xffff, v2  }
0x1af: {  	v23 =	vld.idx.msk [tilespmem:v30+s12+$0x0], $0xffff  }
0x1b0: {  	[tilespmem:v27+s21+$0x0] =	vst.idx.add.f32.msk $0xffff, v2;
	v28 =	vor.u32 v13, v21  }
0x1b1: {  	v26 =	vld.idx.msk [tilespmem:v26+s12+$0x0], $0xffff  }
0x1b2: {  	[tilespmem:v29+s22+$0xFFFFFF80] =	vst.idx.add.f32.msk $0xffff, v2  }
0x1b3: {  	[tilespmem:v25+s23+$0x0] =	vst.idx.add.f32.msk $0xffff, v2;
	v25 =	vor.u32 v11, v19  }
0x1b4: {  	[tilespmem:v24+s20+$0x0] =	vst.idx.add.f32.msk $0xffff, v2  }
0x1b5: {  	v24 =	vor.u32 v6, v16;
	v28 =	vld.idx.msk [tilespmem:v28+s12+$0x0], $0xffff  }
0x1b6: {  	v27 =	vor.u32 v3, v18;
	[tilespmem:v22+s21+$0xFFFFFF80] =	vst.idx.add.f32.msk $0xffff, v2  }
0x1b7: {  	v22 =	vor.u32 v6, v15;
	[tilespmem:v23+s20+$0xFFFFFF80] =	vst.idx.add.f32.msk $0xffff, v2  }
0x1b8: {  	v30 =	vld.idx.msk [tilespmem:v25+s12+$0x0], $0xffff  }
0x1b9: {  	v29 =	vor.u32 v14, v21;
	[tilespmem:v26+s22+$0x0] =	vst.idx.add.f32.msk $0xffff, v2  }
0x1ba: {  	s31 =	simm.s32 $0x6;
	v23 =	vor.u32 v9, v17;
	v33 =	vld.idx.msk [tilespmem:v24+s12+$0x0], $0xffff  }
0x1bb: {  	[tilespmem:s23+$0xFFFFFFE0] =	vst v1;
	v27 =	vld.idx.msk [tilespmem:v27+s12+$0x0], $0xffff;
	v25 =	vmov s31  }
0x1bc: {  	[tilespmem:s23+$0xFFFFFFF0] =	vst v1;
	v34 =	vor.u32 v12, v19;
	v21 =	vshll.u32 v25, $0x8;
	v24 =	vshll.u32 v25, $0x7;
	v32 =	vld.idx.msk [tilespmem:v22+s12+$0x0], $0xffff  }
0x1bd: {  	v21 =	vand.u32 $0x7800, v21;
	v26 =	vand.u32 $0x300, v24;
	[tilespmem:v28+s20+$0x0] =	vst.idx.add.f32.msk $0xffff, v2  }
0x1be: {  	v25 =	vor.u32 v7, v15;
	v21 =	vor.u32 v26, v21;
	v22 =	vld.idx.msk [tilespmem:v29+s12+$0x0], $0xffff;
	v29 =	vor.u32 v7, v16  }
0x1bf: {  	v24 =	vor.u32 v7, v18;
	v28 =	vor.u32 v3, v20;
	v31 =	vld.idx.msk [tilespmem:v23+s12+$0x0], $0xffff;
	v23 =	vor.u32 v7, v21  }
0x1c0: {  	s25 =	simm.s32 $0x14480;
	s24 =	simm.s32 $0x8;
	v26 =	vor.u32 v0, v21;
	[tilespmem:v30+s20+$0xFFFFFF80] =	vst.idx.add.f32.msk $0xffff, v2;
	v30 =	vor.u32 v13, v19  }
.LBB2_4:
0x1c1: {  	v35 =	vmov s24;
	s26 =	sadd.s32 $0x1, s24;
	p0 =	slt.u32 s24, $0x7E;
	s24 =	sadd.s32 $0x2, s24;
	[tilespmem:s23+$0xFFFFFFD0] =	vst v1;
	v36 =	vor.u32 v4, v20;
	v37 =	vor.u32 v10, v17;
	v34 =	vld.idx.msk [tilespmem:v34+s12+$0x0], $0xffff  }
0x1c2: {  	v38 =	vshll.u32 v35, $0x8;
	v35 =	vshll.u32 v35, $0x7;
	v39 =	vmov s26;
	[tilespmem:v33+s22+$0x0] =	vst.idx.add.f32.msk $0xffff, v2  }
0x1c3: {  	[tilespmem:s25+$0xFFFFFFE0] =	vst v1;
	v33 =	vand.u32 $0x7800, v38;
	v38 =	vshll.u32 v39, $0x8;
	v39 =	vshll.u32 v39, $0x7;
	v40 =	vld.idx.msk [tilespmem:v29+s12+$0x0], $0xffff  }
0x1c4: {  	v29 =	vand.u32 $0x300, v35;
	v35 =	vand.u32 $0x7800, v38;
	v38 =	vand.u32 $0x380, v39;
	[tilespmem:s23+$0xFFFFFFA0] =	vst v1;
	v28 =	vld.idx.msk [tilespmem:v28+s12+$0x0], $0xffff  }
0x1c5: {  	v33 =	vor.u32 v29, v33;
	v29 =	vor.u32 v38, v35;
	[tilespmem:v32+s21+$0xFFFFFF80] =	vst.idx.add.f32.msk $0xffff, v2  }
0x1c6: {  	v32 =	vor.u32 v7, v33;
	[tilespmem:s25+$0x60] =	vst v1;
	v35 =	vor.u32 v0, v29;
	v38 =	vld.idx.msk [tilespmem:v25+s12+$0x0], $0xffff;
	v25 =	vmov v24  }
0x1c7: {  	v39 =	vor.u32 v8, v16;
	v24 =	vmov v23;
	v23 =	vmov v32;
	[tilespmem:v31+s21+$0x0] =	vst.idx.add.f32.msk $0xffff, v2  }
0x1c8: {  	[tilespmem:s25+$0x50] =	vst v1;
	v31 =	vld.idx.msk [tilespmem:v37+s12+$0x0], $0xffff  }
0x1c9: {  	[tilespmem:v34+s20+$0xFFFFFF80] =	vst.idx.add.f32.msk $0xffff, v2  }
0x1ca: {  	v32 =	vor.u32 v8, v15;
	[tilespmem:s25+$0x40] =	vst v1;
	v30 =	vld.idx.msk [tilespmem:v30+s12+$0x0], $0xffff  }
0x1cb: {  	v34 =	vor.u32 v0, v33;
	[tilespmem:v40+s22+$0x0] =	vst.idx.add.f32.msk $0xffff, v2  }
0x1cc: {  	[tilespmem:s23+$0xFFFFFFC0] =	vst v1;
	v37 =	vld.idx.msk [tilespmem:v39+s12+$0x0], $0xffff;
	v39 =	vor.u32 v11, v17  }
0x1cd: {  	[tilespmem:v28+s23+$0x0] =	vst.idx.add.f32.msk $0xffff, v2  }
0x1ce: {  	[tilespmem:v38+s21+$0xFFFFFF80] =	vst.idx.add.f32.msk $0xffff, v2  }
0x1cf: {  	v38 =	vor.u32 v14, v19;
	v19 =	vmovc v15;
	v15 =	vmov v18;
	v18 =	vmov v21;
	[tilespmem:s23+$0xFFFFFFB0] =	vst v1;
	v32 =	vld.idx.msk [tilespmem:v32+s12+$0x0], $0xffff  }
0x1d0: {  	v28 =	vor.u32 v3, v29;
	v21 =	vmov v33;
	[tilespmem:v31+s21+$0x0] =	vst.idx.add.f32.msk $0xffff, v2  }
0x1d1: {  	[tilespmem:s23+$0xFFFFFF90] =	vst v1;
	v31 =	vld.idx.msk [tilespmem:v39+s12+$0x0], $0xffff  }
0x1d2: {  	[tilespmem:v30+s20+$0xFFFFFF80] =	vst.idx.add.f32.msk $0xffff, v2  }
0x1d3: {  	v33 =	vor.u32 v4, v15;
	[tilespmem:s23+$0xFFFFFF80] =	vst v1;
	v30 =	vld.idx.msk [tilespmem:v36+s12+$0x0], $0xffff  }
0x1d4: {  	v36 =	vor.u32 v9, v19;
	[tilespmem:s25+$0x30] =	vst v1;
	v38 =	vld.idx.msk [tilespmem:v38+s12+$0x0], $0xffff  }
0x1d5: {  	[tilespmem:v22+s20+$0x0] =	vst.idx.add.f32.msk vm0, v2  }
0x1d6: {  	[tilespmem:v27+s22+$0xFFFFFF80] =	vst.idx.add.f32.msk $0xffff, v2  }
0x1d7: {  	[tilespmem:v32+s21+$0xFFFFFF80] =	vst.idx.add.f32.msk $0xffff, v2  }
0x1d8: {  	v27 =	vor.u32 v12, v17;
	[tilespmem:s25+$0x70] =	vst v1;
	v22 =	vld.idx.msk [tilespmem:v33+s12+$0x0], $0xffff  }
0x1d9: {  	[tilespmem:s25+$0x20] =	vst v1;
	v32 =	vld.idx.msk [tilespmem:v36+s12+$0x0], $0xffff  }
0x1da: {  	[tilespmem:s25+$0x10] =	vst v1;
	v33 =	vld.idx.msk [tilespmem:v26+s12+$0x0], $0xffff;
	v26 =	vmov v34  }
0x1db: {  	[tilespmem:v31+s21+$0x0] =	vst.idx.add.f32.msk $0xffff, v2  }
0x1dc: {  	v31 =	vor.u32 v5, v15;
	[tilespmem:v38+s20+$0xFFFFFF80] =	vst.idx.add.f32.msk vm0, v2;
	s20 =	smov.u32 s21;
	s21 =	smov.u32 s22;
	s22 =	smov.u32 s23  }
0x1dd: {  	s23 =	smov.u32 s25;
	[tilespmem:s25+$0x0] =	vst v1;
	v27 =	vld.idx.msk [tilespmem:v27+s12+$0x0], $0xffff  }
0x1de: {  	v34 =	vld.idx.msk [tilespmem:v35+s12+$0x0], $0xffff;
	v35 =	vor.u32 v10, v19  }
0x1df: {  	[tilespmem:v30+s22+$0x0] =	vst.idx.add.f32.msk $0xffff, v2;
	v30 =	vor.u32 v5, v20  }
0x1e0: {  	[tilespmem:v22+s21+$0xFFFFFF80] =	vst.idx.add.f32.msk $0xffff, v2  }
0x1e1: {  	v22 =	vld.idx.msk [tilespmem:v31+s12+$0x0], $0xffff  }
0x1e2: {  	[tilespmem:v32+s20+$0xFFFFFF80] =	vst.idx.add.f32.msk $0xffff, v2  }
0x1e3: {  	v32 =	vor.u32 v13, v17;
	v31 =	vld.idx.msk [tilespmem:v35+s12+$0x0], $0xffff  }
0x1e4: {  	v30 =	vld.idx.msk [tilespmem:v30+s12+$0x0], $0xffff  }
0x1e5: {  	[tilespmem:v33+s22+$0xFFFFFF80] =	vst.idx.add.f32.msk $0xffff, v2  }
0x1e6: {  	[tilespmem:v34+s25+$0x0] =	vst.idx.add.f32.msk $0xffff, v2  }
0x1e7: {  	v33 =	vor.u32 v11, v19;
	[tilespmem:v27+s20+$0x0] =	vst.idx.add.f32.msk $0xffff, v2  }
0x1e8: {  	v35 =	vld.idx.msk [tilespmem:v32+s12+$0x0], $0xffff  }
0x1e9: {  	v27 =	vor.u32 v6, v20;
	[tilespmem:v37+s21+$0x0] =	vst.idx.add.f32.msk $0xffff, v2  }
0x1ea: {  	v32 =	vor.u32 v3, v18;
	[tilespmem:v22+s21+$0xFFFFFF80] =	vst.idx.add.f32.msk $0xffff, v2  }
0x1eb: {  	v22 =	vor.u32 v6, v15;
	[tilespmem:v31+s20+$0xFFFFFF80] =	vst.idx.add.f32.msk $0xffff, v2  }
0x1ec: {  	v31 =	vor.u32 v9, v16;
	v36 =	vld.idx.msk [tilespmem:v33+s12+$0x0], $0xffff  }
0x1ed: {  	[tilespmem:v30+s22+$0x0] =	vst.idx.add.f32.msk $0xffff, v2  }
0x1ee: {  	v30 =	vor.u32 v14, v17;
	v17 =	vmovc v16;
	v16 =	vmov v20;
	v20 =	vmov v29;
	v33 =	vld.idx.msk [tilespmem:v27+s12+$0x0], $0xffff  }
0x1ef: {  	v27 =	vld.idx.msk [tilespmem:v32+s12+$0x0], $0xffff  }
.Ltmp1:
0x1f0: {  	v34 =	vor.u32 v12, v19;
	v32 =	vld.idx.msk [tilespmem:v22+s12+$0x0], $0xffff;
	(pc) =	sbr.rel @p0 .LBB2_4-.Ltmp1, $4  }
0x1f1: {  	v31 =	vld.idx.msk [tilespmem:v31+s12+$0x0], $0xffff  }
0x1f2: {  	v29 =	vor.u32 v7, v16;
	[tilespmem:v35+s20+$0x0] =	vst.idx.add.f32.msk $0xffff, v2  }
0x1f3: {  	[tilespmem:s25+$0xFFFFFFF0] =	vst v1;
	v22 =	vld.idx.msk [tilespmem:v30+s12+$0x0], $0xffff  }
0x1f4: {  	s25 =	sadd.s32 $0x100, s25;
	v30 =	vor.u32 v13, v19;
	[tilespmem:v36+s20+$0xFFFFFF80] =	vst.idx.add.f32.msk $0xffff, v2  }
0x1f5: {  	_ =	sdelay $0x2  }
0x1f6: {  	[tilespmem:s23+$0xFFFFFFD0] =	vst v1  }
0x1f7: {  	[tilespmem:v33+s22+$0x0] =	vst.idx.add.f32.msk $0xffff, v2  }
0x1f8: {  	[tilespmem:s23+$0xFFFFFFA0] =	vst v1  }
0x1f9: {  	[tilespmem:v32+s21+$0xFFFFFF80] =	vst.idx.add.f32.msk $0xffff, v2  }
0x1fa: {  	v34 =	vld.idx.msk [tilespmem:v34+s12+$0x0], $0xffff;
	[tilespmem:s23+$0xFFFFFFC0] =	vst v1  }
0x1fb: {  	[tilespmem:s23+$0xFFFFFFB0] =	vst v1;
	v29 =	vld.idx.msk [tilespmem:v29+s12+$0x0], $0xffff  }
0x1fc: {  	v57 =	vor.u32 v10, v17;
	v28 =	vld.idx.msk [tilespmem:v28+s12+$0x0], $0xffff;
	[tilespmem:s23+$0xFFFFFF90] =	vst v1  }
0x1fd: {  	[tilespmem:v27+s22+$0xFFFFFF80] =	vst.idx.add.f32.msk $0xffff, v2  }
0x1fe: {  	[tilespmem:v31+s21+$0x0] =	vst.idx.add.f32.msk $0xffff, v2  }
0x1ff: {  	[tilespmem:s23+$0xFFFFFF80] =	vst v1;
	v25 =	vld.idx.msk [tilespmem:v25+s12+$0x0], $0xffff;
	v31 =	vor.u32 v8, v16  }
0x200: {  	v26 =	vld.idx.msk [tilespmem:v26+s12+$0x0], $0xffff  }
0x201: {  	v58 =	vld.idx.msk [tilespmem:v57+s12+$0x0], $0xffff  }
0x202: {  	[tilespmem:v34+s20+$0xFFFFFF80] =	vst.idx.add.f32.msk $0xffff, v2  }
0x203: {  	[tilespmem:v29+s22+$0x0] =	vst.idx.add.f32.msk $0xffff, v2  }
0x204: {  	v29 =	vld.idx.msk [tilespmem:v31+s12+$0x0], $0xffff;
	v31 =	vor.u32 v3, v21  }
0x205: {  	v59 =	vor.u32 v8, v15;
	[tilespmem:v28+s23+$0x0] =	vst.idx.add.f32.msk $0xffff, v2  }
0x206: {  	v30 =	vld.idx.msk [tilespmem:v30+s12+$0x0], $0xffff  }
0x207: {  	v28 =	vor.u32 v11, v17;
	[tilespmem:v25+s21+$0xFFFFFF80] =	vst.idx.add.f32.msk $0xffff, v2  }
0x208: {  	[tilespmem:v26+s23+$0xFFFFFF80] =	vst.idx.add.f32.msk $0xffff, v2;
	v26 =	vor.u32 v4, v18  }
0x209: {  	v31 =	vld.idx.msk [tilespmem:v31+s12+$0x0], $0xffff  }
0x20a: {  	v60 =	vor.u32 v4, v20;
	v25 =	vld.idx.msk [tilespmem:v59+s12+$0x0], $0xffff  }
0x20b: {  	v19 =	vor.u32 v14, v19;
	[tilespmem:v58+s21+$0x0] =	vst.idx.add.f32.msk $0xffff, v2  }
0x20c: {  	v28 =	vld.idx.msk [tilespmem:v28+s12+$0x0], $0xffff  }
0x20d: {  	v27 =	vor.u32 v4, v21;
	v26 =	vld.idx.msk [tilespmem:v26+s12+$0x0], $0xffff  }
0x20e: {  	[tilespmem:v30+s20+$0xFFFFFF80] =	vst.idx.add.f32.msk $0xffff, v2  }
0x20f: {  	v61 =	vor.u32 v9, v15;
	v30 =	vld.idx.msk [tilespmem:v60+s12+$0x0], $0xffff  }
0x210: {  	v19 =	vld.idx.msk [tilespmem:v19+s12+$0x0], $0xffff  }
0x211: {  	[tilespmem:v31+s23+$0xFFFFFF80] =	vst.idx.add.f32.msk $0xffff, v2  }
0x212: {  	v31 =	vor.u32 v5, v18;
	v27 =	vld.idx.msk [tilespmem:v27+s12+$0x0], $0xffff  }
0x213: {  	[tilespmem:v25+s21+$0xFFFFFF80] =	vst.idx.add.f32.msk $0xffff, v2  }
0x214: {  	v62 =	vor.u32 v5, v20;
	v25 =	vld.idx.msk [tilespmem:v61+s12+$0x0], $0xffff  }
0x215: {  	[tilespmem:v28+s21+$0x0] =	vst.idx.add.f32.msk $0xffff, v2  }
0x216: {  	[tilespmem:v26+s22+$0xFFFFFF80] =	vst.idx.add.f32.msk $0xffff, v2;
	v26 =	vor.u32 v5, v21  }
0x217: {  	v31 =	vld.idx.msk [tilespmem:v31+s12+$0x0], $0xffff  }
0x218: {  	[tilespmem:v30+s23+$0x0] =	vst.idx.add.f32.msk $0xffff, v2  }
0x219: {  	v28 =	vor.u32 v12, v17;
	v32 =	vld.idx.msk [tilespmem:v62+s12+$0x0], $0xffff  }
0x21a: {  	[tilespmem:v27+s23+$0xFFFFFF80] =	vst.idx.add.f32.msk $0xffff, v2  }
0x21b: {  	v27 =	vor.u32 v6, v18;
	v26 =	vld.idx.msk [tilespmem:v26+s12+$0x0], $0xffff  }
0x21c: {  	[tilespmem:v29+s22+$0x0] =	vst.idx.add.f32.msk $0xffff, v2  }
0x21d: {  	[tilespmem:v25+s21+$0xFFFFFF80] =	vst.idx.add.f32.msk $0xffff, v2;
	v25 =	vor.u32 v6, v20  }
0x21e: {  	v28 =	vld.idx.msk [tilespmem:v28+s12+$0x0], $0xffff  }
0x21f: {  	[tilespmem:v31+s22+$0xFFFFFF80] =	vst.idx.add.f32.msk $0xffff, v2;
	v31 =	vor.u32 v6, v21  }
0x220: {  	v30 =	vor.u32 v10, v15;
	v27 =	vld.idx.msk [tilespmem:v27+s12+$0x0], $0xffff  }
0x221: {  	[tilespmem:v32+s23+$0x0] =	vst.idx.add.f32.msk $0xffff, v2  }
0x222: {  	v63 =	vor.u32 v13, v17;
	v25 =	vld.idx.msk [tilespmem:v25+s12+$0x0], $0xffff  }
0x223: {  	[tilespmem:v26+s23+$0xFFFFFF80] =	vst.idx.add.f32.msk $0xffff, v2  }
0x224: {  	v26 =	vld.idx.msk [tilespmem:v31+s12+$0x0], $0xffff  }
0x225: {  	v30 =	vld.idx.msk [tilespmem:v30+s12+$0x0], $0xffff  }
0x226: {  	[tilespmem:v28+s21+$0x0] =	vst.idx.add.f32.msk $0xffff, v2;
	v31 =	vor.u32 v7, v20  }
0x227: {  	v28 =	vld.idx.msk [tilespmem:v63+s12+$0x0], $0xffff  }
0x228: {  	[tilespmem:v27+s22+$0xFFFFFF80] =	vst.idx.add.f32.msk $0xffff, v2  }
0x229: {  	v24 =	vld.idx.msk [tilespmem:v24+s12+$0x0], $0xffff  }
0x22a: {  	[tilespmem:v25+s23+$0x0] =	vst.idx.add.f32.msk $0xffff, v2  }
0x22b: {  	v27 =	vor.u32 v11, v15;
	v29 =	vld.idx.msk [tilespmem:v31+s12+$0x0], $0xffff  }
0x22c: {  	[tilespmem:v26+s23+$0xFFFFFF80] =	vst.idx.add.f32.msk $0xffff, v2  }
0x22d: {  	v26 =	vor.u32 v8, v18;
	v23 =	vld.idx.msk [tilespmem:v23+s12+$0x0], $0xffff  }
0x22e: {  	[tilespmem:v30+s21+$0xFFFFFF80] =	vst.idx.add.f32.msk $0xffff, v2  }
0x22f: {  	v30 =	vor.u32 v8, v20;
	[tilespmem:v28+s21+$0x0] =	vst.idx.add.f32.msk $0xffff, v2  }
0x230: {  	v27 =	vld.idx.msk [tilespmem:v27+s12+$0x0], $0xffff  }
0x231: {  	[tilespmem:v24+s22+$0xFFFFFF80] =	vst.idx.add.f32.msk $0xffff, v2;
	v24 =	vor.u32 v8, v21  }
0x232: {  	v17 =	vor.u32 v14, v17;
	v26 =	vld.idx.msk [tilespmem:v26+s12+$0x0], $0xffff  }
0x233: {  	v25 =	vor.u32 v9, v16;
	[tilespmem:v29+s23+$0x0] =	vst.idx.add.f32.msk $0xffff, v2  }
0x234: {  	v29 =	vld.idx.msk [tilespmem:v30+s12+$0x0], $0xffff  }
0x235: {  	[tilespmem:v23+s23+$0xFFFFFF80] =	vst.idx.add.f32.msk $0xffff, v2  }
0x236: {  	v23 =	vor.u32 v9, v18;
	v24 =	vld.idx.msk [tilespmem:v24+s12+$0x0], $0xffff  }
0x237: {  	v17 =	vld.idx.msk [tilespmem:v17+s12+$0x0], $0xffff  }
0x238: {  	v28 =	vor.u32 v9, v20;
	v25 =	vld.idx.msk [tilespmem:v25+s12+$0x0], $0xffff  }
0x239: {  	[tilespmem:v27+s21+$0xFFFFFF80] =	vst.idx.add.f32.msk $0xffff, v2  }
0x23a: {  	[tilespmem:v26+s22+$0xFFFFFF80] =	vst.idx.add.f32.msk $0xffff, v2;
	v26 =	vor.u32 v9, v21  }
0x23b: {  	v23 =	vld.idx.msk [tilespmem:v23+s12+$0x0], $0xffff  }
0x23c: {  	v27 =	vor.u32 v12, v15;
	[tilespmem:v29+s23+$0x0] =	vst.idx.add.f32.msk $0xffff, v2  }
0x23d: {  	v29 =	vor.u32 v10, v16;
	v28 =	vld.idx.msk [tilespmem:v28+s12+$0x0], $0xffff  }
0x23e: {  	[tilespmem:v24+s23+$0xFFFFFF80] =	vst.idx.add.f32.msk $0xffff, v2  }
0x23f: {  	v24 =	vor.u32 v10, v18;
	v26 =	vld.idx.msk [tilespmem:v26+s12+$0x0], $0xffff  }
0x240: {  	[tilespmem:v25+s22+$0x0] =	vst.idx.add.f32.msk $0xffff, v2  }
0x241: {  	v25 =	vor.u32 v10, v20;
	v27 =	vld.idx.msk [tilespmem:v27+s12+$0x0], $0xffff  }
0x242: {  	v29 =	vld.idx.msk [tilespmem:v29+s12+$0x0], $0xffff  }
0x243: {  	[tilespmem:v23+s22+$0xFFFFFF80] =	vst.idx.add.f32.msk $0xffff, v2;
	v23 =	vor.u32 v10, v21  }
0x244: {  	v24 =	vld.idx.msk [tilespmem:v24+s12+$0x0], $0xffff  }
0x245: {  	[tilespmem:v28+s23+$0x0] =	vst.idx.add.f32.msk $0xffff, v2  }
0x246: {  	v28 =	vor.u32 v11, v16;
	v25 =	vld.idx.msk [tilespmem:v25+s12+$0x0], $0xffff  }
0x247: {  	[tilespmem:v26+s23+$0xFFFFFF80] =	vst.idx.add.f32.msk $0xffff, v2  }
0x248: {  	v26 =	vor.u32 v11, v18;
	v23 =	vld.idx.msk [tilespmem:v23+s12+$0x0], $0xffff  }
0x249: {  	[tilespmem:v27+s21+$0xFFFFFF80] =	vst.idx.add.f32.msk $0xffff, v2  }
0x24a: {  	v27 =	vor.u32 v11, v20;
	[tilespmem:v29+s22+$0x0] =	vst.idx.add.f32.msk $0xffff, v2  }
0x24b: {  	v28 =	vld.idx.msk [tilespmem:v28+s12+$0x0], $0xffff  }
0x24c: {  	[tilespmem:v24+s22+$0xFFFFFF80] =	vst.idx.add.f32.msk $0xffff, v2;
	v24 =	vor.u32 v11, v21  }
0x24d: {  	v29 =	vor.u32 v13, v15;
	v26 =	vld.idx.msk [tilespmem:v26+s12+$0x0], $0xffff  }
0x24e: {  	[tilespmem:v25+s23+$0x0] =	vst.idx.add.f32.msk $0xffff, v2  }
0x24f: {  	v25 =	vor.u32 v12, v16;
	v27 =	vld.idx.msk [tilespmem:v27+s12+$0x0], $0xffff  }
0x250: {  	[tilespmem:v23+s23+$0xFFFFFF80] =	vst.idx.add.f32.msk $0xffff, v2  }
0x251: {  	v23 =	vor.u32 v12, v18;
	v24 =	vld.idx.msk [tilespmem:v24+s12+$0x0], $0xffff  }
0x252: {  	v29 =	vld.idx.msk [tilespmem:v29+s12+$0x0], $0xffff  }
0x253: {  	[tilespmem:v28+s22+$0x0] =	vst.idx.add.f32.msk $0xffff, v2;
	v28 =	vor.u32 v12, v20  }
0x254: {  	v25 =	vld.idx.msk [tilespmem:v25+s12+$0x0], $0xffff  }
0x255: {  	[tilespmem:v26+s22+$0xFFFFFF80] =	vst.idx.add.f32.msk $0xffff, v2;
	v26 =	vor.u32 v12, v21  }
0x256: {  	v23 =	vld.idx.msk [tilespmem:v23+s12+$0x0], $0xffff  }
0x257: {  	[tilespmem:v27+s23+$0x0] =	vst.idx.add.f32.msk $0xffff, v2  }
0x258: {  	v27 =	vor.u32 v13, v16;
	v28 =	vld.idx.msk [tilespmem:v28+s12+$0x0], $0xffff  }
0x259: {  	[tilespmem:v24+s23+$0xFFFFFF80] =	vst.idx.add.f32.msk $0xffff, v2  }
0x25a: {  	v24 =	vor.u32 v13, v18;
	v26 =	vld.idx.msk [tilespmem:v26+s12+$0x0], $0xffff  }
0x25b: {  	[tilespmem:v29+s21+$0xFFFFFF80] =	vst.idx.add.f32.msk $0xffff, v2  }
0x25c: {  	[tilespmem:v25+s22+$0x0] =	vst.idx.add.f32.msk $0xffff, v2;
	v25 =	vor.u32 v13, v20  }
0x25d: {  	v27 =	vld.idx.msk [tilespmem:v27+s12+$0x0], $0xffff  }
0x25e: {  	[tilespmem:v23+s22+$0xFFFFFF80] =	vst.idx.add.f32.msk $0xffff, v2;
	v23 =	vor.u32 v13, v21  }
0x25f: {  	v15 =	vor.u32 v14, v15;
	v24 =	vld.idx.msk [tilespmem:v24+s12+$0x0], $0xffff  }
0x260: {  	[tilespmem:v28+s23+$0x0] =	vst.idx.add.f32.msk $0xffff, v2  }
0x261: {  	v16 =	vor.u32 v14, v16;
	v25 =	vld.idx.msk [tilespmem:v25+s12+$0x0], $0xffff  }
0x262: {  	[tilespmem:v26+s23+$0xFFFFFF80] =	vst.idx.add.f32.msk $0xffff, v2  }
0x263: {  	v18 =	vor.u32 v14, v18;
	v23 =	vld.idx.msk [tilespmem:v23+s12+$0x0], $0xffff  }
0x264: {  	v15 =	vld.idx.msk [tilespmem:v15+s12+$0x0], $0xffff  }
0x265: {  	v20 =	vor.u32 v14, v20;
	[tilespmem:v27+s22+$0x0] =	vst.idx.add.f32.msk $0xffff, v2  }
0x266: {  	v16 =	vld.idx.msk [tilespmem:v16+s12+$0x0], $0xffff  }
0x267: {  	v21 =	vor.u32 v14, v21;
	[tilespmem:v24+s22+$0xFFFFFF80] =	vst.idx.add.f32.msk $0xffff, v2  }
0x268: {  	v18 =	vld.idx.msk [tilespmem:v18+s12+$0x0], $0xffff  }
0x269: {  	[tilespmem:v25+s23+$0x0] =	vst.idx.add.f32.msk $0xffff, v2  }
0x26a: {  	v20 =	vld.idx.msk [tilespmem:v20+s12+$0x0], $0xffff  }
0x26b: {  	[tilespmem:v23+s23+$0xFFFFFF80] =	vst.idx.add.f32.msk $0xffff, v2  }
0x26c: {  	v21 =	vld.idx.msk [tilespmem:v21+s12+$0x0], $0xffff  }
0x26d: {  	[tilespmem:v22+s20+$0x0] =	vst.idx.add.f32.msk vm0, v2  }
0x26e: {  	[tilespmem:v19+s20+$0xFFFFFF80] =	vst.idx.add.f32.msk vm0, v2  }
0x26f: {  	[tilespmem:v17+s21+$0x0] =	vst.idx.add.f32.msk vm0, v2  }
0x270: {  	[tilespmem:v15+s21+$0xFFFFFF80] =	vst.idx.add.f32.msk vm0, v2  }
0x271: {  	[tilespmem:v16+s22+$0x0] =	vst.idx.add.f32.msk vm0, v2  }
0x272: {  	[tilespmem:v18+s22+$0xFFFFFF80] =	vst.idx.add.f32.msk vm0, v2  }
0x273: {  	[tilespmem:v20+s23+$0x0] =	vst.idx.add.f32.msk vm0, v2  }
0x274: {  	s24 =	simm.s32 $0x0;
	[tilespmem:v21+s23+$0xFFFFFF80] =	vst.idx.add.f32.msk vm0, v2  }
0x275: {  	[hbm4b:s7+s24] =	stream.linear.scatter [tilespmem:s16], [sflag:$0x4], $0x4000, $0x38;
	[tilespmem:$0x18000] =	vst v63  }
0x276: {  	_ = 	snop  }
0x277: {  	[tilespmem:s12], [sflag:$0x2] =	stream.linear.gather [hbm4b:s8+s24], $0x8000, $0x38;
	[tilespmem:$0x18000] =	vst v63  }
0x278: {  	_ =	swait.ge [sflag:s13], $0x8000  }
0x279: {  	[sflag:s13] =	ssyncset.done $0x0  }
0x27a: {  	[sflag:s13] =	ssyncadd.s32 $0xFFFF8000  }
0x27b: {  	_ =	swait.ge [sflag:s17], $0x4000  }
0x27c: {  	s25 =	simm.s32 $0x1;
	[sflag:s17] =	ssyncset.done $0x0  }
0x27d: {  	s20 =	simm.s32 $0x10080;
	v15 =	vmov s25;
	[sflag:s17] =	ssyncadd.s32 $0xFFFFC000  }
0x27e: {  	v16 =	vshll.u32 v15, $0x8;
	v15 =	vshll.u32 v15, $0x7;
	[tilespmem:s20+$0x60] =	vst v1  }
0x27f: {  	v16 =	vand.u32 $0x7800, v16;
	v15 =	vand.u32 $0x380, v15;
	[tilespmem:s20+$0x50] =	vst v1  }
0x280: {  	v21 =	vor.u32 v15, v16;
	[tilespmem:s20+$0x40] =	vst v1  }
0x281: {  	v15 =	vor.u32 v0, v21;
	[tilespmem:s20+$0x30] =	vst v1  }
0x282: {  	[tilespmem:s20+$0x70] =	vst v1  }
0x283: {  	[tilespmem:s20+$0x20] =	vst v1  }
0x284: {  	[tilespmem:s20+$0x10] =	vst v1  }
0x285: {  	[tilespmem:s20+$0x0] =	vst v1  }
0x286: {  	v15 =	vld.idx.msk [tilespmem:v15+s2+$0x0], $0xffff;
	_ =	sdelay $0x3  }
0x287: {  	v16 =	vor.u32 v3, v21;
	_ =	sdelay $0x3  }
0x288: {  	[tilespmem:v15+s20+$0x0] =	vst.idx.add.f32.msk $0xffff, v2  }
0x289: {  	v15 =	vld.idx.msk [tilespmem:v16+s2+$0x0], $0xffff;
	_ =	sdelay $0x3  }
0x28a: {  	v16 =	vor.u32 v4, v21;
	_ =	sdelay $0x1  }
0x28b: {  	[tilespmem:s20+$0xFFFFFFE0] =	vst v1  }
0x28c: {  	[tilespmem:s20+$0xFFFFFFF0] =	vst v1  }
0x28d: {  	[tilespmem:v15+s20+$0x0] =	vst.idx.add.f32.msk $0xffff, v2  }
0x28e: {  	[tilespmem:s20+$0xFFFFFFD0] =	vst v1;
	v15 =	vld.idx.msk [tilespmem:v16+s2+$0x0], $0xffff  }
0x28f: {  	s21 =	simm.s32 $0x10180;
	[tilespmem:s20+$0xFFFFFFA0] =	vst v1  }
0x290: {  	[tilespmem:s21+$0x60] =	vst v1  }
0x291: {  	s26 =	simm.s32 $0x3;
	[tilespmem:s21+$0x50] =	vst v1  }
0x292: {  	v17 =	vmov s26;
	[tilespmem:s21+$0x40] =	vst v1;
	v16 =	vor.u32 v5, v21  }
0x293: {  	v18 =	vshll.u32 v17, $0x8;
	v17 =	vshll.u32 v17, $0x7;
	[tilespmem:s20+$0xFFFFFFC0] =	vst v1  }
0x294: {  	v19 =	vmov s24;
	v18 =	vand.u32 $0x7800, v18;
	v17 =	vand.u32 $0x380, v17;
	[tilespmem:s20+$0xFFFFFFB0] =	vst v1  }
0x295: {  	v20 =	vshll.u32 v19, $0x8;
	v19 =	vshll.u32 v19, $0x7;
	v17 =	vor.u32 v17, v18;
	[tilespmem:s21+$0x30] =	vst v1  }
0x296: {  	v18 =	vand.u32 $0x300, v19;
	[tilespmem:v15+s20+$0x0] =	vst.idx.add.f32.msk $0xffff, v2;
	v15 =	vand.u32 $0x7800, v20;
	v20 =	vor.u32 v0, v17  }
0x297: {  	[tilespmem:s21+$0x70] =	vst v1;
	v16 =	vld.idx.msk [tilespmem:v16+s2+$0x0], $0xffff;
	v19 =	vor.u32 v18, v15  }
0x298: {  	[tilespmem:s21+$0x20] =	vst v1;
	v15 =	vor.u32 v0, v19  }
0x299: {  	[tilespmem:s21+$0x10] =	vst v1  }
0x29a: {  	[tilespmem:s21+$0x0] =	vst v1  }
0x29b: {  	[tilespmem:s20+$0xFFFFFF90] =	vst v1;
	v18 =	vor.u32 v6, v21;
	v20 =	vld.idx.msk [tilespmem:v20+s2+$0x0], $0xffff  }
0x29c: {  	[tilespmem:s20+$0xFFFFFF80] =	vst v1  }
0x29d: {  	v15 =	vld.idx.msk [tilespmem:v15+s2+$0x0], $0xffff;
	_ =	sdelay $0x1  }
0x29e: {  	[tilespmem:v16+s20+$0x0] =	vst.idx.add.f32.msk $0xffff, v2;
	v16 =	vor.u32 v3, v17  }
0x29f: {  	v18 =	vld.idx.msk [tilespmem:v18+s2+$0x0], $0xffff  }
0x2a0: {  	v22 =	vor.u32 v3, v19;
	_ =	sdelay $0x1  }
0x2a1: {  	[tilespmem:v20+s21+$0x0] =	vst.idx.add.f32.msk $0xffff, v2  }
0x2a2: {  	v20 =	vor.u32 v7, v21;
	v16 =	vld.idx.msk [tilespmem:v16+s2+$0x0], $0xffff  }
0x2a3: {  	[tilespmem:v15+s20+$0xFFFFFF80] =	vst.idx.add.f32.msk $0xffff, v2  }
0x2a4: {  	[tilespmem:s21+$0xFFFFFFE0] =	vst v1;
	v15 =	vld.idx.msk [tilespmem:v22+s2+$0x0], $0xffff  }
0x2a5: {  	[tilespmem:s21+$0xFFFFFFF0] =	vst v1  }
0x2a6: {  	[tilespmem:v18+s20+$0x0] =	vst.idx.add.f32.msk $0xffff, v2;
	v18 =	vor.u32 v4, v17  }
0x2a7: {  	[tilespmem:s21+$0xFFFFFFD0] =	vst v1;
	v20 =	vld.idx.msk [tilespmem:v20+s2+$0x0], $0xffff  }
0x2a8: {  	s22 =	simm.s32 $0x10280;
	[tilespmem:s21+$0xFFFFFFA0] =	vst v1;
	v22 =	vor.u32 v4, v19  }
0x2a9: {  	[tilespmem:s22+$0x60] =	vst v1  }
0x2aa: {  	[tilespmem:v16+s21+$0x0] =	vst.idx.add.f32.msk $0xffff, v2  }
0x2ab: {  	[tilespmem:s22+$0x50] =	vst v1;
	v16 =	vld.idx.msk [tilespmem:v18+s2+$0x0], $0xffff  }
0x2ac: {  	[tilespmem:v15+s20+$0xFFFFFF80] =	vst.idx.add.f32.msk $0xffff, v2  }
0x2ad: {  	[tilespmem:s22+$0x40] =	vst v1;
	v18 =	vld.idx.msk [tilespmem:v22+s2+$0x0], $0xffff  }
0x2ae: {  	s29 =	simm.s32 $0x5;
	[tilespmem:s21+$0xFFFFFFC0] =	vst v1  }
0x2af: {  	s28 =	simm.s32 $0x2;
	v23 =	vmov s29;
	[tilespmem:v20+s20+$0x0] =	vst.idx.add.f32.msk $0xffff, v2;
	v20 =	vor.u32 v5, v17  }
0x2b0: {  	v25 =	vshll.u32 v23, $0x8;
	[tilespmem:s21+$0xFFFFFFB0] =	vst v1;
	v15 =	vmov s28  }
0x2b1: {  	[tilespmem:s21+$0xFFFFFF90] =	vst v1;
	v24 =	vor.u32 v5, v19;
	v22 =	vshll.u32 v15, $0x8;
	v15 =	vshll.u32 v15, $0x7  }
0x2b2: {  	v23 =	vshll.u32 v23, $0x7;
	[tilespmem:s21+$0xFFFFFF80] =	vst v1;
	v22 =	vand.u32 $0x7800, v22;
	v15 =	vand.u32 $0x300, v15  }
0x2b3: {  	v23 =	vand.u32 $0x380, v23;
	v15 =	vor.u32 v15, v22;
	v22 =	vand.u32 $0x7800, v25;
	[tilespmem:v16+s21+$0x0] =	vst.idx.add.f32.msk $0xffff, v2  }
0x2b4: {  	[tilespmem:s22+$0x30] =	vst v1;
	v25 =	vor.u32 v0, v15;
	v16 =	vor.u32 v23, v22;
	v20 =	vld.idx.msk [tilespmem:v20+s2+$0x0], $0xffff  }
0x2b5: {  	v22 =	vor.u32 v0, v16;
	[tilespmem:v18+s20+$0xFFFFFF80] =	vst.idx.add.f32.msk $0xffff, v2  }
0x2b6: {  	[tilespmem:s22+$0x70] =	vst v1;
	v18 =	vor.u32 v8, v21;
	v23 =	vld.idx.msk [tilespmem:v24+s2+$0x0], $0xffff  }
0x2b7: {  	[tilespmem:s22+$0x20] =	vst v1  }
0x2b8: {  	[tilespmem:s22+$0x10] =	vst v1;
	v24 =	vor.u32 v6, v17  }
0x2b9: {  	[tilespmem:s22+$0x0] =	vst v1;
	v25 =	vld.idx.msk [tilespmem:v25+s2+$0x0], $0xffff  }
0x2ba: {  	v26 =	vor.u32 v6, v19;
	v22 =	vld.idx.msk [tilespmem:v22+s2+$0x0], $0xffff  }
0x2bb: {  	v18 =	vld.idx.msk [tilespmem:v18+s2+$0x0], $0xffff  }
0x2bc: {  	[tilespmem:v20+s21+$0x0] =	vst.idx.add.f32.msk $0xffff, v2  }
0x2bd: {  	v20 =	vld.idx.msk [tilespmem:v24+s2+$0x0], $0xffff  }
0x2be: {  	[tilespmem:v23+s20+$0xFFFFFF80] =	vst.idx.add.f32.msk $0xffff, v2  }
0x2bf: {  	v23 =	vor.u32 v9, v21;
	v24 =	vld.idx.msk [tilespmem:v26+s2+$0x0], $0xffff;
	_ =	sdelay $0x1  }
0x2c0: {  	[tilespmem:v25+s21+$0xFFFFFF80] =	vst.idx.add.f32.msk $0xffff, v2;
	v25 =	vor.u32 v7, v17  }
0x2c1: {  	[tilespmem:v22+s22+$0x0] =	vst.idx.add.f32.msk $0xffff, v2  }
0x2c2: {  	v22 =	vor.u32 v7, v19;
	[tilespmem:v18+s20+$0x0] =	vst.idx.add.f32.msk $0xffff, v2  }
0x2c3: {  	v18 =	vld.idx.msk [tilespmem:v23+s2+$0x0], $0xffff  }
0x2c4: {  	[tilespmem:v20+s21+$0x0] =	vst.idx.add.f32.msk $0xffff, v2  }
0x2c5: {  	[tilespmem:s22+$0xFFFFFFE0] =	vst v1;
	v20 =	vor.u32 v3, v16;
	v23 =	vld.idx.msk [tilespmem:v25+s2+$0x0], $0xffff  }
0x2c6: {  	[tilespmem:v24+s20+$0xFFFFFF80] =	vst.idx.add.f32.msk $0xffff, v2  }
0x2c7: {  	[tilespmem:s22+$0xFFFFFFF0] =	vst v1;
	v24 =	vor.u32 v10, v21;
	v22 =	vld.idx.msk [tilespmem:v22+s2+$0x0], $0xffff  }
0x2c8: {  	[tilespmem:s22+$0xFFFFFFD0] =	vst v1;
	v25 =	vor.u32 v3, v15  }
0x2c9: {  	s23 =	simm.s32 $0x10380;
	[tilespmem:s22+$0xFFFFFFA0] =	vst v1  }
0x2ca: {  	[tilespmem:s23+$0x60] =	vst v1;
	v20 =	vld.idx.msk [tilespmem:v20+s2+$0x0], $0xffff  }
0x2cb: {  	[tilespmem:v18+s20+$0x0] =	vst.idx.add.f32.msk $0xffff, v2;
	v18 =	vor.u32 v8, v19  }
0x2cc: {  	[tilespmem:s23+$0x50] =	vst v1;
	v24 =	vld.idx.msk [tilespmem:v24+s2+$0x0], $0xffff  }
0x2cd: {  	[tilespmem:s23+$0x40] =	vst v1;
	v25 =	vld.idx.msk [tilespmem:v25+s2+$0x0], $0xffff  }
0x2ce: {  	[tilespmem:v23+s21+$0x0] =	vst.idx.add.f32.msk $0xffff, v2  }
0x2cf: {  	[tilespmem:v22+s20+$0xFFFFFF80] =	vst.idx.add.f32.msk $0xffff, v2  }
0x2d0: {  	[tilespmem:s22+$0xFFFFFFC0] =	vst v1;
	v22 =	vor.u32 v11, v21;
	v23 =	vld.idx.msk [tilespmem:v18+s2+$0x0], $0xffff  }
0x2d1: {  	[tilespmem:s22+$0xFFFFFFB0] =	vst v1;
	v26 =	vor.u32 v4, v16  }
0x2d2: {  	s24 =	simm.s32 $0x4;
	[tilespmem:s22+$0xFFFFFF90] =	vst v1  }
0x2d3: {  	v18 =	vmov s24;
	[tilespmem:v20+s22+$0x0] =	vst.idx.add.f32.msk $0xffff, v2  }
0x2d4: {  	v20 =	vshll.u32 v18, $0x8;
	v18 =	vshll.u32 v18, $0x7;
	[tilespmem:v24+s20+$0x0] =	vst.idx.add.f32.msk $0xffff, v2;
	v24 =	vor.u32 v4, v15  }
0x2d5: {  	s30 =	simm.s32 $0x7;
	v27 =	vor.u32 v8, v17;
	[tilespmem:s22+$0xFFFFFF80] =	vst v1;
	v20 =	vand.u32 $0x7800, v20;
	v18 =	vand.u32 $0x300, v18;
	v22 =	vld.idx.msk [tilespmem:v22+s2+$0x0], $0xffff  }
0x2d6: {  	[tilespmem:s23+$0x30] =	vst v1;
	v28 =	vor.u32 v9, v19;
	v26 =	vld.idx.msk [tilespmem:v26+s2+$0x0], $0xffff;
	v18 =	vor.u32 v18, v20;
	v20 =	vmov s30  }
0x2d7: {  	[tilespmem:v25+s21+$0xFFFFFF80] =	vst.idx.add.f32.msk $0xffff, v2;
	v29 =	vor.u32 v0, v18;
	v30 =	vshll.u32 v20, $0x8;
	v20 =	vshll.u32 v20, $0x7  }
0x2d8: {  	v25 =	vand.u32 $0x7800, v30;
	v20 =	vand.u32 $0x380, v20;
	[tilespmem:v23+s20+$0xFFFFFF80] =	vst.idx.add.f32.msk $0xffff, v2  }
0x2d9: {  	[tilespmem:s23+$0x70] =	vst v1;
	v20 =	vor.u32 v20, v25;
	v23 =	vld.idx.msk [tilespmem:v24+s2+$0x0], $0xffff  }
0x2da: {  	[tilespmem:s23+$0x20] =	vst v1;
	v27 =	vld.idx.msk [tilespmem:v27+s2+$0x0], $0xffff;
	v25 =	vor.u32 v0, v20  }
0x2db: {  	[tilespmem:s23+$0x10] =	vst v1;
	v24 =	vor.u32 v12, v21;
	v28 =	vld.idx.msk [tilespmem:v28+s2+$0x0], $0xffff  }
0x2dc: {  	[tilespmem:s23+$0x0] =	vst v1;
	v29 =	vld.idx.msk [tilespmem:v29+s2+$0x0], $0xffff  }
0x2dd: {  	[tilespmem:v22+s20+$0x0] =	vst.idx.add.f32.msk $0xffff, v2;
	v22 =	vor.u32 v5, v15  }
0x2de: {  	[tilespmem:v26+s22+$0x0] =	vst.idx.add.f32.msk $0xffff, v2  }
0x2df: {  	v30 =	vor.u32 v10, v19;
	v25 =	vld.idx.msk [tilespmem:v25+s2+$0x0], $0xffff  }
0x2e0: {  	v24 =	vld.idx.msk [tilespmem:v24+s2+$0x0], $0xffff  }
0x2e1: {  	v26 =	vor.u32 v5, v16;
	[tilespmem:v23+s21+$0xFFFFFF80] =	vst.idx.add.f32.msk $0xffff, v2  }
0x2e2: {  	v22 =	vld.idx.msk [tilespmem:v22+s2+$0x0], $0xffff  }
0x2e3: {  	[tilespmem:v28+s20+$0xFFFFFF80] =	vst.idx.add.f32.msk $0xffff, v2  }
0x2e4: {  	v23 =	vld.idx.msk [tilespmem:v30+s2+$0x0], $0xffff  }
0x2e5: {  	[tilespmem:v27+s21+$0x0] =	vst.idx.add.f32.msk $0xffff, v2;
	v28 =	vor.u32 v13, v21  }
0x2e6: {  	v26 =	vld.idx.msk [tilespmem:v26+s2+$0x0], $0xffff  }
0x2e7: {  	[tilespmem:v29+s22+$0xFFFFFF80] =	vst.idx.add.f32.msk $0xffff, v2  }
0x2e8: {  	[tilespmem:v25+s23+$0x0] =	vst.idx.add.f32.msk $0xffff, v2;
	v25 =	vor.u32 v11, v19  }
0x2e9: {  	[tilespmem:v24+s20+$0x0] =	vst.idx.add.f32.msk $0xffff, v2  }
0x2ea: {  	v24 =	vor.u32 v6, v16;
	v28 =	vld.idx.msk [tilespmem:v28+s2+$0x0], $0xffff  }
0x2eb: {  	v27 =	vor.u32 v3, v18;
	[tilespmem:v22+s21+$0xFFFFFF80] =	vst.idx.add.f32.msk $0xffff, v2  }
0x2ec: {  	v22 =	vor.u32 v6, v15;
	[tilespmem:v23+s20+$0xFFFFFF80] =	vst.idx.add.f32.msk $0xffff, v2  }
0x2ed: {  	v30 =	vld.idx.msk [tilespmem:v25+s2+$0x0], $0xffff  }
0x2ee: {  	v29 =	vor.u32 v14, v21;
	[tilespmem:v26+s22+$0x0] =	vst.idx.add.f32.msk $0xffff, v2  }
0x2ef: {  	s31 =	simm.s32 $0x6;
	v23 =	vor.u32 v9, v17;
	v33 =	vld.idx.msk [tilespmem:v24+s2+$0x0], $0xffff  }
0x2f0: {  	[tilespmem:s23+$0xFFFFFFE0] =	vst v1;
	v27 =	vld.idx.msk [tilespmem:v27+s2+$0x0], $0xffff;
	v25 =	vmov s31  }
0x2f1: {  	[tilespmem:s23+$0xFFFFFFF0] =	vst v1;
	v34 =	vor.u32 v12, v19;
	v21 =	vshll.u32 v25, $0x8;
	v24 =	vshll.u32 v25, $0x7;
	v32 =	vld.idx.msk [tilespmem:v22+s2+$0x0], $0xffff  }
0x2f2: {  	v21 =	vand.u32 $0x7800, v21;
	v26 =	vand.u32 $0x300, v24;
	[tilespmem:v28+s20+$0x0] =	vst.idx.add.f32.msk $0xffff, v2  }
0x2f3: {  	v25 =	vor.u32 v7, v15;
	v21 =	vor.u32 v26, v21;
	v22 =	vld.idx.msk [tilespmem:v29+s2+$0x0], $0xffff;
	v29 =	vor.u32 v7, v16  }
0x2f4: {  	v24 =	vor.u32 v7, v18;
	v28 =	vor.u32 v3, v20;
	v31 =	vld.idx.msk [tilespmem:v23+s2+$0x0], $0xffff;
	v23 =	vor.u32 v7, v21  }
0x2f5: {  	s25 =	simm.s32 $0x10480;
	s24 =	simm.s32 $0x8;
	v26 =	vor.u32 v0, v21;
	[tilespmem:v30+s20+$0xFFFFFF80] =	vst.idx.add.f32.msk $0xffff, v2;
	v30 =	vor.u32 v13, v19  }
.LBB2_6:
0x2f6: {  	v35 =	vmov s24;
	s26 =	sadd.s32 $0x1, s24;
	p0 =	slt.u32 s24, $0x7E;
	s24 =	sadd.s32 $0x2, s24;
	[tilespmem:s23+$0xFFFFFFD0] =	vst v1;
	v36 =	vor.u32 v4, v20;
	v37 =	vor.u32 v10, v17;
	v34 =	vld.idx.msk [tilespmem:v34+s2+$0x0], $0xffff  }
0x2f7: {  	v38 =	vshll.u32 v35, $0x8;
	v35 =	vshll.u32 v35, $0x7;
	v39 =	vmov s26;
	[tilespmem:v33+s22+$0x0] =	vst.idx.add.f32.msk $0xffff, v2  }
0x2f8: {  	[tilespmem:s25+$0xFFFFFFE0] =	vst v1;
	v33 =	vand.u32 $0x7800, v38;
	v38 =	vshll.u32 v39, $0x8;
	v39 =	vshll.u32 v39, $0x7;
	v40 =	vld.idx.msk [tilespmem:v29+s2+$0x0], $0xffff  }
0x2f9: {  	v29 =	vand.u32 $0x300, v35;
	v35 =	vand.u32 $0x7800, v38;
	v38 =	vand.u32 $0x380, v39;
	[tilespmem:s23+$0xFFFFFFA0] =	vst v1;
	v28 =	vld.idx.msk [tilespmem:v28+s2+$0x0], $0xffff  }
0x2fa: {  	v33 =	vor.u32 v29, v33;
	v29 =	vor.u32 v38, v35;
	[tilespmem:v32+s21+$0xFFFFFF80] =	vst.idx.add.f32.msk $0xffff, v2  }
0x2fb: {  	v32 =	vor.u32 v7, v33;
	[tilespmem:s25+$0x60] =	vst v1;
	v35 =	vor.u32 v0, v29;
	v38 =	vld.idx.msk [tilespmem:v25+s2+$0x0], $0xffff;
	v25 =	vmov v24  }
0x2fc: {  	v39 =	vor.u32 v8, v16;
	v24 =	vmov v23;
	v23 =	vmov v32;
	[tilespmem:v31+s21+$0x0] =	vst.idx.add.f32.msk $0xffff, v2  }
0x2fd: {  	[tilespmem:s25+$0x50] =	vst v1;
	v31 =	vld.idx.msk [tilespmem:v37+s2+$0x0], $0xffff  }
0x2fe: {  	[tilespmem:v34+s20+$0xFFFFFF80] =	vst.idx.add.f32.msk $0xffff, v2  }
0x2ff: {  	v32 =	vor.u32 v8, v15;
	[tilespmem:s25+$0x40] =	vst v1;
	v30 =	vld.idx.msk [tilespmem:v30+s2+$0x0], $0xffff  }
0x300: {  	v34 =	vor.u32 v0, v33;
	[tilespmem:v40+s22+$0x0] =	vst.idx.add.f32.msk $0xffff, v2  }
0x301: {  	[tilespmem:s23+$0xFFFFFFC0] =	vst v1;
	v37 =	vld.idx.msk [tilespmem:v39+s2+$0x0], $0xffff;
	v39 =	vor.u32 v11, v17  }
0x302: {  	[tilespmem:v28+s23+$0x0] =	vst.idx.add.f32.msk $0xffff, v2  }
0x303: {  	[tilespmem:v38+s21+$0xFFFFFF80] =	vst.idx.add.f32.msk $0xffff, v2  }
0x304: {  	v38 =	vor.u32 v14, v19;
	v19 =	vmovc v15;
	v15 =	vmov v18;
	v18 =	vmov v21;
	[tilespmem:s23+$0xFFFFFFB0] =	vst v1;
	v32 =	vld.idx.msk [tilespmem:v32+s2+$0x0], $0xffff  }
0x305: {  	v28 =	vor.u32 v3, v29;
	v21 =	vmov v33;
	[tilespmem:v31+s21+$0x0] =	vst.idx.add.f32.msk $0xffff, v2  }
0x306: {  	[tilespmem:s23+$0xFFFFFF90] =	vst v1;
	v31 =	vld.idx.msk [tilespmem:v39+s2+$0x0], $0xffff  }
0x307: {  	[tilespmem:v30+s20+$0xFFFFFF80] =	vst.idx.add.f32.msk $0xffff, v2  }
0x308: {  	v33 =	vor.u32 v4, v15;
	[tilespmem:s23+$0xFFFFFF80] =	vst v1;
	v30 =	vld.idx.msk [tilespmem:v36+s2+$0x0], $0xffff  }
0x309: {  	v36 =	vor.u32 v9, v19;
	[tilespmem:s25+$0x30] =	vst v1;
	v38 =	vld.idx.msk [tilespmem:v38+s2+$0x0], $0xffff  }
0x30a: {  	[tilespmem:v22+s20+$0x0] =	vst.idx.add.f32.msk vm0, v2  }
0x30b: {  	[tilespmem:v27+s22+$0xFFFFFF80] =	vst.idx.add.f32.msk $0xffff, v2  }
0x30c: {  	[tilespmem:v32+s21+$0xFFFFFF80] =	vst.idx.add.f32.msk $0xffff, v2  }
0x30d: {  	v27 =	vor.u32 v12, v17;
	[tilespmem:s25+$0x70] =	vst v1;
	v22 =	vld.idx.msk [tilespmem:v33+s2+$0x0], $0xffff  }
0x30e: {  	[tilespmem:s25+$0x20] =	vst v1;
	v32 =	vld.idx.msk [tilespmem:v36+s2+$0x0], $0xffff  }
0x30f: {  	[tilespmem:s25+$0x10] =	vst v1;
	v33 =	vld.idx.msk [tilespmem:v26+s2+$0x0], $0xffff;
	v26 =	vmov v34  }
0x310: {  	[tilespmem:v31+s21+$0x0] =	vst.idx.add.f32.msk $0xffff, v2  }
0x311: {  	v31 =	vor.u32 v5, v15;
	[tilespmem:v38+s20+$0xFFFFFF80] =	vst.idx.add.f32.msk vm0, v2;
	s20 =	smov.u32 s21;
	s21 =	smov.u32 s22;
	s22 =	smov.u32 s23  }
0x312: {  	s23 =	smov.u32 s25;
	[tilespmem:s25+$0x0] =	vst v1;
	v27 =	vld.idx.msk [tilespmem:v27+s2+$0x0], $0xffff  }
0x313: {  	v34 =	vld.idx.msk [tilespmem:v35+s2+$0x0], $0xffff;
	v35 =	vor.u32 v10, v19  }
0x314: {  	[tilespmem:v30+s22+$0x0] =	vst.idx.add.f32.msk $0xffff, v2;
	v30 =	vor.u32 v5, v20  }
0x315: {  	[tilespmem:v22+s21+$0xFFFFFF80] =	vst.idx.add.f32.msk $0xffff, v2  }
0x316: {  	v22 =	vld.idx.msk [tilespmem:v31+s2+$0x0], $0xffff  }
0x317: {  	[tilespmem:v32+s20+$0xFFFFFF80] =	vst.idx.add.f32.msk $0xffff, v2  }
0x318: {  	v32 =	vor.u32 v13, v17;
	v31 =	vld.idx.msk [tilespmem:v35+s2+$0x0], $0xffff  }
0x319: {  	v30 =	vld.idx.msk [tilespmem:v30+s2+$0x0], $0xffff  }
0x31a: {  	[tilespmem:v33+s22+$0xFFFFFF80] =	vst.idx.add.f32.msk $0xffff, v2  }
0x31b: {  	[tilespmem:v34+s25+$0x0] =	vst.idx.add.f32.msk $0xffff, v2  }
0x31c: {  	v33 =	vor.u32 v11, v19;
	[tilespmem:v27+s20+$0x0] =	vst.idx.add.f32.msk $0xffff, v2  }
0x31d: {  	v35 =	vld.idx.msk [tilespmem:v32+s2+$0x0], $0xffff  }
0x31e: {  	v27 =	vor.u32 v6, v20;
	[tilespmem:v37+s21+$0x0] =	vst.idx.add.f32.msk $0xffff, v2  }
0x31f: {  	v32 =	vor.u32 v3, v18;
	[tilespmem:v22+s21+$0xFFFFFF80] =	vst.idx.add.f32.msk $0xffff, v2  }
0x320: {  	v22 =	vor.u32 v6, v15;
	[tilespmem:v31+s20+$0xFFFFFF80] =	vst.idx.add.f32.msk $0xffff, v2  }
0x321: {  	v31 =	vor.u32 v9, v16;
	v36 =	vld.idx.msk [tilespmem:v33+s2+$0x0], $0xffff  }
0x322: {  	[tilespmem:v30+s22+$0x0] =	vst.idx.add.f32.msk $0xffff, v2  }
0x323: {  	v30 =	vor.u32 v14, v17;
	v17 =	vmovc v16;
	v16 =	vmov v20;
	v20 =	vmov v29;
	v33 =	vld.idx.msk [tilespmem:v27+s2+$0x0], $0xffff  }
0x324: {  	v27 =	vld.idx.msk [tilespmem:v32+s2+$0x0], $0xffff  }
.Ltmp2:
0x325: {  	v34 =	vor.u32 v12, v19;
	v32 =	vld.idx.msk [tilespmem:v22+s2+$0x0], $0xffff;
	(pc) =	sbr.rel @p0 .LBB2_6-.Ltmp2, $4  }
0x326: {  	v31 =	vld.idx.msk [tilespmem:v31+s2+$0x0], $0xffff  }
0x327: {  	v29 =	vor.u32 v7, v16;
	[tilespmem:v35+s20+$0x0] =	vst.idx.add.f32.msk $0xffff, v2  }
0x328: {  	[tilespmem:s25+$0xFFFFFFF0] =	vst v1;
	v22 =	vld.idx.msk [tilespmem:v30+s2+$0x0], $0xffff  }
0x329: {  	s25 =	sadd.s32 $0x100, s25;
	v30 =	vor.u32 v13, v19;
	[tilespmem:v36+s20+$0xFFFFFF80] =	vst.idx.add.f32.msk $0xffff, v2  }
0x32a: {  	_ =	sdelay $0x2  }
0x32b: {  	[tilespmem:s23+$0xFFFFFFD0] =	vst v1  }
0x32c: {  	[tilespmem:v33+s22+$0x0] =	vst.idx.add.f32.msk $0xffff, v2  }
0x32d: {  	[tilespmem:s23+$0xFFFFFFA0] =	vst v1  }
0x32e: {  	[tilespmem:v32+s21+$0xFFFFFF80] =	vst.idx.add.f32.msk $0xffff, v2  }
0x32f: {  	v34 =	vld.idx.msk [tilespmem:v34+s2+$0x0], $0xffff;
	[tilespmem:s23+$0xFFFFFFC0] =	vst v1  }
0x330: {  	[tilespmem:s23+$0xFFFFFFB0] =	vst v1;
	v29 =	vld.idx.msk [tilespmem:v29+s2+$0x0], $0xffff  }
0x331: {  	v57 =	vor.u32 v10, v17;
	v28 =	vld.idx.msk [tilespmem:v28+s2+$0x0], $0xffff;
	[tilespmem:s23+$0xFFFFFF90] =	vst v1  }
0x332: {  	[tilespmem:v27+s22+$0xFFFFFF80] =	vst.idx.add.f32.msk $0xffff, v2  }
0x333: {  	[tilespmem:v31+s21+$0x0] =	vst.idx.add.f32.msk $0xffff, v2  }
0x334: {  	[tilespmem:s23+$0xFFFFFF80] =	vst v1;
	v25 =	vld.idx.msk [tilespmem:v25+s2+$0x0], $0xffff;
	v31 =	vor.u32 v8, v16  }
0x335: {  	v26 =	vld.idx.msk [tilespmem:v26+s2+$0x0], $0xffff  }
0x336: {  	v58 =	vld.idx.msk [tilespmem:v57+s2+$0x0], $0xffff  }
0x337: {  	[tilespmem:v34+s20+$0xFFFFFF80] =	vst.idx.add.f32.msk $0xffff, v2  }
0x338: {  	[tilespmem:v29+s22+$0x0] =	vst.idx.add.f32.msk $0xffff, v2  }
0x339: {  	v29 =	vld.idx.msk [tilespmem:v31+s2+$0x0], $0xffff;
	v31 =	vor.u32 v3, v21  }
0x33a: {  	v59 =	vor.u32 v8, v15;
	[tilespmem:v28+s23+$0x0] =	vst.idx.add.f32.msk $0xffff, v2  }
0x33b: {  	v30 =	vld.idx.msk [tilespmem:v30+s2+$0x0], $0xffff  }
0x33c: {  	v28 =	vor.u32 v11, v17;
	[tilespmem:v25+s21+$0xFFFFFF80] =	vst.idx.add.f32.msk $0xffff, v2  }
0x33d: {  	[tilespmem:v26+s23+$0xFFFFFF80] =	vst.idx.add.f32.msk $0xffff, v2;
	v26 =	vor.u32 v4, v18  }
0x33e: {  	v31 =	vld.idx.msk [tilespmem:v31+s2+$0x0], $0xffff  }
0x33f: {  	v60 =	vor.u32 v4, v20;
	v25 =	vld.idx.msk [tilespmem:v59+s2+$0x0], $0xffff  }
0x340: {  	v19 =	vor.u32 v14, v19;
	[tilespmem:v58+s21+$0x0] =	vst.idx.add.f32.msk $0xffff, v2  }
0x341: {  	v28 =	vld.idx.msk [tilespmem:v28+s2+$0x0], $0xffff  }
0x342: {  	v27 =	vor.u32 v4, v21;
	v26 =	vld.idx.msk [tilespmem:v26+s2+$0x0], $0xffff  }
0x343: {  	[tilespmem:v30+s20+$0xFFFFFF80] =	vst.idx.add.f32.msk $0xffff, v2  }
0x344: {  	v61 =	vor.u32 v9, v15;
	v30 =	vld.idx.msk [tilespmem:v60+s2+$0x0], $0xffff  }
0x345: {  	v19 =	vld.idx.msk [tilespmem:v19+s2+$0x0], $0xffff  }
0x346: {  	[tilespmem:v31+s23+$0xFFFFFF80] =	vst.idx.add.f32.msk $0xffff, v2  }
0x347: {  	v31 =	vor.u32 v5, v18;
	v27 =	vld.idx.msk [tilespmem:v27+s2+$0x0], $0xffff  }
0x348: {  	[tilespmem:v25+s21+$0xFFFFFF80] =	vst.idx.add.f32.msk $0xffff, v2  }
0x349: {  	v62 =	vor.u32 v5, v20;
	v25 =	vld.idx.msk [tilespmem:v61+s2+$0x0], $0xffff  }
0x34a: {  	[tilespmem:v28+s21+$0x0] =	vst.idx.add.f32.msk $0xffff, v2  }
0x34b: {  	[tilespmem:v26+s22+$0xFFFFFF80] =	vst.idx.add.f32.msk $0xffff, v2;
	v26 =	vor.u32 v5, v21  }
0x34c: {  	v31 =	vld.idx.msk [tilespmem:v31+s2+$0x0], $0xffff  }
0x34d: {  	[tilespmem:v30+s23+$0x0] =	vst.idx.add.f32.msk $0xffff, v2  }
0x34e: {  	v28 =	vor.u32 v12, v17;
	v32 =	vld.idx.msk [tilespmem:v62+s2+$0x0], $0xffff  }
0x34f: {  	[tilespmem:v27+s23+$0xFFFFFF80] =	vst.idx.add.f32.msk $0xffff, v2  }
0x350: {  	v27 =	vor.u32 v6, v18;
	v26 =	vld.idx.msk [tilespmem:v26+s2+$0x0], $0xffff  }
0x351: {  	[tilespmem:v29+s22+$0x0] =	vst.idx.add.f32.msk $0xffff, v2  }
0x352: {  	[tilespmem:v25+s21+$0xFFFFFF80] =	vst.idx.add.f32.msk $0xffff, v2;
	v25 =	vor.u32 v6, v20  }
0x353: {  	v28 =	vld.idx.msk [tilespmem:v28+s2+$0x0], $0xffff  }
0x354: {  	[tilespmem:v31+s22+$0xFFFFFF80] =	vst.idx.add.f32.msk $0xffff, v2;
	v31 =	vor.u32 v6, v21  }
0x355: {  	v30 =	vor.u32 v10, v15;
	v27 =	vld.idx.msk [tilespmem:v27+s2+$0x0], $0xffff  }
0x356: {  	[tilespmem:v32+s23+$0x0] =	vst.idx.add.f32.msk $0xffff, v2  }
0x357: {  	v63 =	vor.u32 v13, v17;
	v25 =	vld.idx.msk [tilespmem:v25+s2+$0x0], $0xffff  }
0x358: {  	[tilespmem:v26+s23+$0xFFFFFF80] =	vst.idx.add.f32.msk $0xffff, v2  }
0x359: {  	v26 =	vld.idx.msk [tilespmem:v31+s2+$0x0], $0xffff  }
0x35a: {  	v30 =	vld.idx.msk [tilespmem:v30+s2+$0x0], $0xffff  }
0x35b: {  	[tilespmem:v28+s21+$0x0] =	vst.idx.add.f32.msk $0xffff, v2;
	v31 =	vor.u32 v7, v20  }
0x35c: {  	v28 =	vld.idx.msk [tilespmem:v63+s2+$0x0], $0xffff  }
0x35d: {  	[tilespmem:v27+s22+$0xFFFFFF80] =	vst.idx.add.f32.msk $0xffff, v2  }
0x35e: {  	v24 =	vld.idx.msk [tilespmem:v24+s2+$0x0], $0xffff  }
0x35f: {  	[tilespmem:v25+s23+$0x0] =	vst.idx.add.f32.msk $0xffff, v2  }
0x360: {  	v27 =	vor.u32 v11, v15;
	v29 =	vld.idx.msk [tilespmem:v31+s2+$0x0], $0xffff  }
0x361: {  	[tilespmem:v26+s23+$0xFFFFFF80] =	vst.idx.add.f32.msk $0xffff, v2  }
0x362: {  	v26 =	vor.u32 v8, v18;
	v23 =	vld.idx.msk [tilespmem:v23+s2+$0x0], $0xffff  }
0x363: {  	[tilespmem:v30+s21+$0xFFFFFF80] =	vst.idx.add.f32.msk $0xffff, v2  }
0x364: {  	v30 =	vor.u32 v8, v20;
	[tilespmem:v28+s21+$0x0] =	vst.idx.add.f32.msk $0xffff, v2  }
0x365: {  	v27 =	vld.idx.msk [tilespmem:v27+s2+$0x0], $0xffff  }
0x366: {  	[tilespmem:v24+s22+$0xFFFFFF80] =	vst.idx.add.f32.msk $0xffff, v2;
	v24 =	vor.u32 v8, v21  }
0x367: {  	v17 =	vor.u32 v14, v17;
	v26 =	vld.idx.msk [tilespmem:v26+s2+$0x0], $0xffff  }
0x368: {  	v25 =	vor.u32 v9, v16;
	[tilespmem:v29+s23+$0x0] =	vst.idx.add.f32.msk $0xffff, v2  }
0x369: {  	v29 =	vld.idx.msk [tilespmem:v30+s2+$0x0], $0xffff  }
0x36a: {  	[tilespmem:v23+s23+$0xFFFFFF80] =	vst.idx.add.f32.msk $0xffff, v2  }
0x36b: {  	v23 =	vor.u32 v9, v18;
	v24 =	vld.idx.msk [tilespmem:v24+s2+$0x0], $0xffff  }
0x36c: {  	v17 =	vld.idx.msk [tilespmem:v17+s2+$0x0], $0xffff  }
0x36d: {  	v28 =	vor.u32 v9, v20;
	v25 =	vld.idx.msk [tilespmem:v25+s2+$0x0], $0xffff  }
0x36e: {  	[tilespmem:v27+s21+$0xFFFFFF80] =	vst.idx.add.f32.msk $0xffff, v2  }
0x36f: {  	[tilespmem:v26+s22+$0xFFFFFF80] =	vst.idx.add.f32.msk $0xffff, v2;
	v26 =	vor.u32 v9, v21  }
0x370: {  	v23 =	vld.idx.msk [tilespmem:v23+s2+$0x0], $0xffff  }
0x371: {  	v27 =	vor.u32 v12, v15;
	[tilespmem:v29+s23+$0x0] =	vst.idx.add.f32.msk $0xffff, v2  }
0x372: {  	v29 =	vor.u32 v10, v16;
	v28 =	vld.idx.msk [tilespmem:v28+s2+$0x0], $0xffff  }
0x373: {  	[tilespmem:v24+s23+$0xFFFFFF80] =	vst.idx.add.f32.msk $0xffff, v2  }
0x374: {  	v24 =	vor.u32 v10, v18;
	v26 =	vld.idx.msk [tilespmem:v26+s2+$0x0], $0xffff  }
0x375: {  	[tilespmem:v25+s22+$0x0] =	vst.idx.add.f32.msk $0xffff, v2  }
0x376: {  	v25 =	vor.u32 v10, v20;
	v27 =	vld.idx.msk [tilespmem:v27+s2+$0x0], $0xffff  }
0x377: {  	v29 =	vld.idx.msk [tilespmem:v29+s2+$0x0], $0xffff  }
0x378: {  	[tilespmem:v23+s22+$0xFFFFFF80] =	vst.idx.add.f32.msk $0xffff, v2;
	v23 =	vor.u32 v10, v21  }
0x379: {  	v24 =	vld.idx.msk [tilespmem:v24+s2+$0x0], $0xffff  }
0x37a: {  	[tilespmem:v28+s23+$0x0] =	vst.idx.add.f32.msk $0xffff, v2  }
0x37b: {  	v28 =	vor.u32 v11, v16;
	v25 =	vld.idx.msk [tilespmem:v25+s2+$0x0], $0xffff  }
0x37c: {  	[tilespmem:v26+s23+$0xFFFFFF80] =	vst.idx.add.f32.msk $0xffff, v2  }
0x37d: {  	v26 =	vor.u32 v11, v18;
	v23 =	vld.idx.msk [tilespmem:v23+s2+$0x0], $0xffff  }
0x37e: {  	[tilespmem:v27+s21+$0xFFFFFF80] =	vst.idx.add.f32.msk $0xffff, v2  }
0x37f: {  	v27 =	vor.u32 v11, v20;
	[tilespmem:v29+s22+$0x0] =	vst.idx.add.f32.msk $0xffff, v2  }
0x380: {  	v28 =	vld.idx.msk [tilespmem:v28+s2+$0x0], $0xffff  }
0x381: {  	[tilespmem:v24+s22+$0xFFFFFF80] =	vst.idx.add.f32.msk $0xffff, v2;
	v24 =	vor.u32 v11, v21  }
0x382: {  	v29 =	vor.u32 v13, v15;
	v26 =	vld.idx.msk [tilespmem:v26+s2+$0x0], $0xffff  }
0x383: {  	[tilespmem:v25+s23+$0x0] =	vst.idx.add.f32.msk $0xffff, v2  }
0x384: {  	v25 =	vor.u32 v12, v16;
	v27 =	vld.idx.msk [tilespmem:v27+s2+$0x0], $0xffff  }
0x385: {  	[tilespmem:v23+s23+$0xFFFFFF80] =	vst.idx.add.f32.msk $0xffff, v2  }
0x386: {  	v23 =	vor.u32 v12, v18;
	v24 =	vld.idx.msk [tilespmem:v24+s2+$0x0], $0xffff  }
0x387: {  	v29 =	vld.idx.msk [tilespmem:v29+s2+$0x0], $0xffff  }
0x388: {  	[tilespmem:v28+s22+$0x0] =	vst.idx.add.f32.msk $0xffff, v2;
	v28 =	vor.u32 v12, v20  }
0x389: {  	v25 =	vld.idx.msk [tilespmem:v25+s2+$0x0], $0xffff  }
0x38a: {  	[tilespmem:v26+s22+$0xFFFFFF80] =	vst.idx.add.f32.msk $0xffff, v2;
	v26 =	vor.u32 v12, v21  }
0x38b: {  	v23 =	vld.idx.msk [tilespmem:v23+s2+$0x0], $0xffff  }
0x38c: {  	[tilespmem:v27+s23+$0x0] =	vst.idx.add.f32.msk $0xffff, v2  }
0x38d: {  	v27 =	vor.u32 v13, v16;
	v28 =	vld.idx.msk [tilespmem:v28+s2+$0x0], $0xffff  }
0x38e: {  	[tilespmem:v24+s23+$0xFFFFFF80] =	vst.idx.add.f32.msk $0xffff, v2  }
0x38f: {  	v24 =	vor.u32 v13, v18;
	v26 =	vld.idx.msk [tilespmem:v26+s2+$0x0], $0xffff  }
0x390: {  	[tilespmem:v29+s21+$0xFFFFFF80] =	vst.idx.add.f32.msk $0xffff, v2  }
0x391: {  	[tilespmem:v25+s22+$0x0] =	vst.idx.add.f32.msk $0xffff, v2;
	v25 =	vor.u32 v13, v20  }
0x392: {  	v27 =	vld.idx.msk [tilespmem:v27+s2+$0x0], $0xffff  }
0x393: {  	[tilespmem:v23+s22+$0xFFFFFF80] =	vst.idx.add.f32.msk $0xffff, v2;
	v23 =	vor.u32 v13, v21  }
0x394: {  	v15 =	vor.u32 v14, v15;
	v24 =	vld.idx.msk [tilespmem:v24+s2+$0x0], $0xffff  }
0x395: {  	[tilespmem:v28+s23+$0x0] =	vst.idx.add.f32.msk $0xffff, v2  }
0x396: {  	v16 =	vor.u32 v14, v16;
	v25 =	vld.idx.msk [tilespmem:v25+s2+$0x0], $0xffff  }
0x397: {  	[tilespmem:v26+s23+$0xFFFFFF80] =	vst.idx.add.f32.msk $0xffff, v2  }
0x398: {  	v18 =	vor.u32 v14, v18;
	v23 =	vld.idx.msk [tilespmem:v23+s2+$0x0], $0xffff  }
0x399: {  	v15 =	vld.idx.msk [tilespmem:v15+s2+$0x0], $0xffff  }
0x39a: {  	v20 =	vor.u32 v14, v20;
	[tilespmem:v27+s22+$0x0] =	vst.idx.add.f32.msk $0xffff, v2  }
0x39b: {  	v16 =	vld.idx.msk [tilespmem:v16+s2+$0x0], $0xffff  }
0x39c: {  	v21 =	vor.u32 v14, v21;
	[tilespmem:v24+s22+$0xFFFFFF80] =	vst.idx.add.f32.msk $0xffff, v2  }
0x39d: {  	v18 =	vld.idx.msk [tilespmem:v18+s2+$0x0], $0xffff  }
0x39e: {  	[tilespmem:v25+s23+$0x0] =	vst.idx.add.f32.msk $0xffff, v2  }
0x39f: {  	v20 =	vld.idx.msk [tilespmem:v20+s2+$0x0], $0xffff  }
0x3a0: {  	[tilespmem:v23+s23+$0xFFFFFF80] =	vst.idx.add.f32.msk $0xffff, v2  }
0x3a1: {  	v21 =	vld.idx.msk [tilespmem:v21+s2+$0x0], $0xffff  }
0x3a2: {  	[tilespmem:v22+s20+$0x0] =	vst.idx.add.f32.msk vm0, v2  }
0x3a3: {  	[tilespmem:v19+s20+$0xFFFFFF80] =	vst.idx.add.f32.msk vm0, v2  }
0x3a4: {  	[tilespmem:v17+s21+$0x0] =	vst.idx.add.f32.msk vm0, v2  }
0x3a5: {  	[tilespmem:v15+s21+$0xFFFFFF80] =	vst.idx.add.f32.msk vm0, v2  }
0x3a6: {  	[tilespmem:v16+s22+$0x0] =	vst.idx.add.f32.msk vm0, v2  }
0x3a7: {  	[tilespmem:v18+s22+$0xFFFFFF80] =	vst.idx.add.f32.msk vm0, v2  }
0x3a8: {  	[tilespmem:v20+s23+$0x0] =	vst.idx.add.f32.msk vm0, v2  }
0x3a9: {  	s24 =	simm.s32 $0x0;
	[tilespmem:v21+s23+$0xFFFFFF80] =	vst.idx.add.f32.msk vm0, v2  }
0x3aa: {  	[hbm4b:s9+s24] =	stream.linear.scatter [tilespmem:s14], [sflag:$0x3], $0x4000, $0x38;
	[tilespmem:$0x18000] =	vst v63  }
0x3ab: {  	_ =	swait.ge [sflag:s15], $0x8000  }
0x3ac: {  	[sflag:s15] =	ssyncset.done $0x0  }
0x3ad: {  	[sflag:s15] =	ssyncadd.s32 $0xFFFF8000  }
0x3ae: {  	_ =	swait.ge [sflag:s18], $0x4000  }
0x3af: {  	s25 =	simm.s32 $0x1;
	[sflag:s18] =	ssyncset.done $0x0  }
0x3b0: {  	s20 =	simm.s32 $0x14080;
	v15 =	vmov s25;
	[sflag:s18] =	ssyncadd.s32 $0xFFFFC000  }
0x3b1: {  	v16 =	vshll.u32 v15, $0x8;
	v15 =	vshll.u32 v15, $0x7;
	[tilespmem:s20+$0x60] =	vst v1  }
0x3b2: {  	v16 =	vand.u32 $0x7800, v16;
	v15 =	vand.u32 $0x380, v15;
	[tilespmem:s20+$0x50] =	vst v1  }
0x3b3: {  	v21 =	vor.u32 v15, v16;
	[tilespmem:s20+$0x40] =	vst v1  }
0x3b4: {  	v15 =	vor.u32 v0, v21;
	[tilespmem:s20+$0x30] =	vst v1  }
0x3b5: {  	[tilespmem:s20+$0x70] =	vst v1  }
0x3b6: {  	[tilespmem:s20+$0x20] =	vst v1  }
0x3b7: {  	[tilespmem:s20+$0x10] =	vst v1  }
0x3b8: {  	[tilespmem:s20+$0x0] =	vst v1  }
0x3b9: {  	v15 =	vld.idx.msk [tilespmem:v15+s12+$0x0], $0xffff;
	_ =	sdelay $0x3  }
0x3ba: {  	v16 =	vor.u32 v3, v21;
	_ =	sdelay $0x3  }
0x3bb: {  	[tilespmem:v15+s20+$0x0] =	vst.idx.add.f32.msk $0xffff, v2  }
0x3bc: {  	v15 =	vld.idx.msk [tilespmem:v16+s12+$0x0], $0xffff;
	_ =	sdelay $0x3  }
0x3bd: {  	v16 =	vor.u32 v4, v21;
	_ =	sdelay $0x1  }
0x3be: {  	[tilespmem:s20+$0xFFFFFFE0] =	vst v1  }
0x3bf: {  	[tilespmem:s20+$0xFFFFFFF0] =	vst v1  }
0x3c0: {  	[tilespmem:v15+s20+$0x0] =	vst.idx.add.f32.msk $0xffff, v2  }
0x3c1: {  	[tilespmem:s20+$0xFFFFFFD0] =	vst v1;
	v15 =	vld.idx.msk [tilespmem:v16+s12+$0x0], $0xffff  }
0x3c2: {  	s21 =	simm.s32 $0x14180;
	[tilespmem:s20+$0xFFFFFFA0] =	vst v1  }
0x3c3: {  	[tilespmem:s21+$0x60] =	vst v1  }
0x3c4: {  	s26 =	simm.s32 $0x3;
	[tilespmem:s21+$0x50] =	vst v1  }
0x3c5: {  	v17 =	vmov s26;
	[tilespmem:s21+$0x40] =	vst v1;
	v16 =	vor.u32 v5, v21  }
0x3c6: {  	v18 =	vshll.u32 v17, $0x8;
	v17 =	vshll.u32 v17, $0x7;
	[tilespmem:s20+$0xFFFFFFC0] =	vst v1  }
0x3c7: {  	v19 =	vmov s24;
	v18 =	vand.u32 $0x7800, v18;
	v17 =	vand.u32 $0x380, v17;
	[tilespmem:s20+$0xFFFFFFB0] =	vst v1  }
0x3c8: {  	v20 =	vshll.u32 v19, $0x8;
	v19 =	vshll.u32 v19, $0x7;
	v17 =	vor.u32 v17, v18;
	[tilespmem:s21+$0x30] =	vst v1  }
0x3c9: {  	v18 =	vand.u32 $0x300, v19;
	[tilespmem:v15+s20+$0x0] =	vst.idx.add.f32.msk $0xffff, v2;
	v15 =	vand.u32 $0x7800, v20;
	v20 =	vor.u32 v0, v17  }
0x3ca: {  	[tilespmem:s21+$0x70] =	vst v1;
	v16 =	vld.idx.msk [tilespmem:v16+s12+$0x0], $0xffff;
	v19 =	vor.u32 v18, v15  }
0x3cb: {  	[tilespmem:s21+$0x20] =	vst v1;
	v15 =	vor.u32 v0, v19  }
0x3cc: {  	[tilespmem:s21+$0x10] =	vst v1  }
0x3cd: {  	[tilespmem:s21+$0x0] =	vst v1  }
0x3ce: {  	[tilespmem:s20+$0xFFFFFF90] =	vst v1;
	v18 =	vor.u32 v6, v21;
	v20 =	vld.idx.msk [tilespmem:v20+s12+$0x0], $0xffff  }
0x3cf: {  	[tilespmem:s20+$0xFFFFFF80] =	vst v1  }
0x3d0: {  	v15 =	vld.idx.msk [tilespmem:v15+s12+$0x0], $0xffff;
	_ =	sdelay $0x1  }
0x3d1: {  	[tilespmem:v16+s20+$0x0] =	vst.idx.add.f32.msk $0xffff, v2;
	v16 =	vor.u32 v3, v17  }
0x3d2: {  	v18 =	vld.idx.msk [tilespmem:v18+s12+$0x0], $0xffff  }
0x3d3: {  	v22 =	vor.u32 v3, v19;
	_ =	sdelay $0x1  }
0x3d4: {  	[tilespmem:v20+s21+$0x0] =	vst.idx.add.f32.msk $0xffff, v2  }
0x3d5: {  	v20 =	vor.u32 v7, v21;
	v16 =	vld.idx.msk [tilespmem:v16+s12+$0x0], $0xffff  }
0x3d6: {  	[tilespmem:v15+s20+$0xFFFFFF80] =	vst.idx.add.f32.msk $0xffff, v2  }
0x3d7: {  	[tilespmem:s21+$0xFFFFFFE0] =	vst v1;
	v15 =	vld.idx.msk [tilespmem:v22+s12+$0x0], $0xffff  }
0x3d8: {  	[tilespmem:s21+$0xFFFFFFF0] =	vst v1  }
0x3d9: {  	[tilespmem:v18+s20+$0x0] =	vst.idx.add.f32.msk $0xffff, v2;
	v18 =	vor.u32 v4, v17  }
0x3da: {  	[tilespmem:s21+$0xFFFFFFD0] =	vst v1;
	v20 =	vld.idx.msk [tilespmem:v20+s12+$0x0], $0xffff  }
0x3db: {  	s22 =	simm.s32 $0x14280;
	[tilespmem:s21+$0xFFFFFFA0] =	vst v1;
	v22 =	vor.u32 v4, v19  }
0x3dc: {  	[tilespmem:s22+$0x60] =	vst v1  }
0x3dd: {  	[tilespmem:v16+s21+$0x0] =	vst.idx.add.f32.msk $0xffff, v2  }
0x3de: {  	[tilespmem:s22+$0x50] =	vst v1;
	v16 =	vld.idx.msk [tilespmem:v18+s12+$0x0], $0xffff  }
0x3df: {  	[tilespmem:v15+s20+$0xFFFFFF80] =	vst.idx.add.f32.msk $0xffff, v2  }
0x3e0: {  	[tilespmem:s22+$0x40] =	vst v1;
	v18 =	vld.idx.msk [tilespmem:v22+s12+$0x0], $0xffff  }
0x3e1: {  	s29 =	simm.s32 $0x5;
	[tilespmem:s21+$0xFFFFFFC0] =	vst v1  }
0x3e2: {  	s28 =	simm.s32 $0x2;
	v23 =	vmov s29;
	[tilespmem:v20+s20+$0x0] =	vst.idx.add.f32.msk $0xffff, v2;
	v20 =	vor.u32 v5, v17  }
0x3e3: {  	v25 =	vshll.u32 v23, $0x8;
	[tilespmem:s21+$0xFFFFFFB0] =	vst v1;
	v15 =	vmov s28  }
0x3e4: {  	[tilespmem:s21+$0xFFFFFF90] =	vst v1;
	v24 =	vor.u32 v5, v19;
	v22 =	vshll.u32 v15, $0x8;
	v15 =	vshll.u32 v15, $0x7  }
0x3e5: {  	v23 =	vshll.u32 v23, $0x7;
	[tilespmem:s21+$0xFFFFFF80] =	vst v1;
	v22 =	vand.u32 $0x7800, v22;
	v15 =	vand.u32 $0x300, v15  }
0x3e6: {  	v23 =	vand.u32 $0x380, v23;
	v15 =	vor.u32 v15, v22;
	v22 =	vand.u32 $0x7800, v25;
	[tilespmem:v16+s21+$0x0] =	vst.idx.add.f32.msk $0xffff, v2  }
0x3e7: {  	[tilespmem:s22+$0x30] =	vst v1;
	v25 =	vor.u32 v0, v15;
	v16 =	vor.u32 v23, v22;
	v20 =	vld.idx.msk [tilespmem:v20+s12+$0x0], $0xffff  }
0x3e8: {  	v22 =	vor.u32 v0, v16;
	[tilespmem:v18+s20+$0xFFFFFF80] =	vst.idx.add.f32.msk $0xffff, v2  }
0x3e9: {  	[tilespmem:s22+$0x70] =	vst v1;
	v18 =	vor.u32 v8, v21;
	v23 =	vld.idx.msk [tilespmem:v24+s12+$0x0], $0xffff  }
0x3ea: {  	[tilespmem:s22+$0x20] =	vst v1  }
0x3eb: {  	[tilespmem:s22+$0x10] =	vst v1;
	v24 =	vor.u32 v6, v17  }
0x3ec: {  	[tilespmem:s22+$0x0] =	vst v1;
	v25 =	vld.idx.msk [tilespmem:v25+s12+$0x0], $0xffff  }
0x3ed: {  	v26 =	vor.u32 v6, v19;
	v22 =	vld.idx.msk [tilespmem:v22+s12+$0x0], $0xffff  }
0x3ee: {  	v18 =	vld.idx.msk [tilespmem:v18+s12+$0x0], $0xffff  }
0x3ef: {  	[tilespmem:v20+s21+$0x0] =	vst.idx.add.f32.msk $0xffff, v2  }
0x3f0: {  	v20 =	vld.idx.msk [tilespmem:v24+s12+$0x0], $0xffff  }
0x3f1: {  	[tilespmem:v23+s20+$0xFFFFFF80] =	vst.idx.add.f32.msk $0xffff, v2  }
0x3f2: {  	v23 =	vor.u32 v9, v21;
	v24 =	vld.idx.msk [tilespmem:v26+s12+$0x0], $0xffff;
	_ =	sdelay $0x1  }
0x3f3: {  	[tilespmem:v25+s21+$0xFFFFFF80] =	vst.idx.add.f32.msk $0xffff, v2;
	v25 =	vor.u32 v7, v17  }
0x3f4: {  	[tilespmem:v22+s22+$0x0] =	vst.idx.add.f32.msk $0xffff, v2  }
0x3f5: {  	v22 =	vor.u32 v7, v19;
	[tilespmem:v18+s20+$0x0] =	vst.idx.add.f32.msk $0xffff, v2  }
0x3f6: {  	v18 =	vld.idx.msk [tilespmem:v23+s12+$0x0], $0xffff  }
0x3f7: {  	[tilespmem:v20+s21+$0x0] =	vst.idx.add.f32.msk $0xffff, v2  }
0x3f8: {  	[tilespmem:s22+$0xFFFFFFE0] =	vst v1;
	v20 =	vor.u32 v3, v16;
	v23 =	vld.idx.msk [tilespmem:v25+s12+$0x0], $0xffff  }
0x3f9: {  	[tilespmem:v24+s20+$0xFFFFFF80] =	vst.idx.add.f32.msk $0xffff, v2  }
0x3fa: {  	[tilespmem:s22+$0xFFFFFFF0] =	vst v1;
	v24 =	vor.u32 v10, v21;
	v22 =	vld.idx.msk [tilespmem:v22+s12+$0x0], $0xffff  }
0x3fb: {  	[tilespmem:s22+$0xFFFFFFD0] =	vst v1;
	v25 =	vor.u32 v3, v15  }
0x3fc: {  	s23 =	simm.s32 $0x14380;
	[tilespmem:s22+$0xFFFFFFA0] =	vst v1  }
0x3fd: {  	[tilespmem:s23+$0x60] =	vst v1;
	v20 =	vld.idx.msk [tilespmem:v20+s12+$0x0], $0xffff  }
0x3fe: {  	[tilespmem:v18+s20+$0x0] =	vst.idx.add.f32.msk $0xffff, v2;
	v18 =	vor.u32 v8, v19  }
0x3ff: {  	[tilespmem:s23+$0x50] =	vst v1;
	v24 =	vld.idx.msk [tilespmem:v24+s12+$0x0], $0xffff  }
0x400: {  	[tilespmem:s23+$0x40] =	vst v1;
	v25 =	vld.idx.msk [tilespmem:v25+s12+$0x0], $0xffff  }
0x401: {  	[tilespmem:v23+s21+$0x0] =	vst.idx.add.f32.msk $0xffff, v2  }
0x402: {  	[tilespmem:v22+s20+$0xFFFFFF80] =	vst.idx.add.f32.msk $0xffff, v2  }
0x403: {  	[tilespmem:s22+$0xFFFFFFC0] =	vst v1;
	v22 =	vor.u32 v11, v21;
	v23 =	vld.idx.msk [tilespmem:v18+s12+$0x0], $0xffff  }
0x404: {  	[tilespmem:s22+$0xFFFFFFB0] =	vst v1;
	v26 =	vor.u32 v4, v16  }
0x405: {  	s24 =	simm.s32 $0x4;
	[tilespmem:s22+$0xFFFFFF90] =	vst v1  }
0x406: {  	v18 =	vmov s24;
	[tilespmem:v20+s22+$0x0] =	vst.idx.add.f32.msk $0xffff, v2  }
0x407: {  	v20 =	vshll.u32 v18, $0x8;
	v18 =	vshll.u32 v18, $0x7;
	[tilespmem:v24+s20+$0x0] =	vst.idx.add.f32.msk $0xffff, v2;
	v24 =	vor.u32 v4, v15  }
0x408: {  	s30 =	simm.s32 $0x7;
	v27 =	vor.u32 v8, v17;
	[tilespmem:s22+$0xFFFFFF80] =	vst v1;
	v20 =	vand.u32 $0x7800, v20;
	v18 =	vand.u32 $0x300, v18;
	v22 =	vld.idx.msk [tilespmem:v22+s12+$0x0], $0xffff  }
0x409: {  	[tilespmem:s23+$0x30] =	vst v1;
	v28 =	vor.u32 v9, v19;
	v26 =	vld.idx.msk [tilespmem:v26+s12+$0x0], $0xffff;
	v18 =	vor.u32 v18, v20;
	v20 =	vmov s30  }
0x40a: {  	[tilespmem:v25+s21+$0xFFFFFF80] =	vst.idx.add.f32.msk $0xffff, v2;
	v29 =	vor.u32 v0, v18;
	v30 =	vshll.u32 v20, $0x8;
	v20 =	vshll.u32 v20, $0x7  }
0x40b: {  	v25 =	vand.u32 $0x7800, v30;
	v20 =	vand.u32 $0x380, v20;
	[tilespmem:v23+s20+$0xFFFFFF80] =	vst.idx.add.f32.msk $0xffff, v2  }
0x40c: {  	[tilespmem:s23+$0x70] =	vst v1;
	v20 =	vor.u32 v20, v25;
	v23 =	vld.idx.msk [tilespmem:v24+s12+$0x0], $0xffff  }
0x40d: {  	[tilespmem:s23+$0x20] =	vst v1;
	v27 =	vld.idx.msk [tilespmem:v27+s12+$0x0], $0xffff;
	v25 =	vor.u32 v0, v20  }
0x40e: {  	[tilespmem:s23+$0x10] =	vst v1;
	v24 =	vor.u32 v12, v21;
	v28 =	vld.idx.msk [tilespmem:v28+s12+$0x0], $0xffff  }
0x40f: {  	[tilespmem:s23+$0x0] =	vst v1;
	v29 =	vld.idx.msk [tilespmem:v29+s12+$0x0], $0xffff  }
0x410: {  	[tilespmem:v22+s20+$0x0] =	vst.idx.add.f32.msk $0xffff, v2;
	v22 =	vor.u32 v5, v15  }
0x411: {  	[tilespmem:v26+s22+$0x0] =	vst.idx.add.f32.msk $0xffff, v2  }
0x412: {  	v30 =	vor.u32 v10, v19;
	v25 =	vld.idx.msk [tilespmem:v25+s12+$0x0], $0xffff  }
0x413: {  	v24 =	vld.idx.msk [tilespmem:v24+s12+$0x0], $0xffff  }
0x414: {  	v26 =	vor.u32 v5, v16;
	[tilespmem:v23+s21+$0xFFFFFF80] =	vst.idx.add.f32.msk $0xffff, v2  }
0x415: {  	v22 =	vld.idx.msk [tilespmem:v22+s12+$0x0], $0xffff  }
0x416: {  	[tilespmem:v28+s20+$0xFFFFFF80] =	vst.idx.add.f32.msk $0xffff, v2  }
0x417: {  	v23 =	vld.idx.msk [tilespmem:v30+s12+$0x0], $0xffff  }
0x418: {  	[tilespmem:v27+s21+$0x0] =	vst.idx.add.f32.msk $0xffff, v2;
	v28 =	vor.u32 v13, v21  }
0x419: {  	v26 =	vld.idx.msk [tilespmem:v26+s12+$0x0], $0xffff  }
0x41a: {  	[tilespmem:v29+s22+$0xFFFFFF80] =	vst.idx.add.f32.msk $0xffff, v2  }
0x41b: {  	[tilespmem:v25+s23+$0x0] =	vst.idx.add.f32.msk $0xffff, v2;
	v25 =	vor.u32 v11, v19  }
0x41c: {  	[tilespmem:v24+s20+$0x0] =	vst.idx.add.f32.msk $0xffff, v2  }
0x41d: {  	v24 =	vor.u32 v6, v16;
	v28 =	vld.idx.msk [tilespmem:v28+s12+$0x0], $0xffff  }
0x41e: {  	v27 =	vor.u32 v3, v18;
	[tilespmem:v22+s21+$0xFFFFFF80] =	vst.idx.add.f32.msk $0xffff, v2  }
0x41f: {  	v22 =	vor.u32 v6, v15;
	[tilespmem:v23+s20+$0xFFFFFF80] =	vst.idx.add.f32.msk $0xffff, v2  }
0x420: {  	v30 =	vld.idx.msk [tilespmem:v25+s12+$0x0], $0xffff  }
0x421: {  	v29 =	vor.u32 v14, v21;
	[tilespmem:v26+s22+$0x0] =	vst.idx.add.f32.msk $0xffff, v2  }
0x422: {  	s31 =	simm.s32 $0x6;
	v23 =	vor.u32 v9, v17;
	v33 =	vld.idx.msk [tilespmem:v24+s12+$0x0], $0xffff  }
0x423: {  	[tilespmem:s23+$0xFFFFFFE0] =	vst v1;
	v27 =	vld.idx.msk [tilespmem:v27+s12+$0x0], $0xffff;
	v25 =	vmov s31  }
0x424: {  	[tilespmem:s23+$0xFFFFFFF0] =	vst v1;
	v34 =	vor.u32 v12, v19;
	v21 =	vshll.u32 v25, $0x8;
	v24 =	vshll.u32 v25, $0x7;
	v32 =	vld.idx.msk [tilespmem:v22+s12+$0x0], $0xffff  }
0x425: {  	v21 =	vand.u32 $0x7800, v21;
	v26 =	vand.u32 $0x300, v24;
	[tilespmem:v28+s20+$0x0] =	vst.idx.add.f32.msk $0xffff, v2  }
0x426: {  	v25 =	vor.u32 v7, v15;
	v21 =	vor.u32 v26, v21;
	v22 =	vld.idx.msk [tilespmem:v29+s12+$0x0], $0xffff;
	v29 =	vor.u32 v7, v16  }
0x427: {  	v24 =	vor.u32 v7, v18;
	v28 =	vor.u32 v3, v20;
	v31 =	vld.idx.msk [tilespmem:v23+s12+$0x0], $0xffff;
	v23 =	vor.u32 v7, v21  }
0x428: {  	s25 =	simm.s32 $0x14480;
	s24 =	simm.s32 $0x8;
	v26 =	vor.u32 v0, v21;
	[tilespmem:v30+s20+$0xFFFFFF80] =	vst.idx.add.f32.msk $0xffff, v2;
	v30 =	vor.u32 v13, v19  }
.LBB2_8:
0x429: {  	v35 =	vmov s24;
	s26 =	sadd.s32 $0x1, s24;
	p0 =	slt.u32 s24, $0x7E;
	s24 =	sadd.s32 $0x2, s24;
	[tilespmem:s23+$0xFFFFFFD0] =	vst v1;
	v36 =	vor.u32 v4, v20;
	v37 =	vor.u32 v10, v17;
	v34 =	vld.idx.msk [tilespmem:v34+s12+$0x0], $0xffff  }
0x42a: {  	v38 =	vshll.u32 v35, $0x8;
	v35 =	vshll.u32 v35, $0x7;
	v39 =	vmov s26;
	[tilespmem:v33+s22+$0x0] =	vst.idx.add.f32.msk $0xffff, v2  }
0x42b: {  	[tilespmem:s25+$0xFFFFFFE0] =	vst v1;
	v33 =	vand.u32 $0x7800, v38;
	v38 =	vshll.u32 v39, $0x8;
	v39 =	vshll.u32 v39, $0x7;
	v40 =	vld.idx.msk [tilespmem:v29+s12+$0x0], $0xffff  }
0x42c: {  	v29 =	vand.u32 $0x300, v35;
	v35 =	vand.u32 $0x7800, v38;
	v38 =	vand.u32 $0x380, v39;
	[tilespmem:s23+$0xFFFFFFA0] =	vst v1;
	v28 =	vld.idx.msk [tilespmem:v28+s12+$0x0], $0xffff  }
0x42d: {  	v33 =	vor.u32 v29, v33;
	v29 =	vor.u32 v38, v35;
	[tilespmem:v32+s21+$0xFFFFFF80] =	vst.idx.add.f32.msk $0xffff, v2  }
0x42e: {  	v32 =	vor.u32 v7, v33;
	[tilespmem:s25+$0x60] =	vst v1;
	v35 =	vor.u32 v0, v29;
	v38 =	vld.idx.msk [tilespmem:v25+s12+$0x0], $0xffff;
	v25 =	vmov v24  }
0x42f: {  	v39 =	vor.u32 v8, v16;
	v24 =	vmov v23;
	v23 =	vmov v32;
	[tilespmem:v31+s21+$0x0] =	vst.idx.add.f32.msk $0xffff, v2  }
0x430: {  	[tilespmem:s25+$0x50] =	vst v1;
	v31 =	vld.idx.msk [tilespmem:v37+s12+$0x0], $0xffff  }
0x431: {  	[tilespmem:v34+s20+$0xFFFFFF80] =	vst.idx.add.f32.msk $0xffff, v2  }
0x432: {  	v32 =	vor.u32 v8, v15;
	[tilespmem:s25+$0x40] =	vst v1;
	v30 =	vld.idx.msk [tilespmem:v30+s12+$0x0], $0xffff  }
0x433: {  	v34 =	vor.u32 v0, v33;
	[tilespmem:v40+s22+$0x0] =	vst.idx.add.f32.msk $0xffff, v2  }
0x434: {  	[tilespmem:s23+$0xFFFFFFC0] =	vst v1;
	v37 =	vld.idx.msk [tilespmem:v39+s12+$0x0], $0xffff;
	v39 =	vor.u32 v11, v17  }
0x435: {  	[tilespmem:v28+s23+$0x0] =	vst.idx.add.f32.msk $0xffff, v2  }
0x436: {  	[tilespmem:v38+s21+$0xFFFFFF80] =	vst.idx.add.f32.msk $0xffff, v2  }
0x437: {  	v38 =	vor.u32 v14, v19;
	v19 =	vmovc v15;
	v15 =	vmov v18;
	v18 =	vmov v21;
	[tilespmem:s23+$0xFFFFFFB0] =	vst v1;
	v32 =	vld.idx.msk [tilespmem:v32+s12+$0x0], $0xffff  }
0x438: {  	v28 =	vor.u32 v3, v29;
	v21 =	vmov v33;
	[tilespmem:v31+s21+$0x0] =	vst.idx.add.f32.msk $0xffff, v2  }
0x439: {  	[tilespmem:s23+$0xFFFFFF90] =	vst v1;
	v31 =	vld.idx.msk [tilespmem:v39+s12+$0x0], $0xffff  }
0x43a: {  	[tilespmem:v30+s20+$0xFFFFFF80] =	vst.idx.add.f32.msk $0xffff, v2  }
0x43b: {  	v33 =	vor.u32 v4, v15;
	[tilespmem:s23+$0xFFFFFF80] =	vst v1;
	v30 =	vld.idx.msk [tilespmem:v36+s12+$0x0], $0xffff  }
0x43c: {  	v36 =	vor.u32 v9, v19;
	[tilespmem:s25+$0x30] =	vst v1;
	v38 =	vld.idx.msk [tilespmem:v38+s12+$0x0], $0xffff  }
0x43d: {  	[tilespmem:v22+s20+$0x0] =	vst.idx.add.f32.msk vm0, v2  }
0x43e: {  	[tilespmem:v27+s22+$0xFFFFFF80] =	vst.idx.add.f32.msk $0xffff, v2  }
0x43f: {  	[tilespmem:v32+s21+$0xFFFFFF80] =	vst.idx.add.f32.msk $0xffff, v2  }
0x440: {  	v27 =	vor.u32 v12, v17;
	[tilespmem:s25+$0x70] =	vst v1;
	v22 =	vld.idx.msk [tilespmem:v33+s12+$0x0], $0xffff  }
0x441: {  	[tilespmem:s25+$0x20] =	vst v1;
	v32 =	vld.idx.msk [tilespmem:v36+s12+$0x0], $0xffff  }
0x442: {  	[tilespmem:s25+$0x10] =	vst v1;
	v33 =	vld.idx.msk [tilespmem:v26+s12+$0x0], $0xffff;
	v26 =	vmov v34  }
0x443: {  	[tilespmem:v31+s21+$0x0] =	vst.idx.add.f32.msk $0xffff, v2  }
0x444: {  	v31 =	vor.u32 v5, v15;
	[tilespmem:v38+s20+$0xFFFFFF80] =	vst.idx.add.f32.msk vm0, v2;
	s20 =	smov.u32 s21;
	s21 =	smov.u32 s22;
	s22 =	smov.u32 s23  }
0x445: {  	s23 =	smov.u32 s25;
	[tilespmem:s25+$0x0] =	vst v1;
	v27 =	vld.idx.msk [tilespmem:v27+s12+$0x0], $0xffff  }
0x446: {  	v34 =	vld.idx.msk [tilespmem:v35+s12+$0x0], $0xffff;
	v35 =	vor.u32 v10, v19  }
0x447: {  	[tilespmem:v30+s22+$0x0] =	vst.idx.add.f32.msk $0xffff, v2;
	v30 =	vor.u32 v5, v20  }
0x448: {  	[tilespmem:v22+s21+$0xFFFFFF80] =	vst.idx.add.f32.msk $0xffff, v2  }
0x449: {  	v22 =	vld.idx.msk [tilespmem:v31+s12+$0x0], $0xffff  }
0x44a: {  	[tilespmem:v32+s20+$0xFFFFFF80] =	vst.idx.add.f32.msk $0xffff, v2  }
0x44b: {  	v32 =	vor.u32 v13, v17;
	v31 =	vld.idx.msk [tilespmem:v35+s12+$0x0], $0xffff  }
0x44c: {  	v30 =	vld.idx.msk [tilespmem:v30+s12+$0x0], $0xffff  }
0x44d: {  	[tilespmem:v33+s22+$0xFFFFFF80] =	vst.idx.add.f32.msk $0xffff, v2  }
0x44e: {  	[tilespmem:v34+s25+$0x0] =	vst.idx.add.f32.msk $0xffff, v2  }
0x44f: {  	v33 =	vor.u32 v11, v19;
	[tilespmem:v27+s20+$0x0] =	vst.idx.add.f32.msk $0xffff, v2  }
0x450: {  	v35 =	vld.idx.msk [tilespmem:v32+s12+$0x0], $0xffff  }
0x451: {  	v27 =	vor.u32 v6, v20;
	[tilespmem:v37+s21+$0x0] =	vst.idx.add.f32.msk $0xffff, v2  }
0x452: {  	v32 =	vor.u32 v3, v18;
	[tilespmem:v22+s21+$0xFFFFFF80] =	vst.idx.add.f32.msk $0xffff, v2  }
0x453: {  	v22 =	vor.u32 v6, v15;
	[tilespmem:v31+s20+$0xFFFFFF80] =	vst.idx.add.f32.msk $0xffff, v2  }
0x454: {  	v31 =	vor.u32 v9, v16;
	v36 =	vld.idx.msk [tilespmem:v33+s12+$0x0], $0xffff  }
0x455: {  	[tilespmem:v30+s22+$0x0] =	vst.idx.add.f32.msk $0xffff, v2  }
0x456: {  	v30 =	vor.u32 v14, v17;
	v17 =	vmovc v16;
	v16 =	vmov v20;
	v20 =	vmov v29;
	v33 =	vld.idx.msk [tilespmem:v27+s12+$0x0], $0xffff  }
0x457: {  	v27 =	vld.idx.msk [tilespmem:v32+s12+$0x0], $0xffff  }
.Ltmp3:
0x458: {  	v34 =	vor.u32 v12, v19;
	v32 =	vld.idx.msk [tilespmem:v22+s12+$0x0], $0xffff;
	(pc) =	sbr.rel @p0 .LBB2_8-.Ltmp3, $4  }
0x459: {  	v31 =	vld.idx.msk [tilespmem:v31+s12+$0x0], $0xffff  }
0x45a: {  	v29 =	vor.u32 v7, v16;
	[tilespmem:v35+s20+$0x0] =	vst.idx.add.f32.msk $0xffff, v2  }
0x45b: {  	[tilespmem:s25+$0xFFFFFFF0] =	vst v1;
	v22 =	vld.idx.msk [tilespmem:v30+s12+$0x0], $0xffff  }
0x45c: {  	s25 =	sadd.s32 $0x100, s25;
	v30 =	vor.u32 v13, v19;
	[tilespmem:v36+s20+$0xFFFFFF80] =	vst.idx.add.f32.msk $0xffff, v2  }
0x45d: {  	_ =	sdelay $0x2  }
0x45e: {  	[tilespmem:s23+$0xFFFFFFD0] =	vst v1  }
0x45f: {  	[tilespmem:v33+s22+$0x0] =	vst.idx.add.f32.msk $0xffff, v2  }
0x460: {  	[tilespmem:s23+$0xFFFFFFA0] =	vst v1  }
0x461: {  	[tilespmem:v32+s21+$0xFFFFFF80] =	vst.idx.add.f32.msk $0xffff, v2  }
0x462: {  	[tilespmem:s23+$0xFFFFFFC0] =	vst v1  }
0x463: {  	[tilespmem:s23+$0xFFFFFFB0] =	vst v1  }
0x464: {  	v34 =	vld.idx.msk [tilespmem:v34+s12+$0x0], $0xffff;
	[tilespmem:s23+$0xFFFFFF90] =	vst v1  }
0x465: {  	v28 =	vld.idx.msk [tilespmem:v28+s12+$0x0], $0xffff;
	[tilespmem:s23+$0xFFFFFF80] =	vst v1  }
0x466: {  	v43 =	vor.u32 v10, v17;
	v26 =	vld.idx.msk [tilespmem:v26+s12+$0x0], $0xffff  }
0x467: {  	[tilespmem:v27+s22+$0xFFFFFF80] =	vst.idx.add.f32.msk $0xffff, v2  }
0x468: {  	v29 =	vld.idx.msk [tilespmem:v29+s12+$0x0], $0xffff  }
0x469: {  	[tilespmem:v31+s21+$0x0] =	vst.idx.add.f32.msk $0xffff, v2  }
0x46a: {  	v49 =	vor.u32 v4, v18;
	v25 =	vld.idx.msk [tilespmem:v25+s12+$0x0], $0xffff  }
0x46b: {  	v47 =	vor.u32 v3, v21;
	v45 =	vld.idx.msk [tilespmem:v43+s12+$0x0], $0xffff  }
0x46c: {  	[tilespmem:v34+s20+$0xFFFFFF80] =	vst.idx.add.f32.msk $0xffff, v2  }
0x46d: {  	[tilespmem:v28+s23+$0x0] =	vst.idx.add.f32.msk $0xffff, v2  }
0x46e: {  	[tilespmem:v26+s23+$0xFFFFFF80] =	vst.idx.add.f32.msk $0xffff, v2  }
0x46f: {  	v50 =	vor.u32 v4, v20;
	v26 =	vld.idx.msk [tilespmem:v49+s12+$0x0], $0xffff  }
0x470: {  	v44 =	vor.u32 v8, v16;
	v31 =	vld.idx.msk [tilespmem:v47+s12+$0x0], $0xffff  }
0x471: {  	v46 =	vor.u32 v8, v15;
	v30 =	vld.idx.msk [tilespmem:v30+s12+$0x0], $0xffff  }
0x472: {  	[tilespmem:v29+s22+$0x0] =	vst.idx.add.f32.msk $0xffff, v2  }
0x473: {  	[tilespmem:v25+s21+$0xFFFFFF80] =	vst.idx.add.f32.msk $0xffff, v2  }
0x474: {  	v54 =	vor.u32 v5, v18;
	v52 =	vld.idx.msk [tilespmem:v50+s12+$0x0], $0xffff  }
0x475: {  	v51 =	vor.u32 v4, v21;
	v29 =	vld.idx.msk [tilespmem:v44+s12+$0x0], $0xffff  }
0x476: {  	v25 =	vld.idx.msk [tilespmem:v46+s12+$0x0], $0xffff  }
0x477: {  	v48 =	vor.u32 v11, v17;
	[tilespmem:v26+s22+$0xFFFFFF80] =	vst.idx.add.f32.msk $0xffff, v2  }
0x478: {  	[tilespmem:v31+s23+$0xFFFFFF80] =	vst.idx.add.f32.msk $0xffff, v2  }
0x479: {  	v31 =	vld.idx.msk [tilespmem:v54+s12+$0x0], $0xffff  }
0x47a: {  	v55 =	vor.u32 v5, v20;
	v27 =	vld.idx.msk [tilespmem:v51+s12+$0x0], $0xffff  }
0x47b: {  	v53 =	vor.u32 v9, v15;
	[tilespmem:v45+s21+$0x0] =	vst.idx.add.f32.msk $0xffff, v2  }
0x47c: {  	v28 =	vld.idx.msk [tilespmem:v48+s12+$0x0], $0xffff  }
0x47d: {  	[tilespmem:v52+s23+$0x0] =	vst.idx.add.f32.msk $0xffff, v2  }
0x47e: {  	v59 =	vor.u32 v6, v18;
	[tilespmem:v25+s21+$0xFFFFFF80] =	vst.idx.add.f32.msk $0xffff, v2  }
0x47f: {  	v56 =	vor.u32 v5, v21;
	v32 =	vld.idx.msk [tilespmem:v55+s12+$0x0], $0xffff  }
0x480: {  	v25 =	vld.idx.msk [tilespmem:v53+s12+$0x0], $0xffff  }
0x481: {  	[tilespmem:v31+s22+$0xFFFFFF80] =	vst.idx.add.f32.msk $0xffff, v2  }
0x482: {  	[tilespmem:v27+s23+$0xFFFFFF80] =	vst.idx.add.f32.msk $0xffff, v2  }
0x483: {  	v27 =	vld.idx.msk [tilespmem:v59+s12+$0x0], $0xffff  }
0x484: {  	v60 =	vor.u32 v6, v20;
	v26 =	vld.idx.msk [tilespmem:v56+s12+$0x0], $0xffff  }
0x485: {  	v57 =	vor.u32 v12, v17;
	[tilespmem:v30+s20+$0xFFFFFF80] =	vst.idx.add.f32.msk $0xffff, v2  }
0x486: {  	[tilespmem:v28+s21+$0x0] =	vst.idx.add.f32.msk $0xffff, v2  }
0x487: {  	[tilespmem:v32+s23+$0x0] =	vst.idx.add.f32.msk $0xffff, v2  }
0x488: {  	[tilespmem:v25+s21+$0xFFFFFF80] =	vst.idx.add.f32.msk $0xffff, v2  }
0x489: {  	v61 =	vor.u32 v6, v21;
	v25 =	vld.idx.msk [tilespmem:v60+s12+$0x0], $0xffff  }
0x48a: {  	v28 =	vld.idx.msk [tilespmem:v57+s12+$0x0], $0xffff  }
0x48b: {  	v58 =	vor.u32 v10, v15;
	[tilespmem:v27+s22+$0xFFFFFF80] =	vst.idx.add.f32.msk $0xffff, v2  }
0x48c: {  	[tilespmem:v26+s23+$0xFFFFFF80] =	vst.idx.add.f32.msk $0xffff, v2  }
0x48d: {  	v63 =	vor.u32 v7, v20;
	v24 =	vld.idx.msk [tilespmem:v24+s12+$0x0], $0xffff  }
0x48e: {  	v26 =	vld.idx.msk [tilespmem:v61+s12+$0x0], $0xffff  }
0x48f: {  	v62 =	vor.u32 v13, v17;
	[tilespmem:v29+s22+$0x0] =	vst.idx.add.f32.msk $0xffff, v2  }
0x490: {  	v30 =	vld.idx.msk [tilespmem:v58+s12+$0x0], $0xffff  }
0x491: {  	[tilespmem:v25+s23+$0x0] =	vst.idx.add.f32.msk $0xffff, v2  }
0x492: {  	v35 =	vor.u32 v8, v18;
	v34 =	vld.idx.msk [tilespmem:v63+s12+$0x0], $0xffff  }
0x493: {  	[tilespmem:v28+s21+$0x0] =	vst.idx.add.f32.msk $0xffff, v2  }
0x494: {  	v33 =	vor.u32 v9, v16;
	v28 =	vld.idx.msk [tilespmem:v62+s12+$0x0], $0xffff  }
0x495: {  	[tilespmem:v24+s22+$0xFFFFFF80] =	vst.idx.add.f32.msk $0xffff, v2  }
0x496: {  	v36 =	vor.u32 v8, v20;
	[tilespmem:v26+s23+$0xFFFFFF80] =	vst.idx.add.f32.msk $0xffff, v2  }
0x497: {  	v26 =	vld.idx.msk [tilespmem:v35+s12+$0x0], $0xffff  }
0x498: {  	v32 =	vor.u32 v11, v15;
	v23 =	vld.idx.msk [tilespmem:v23+s12+$0x0], $0xffff  }
0x499: {  	v25 =	vld.idx.msk [tilespmem:v33+s12+$0x0], $0xffff  }
0x49a: {  	[tilespmem:v34+s23+$0x0] =	vst.idx.add.f32.msk $0xffff, v2  }
0x49b: {  	v29 =	vld.idx.msk [tilespmem:v36+s12+$0x0], $0xffff  }
0x49c: {  	v39 =	vor.u32 v9, v18;
	[tilespmem:v30+s21+$0xFFFFFF80] =	vst.idx.add.f32.msk $0xffff, v2  }
0x49d: {  	v37 =	vor.u32 v8, v21;
	v27 =	vld.idx.msk [tilespmem:v32+s12+$0x0], $0xffff  }
0x49e: {  	[tilespmem:v28+s21+$0x0] =	vst.idx.add.f32.msk $0xffff, v2  }
0x49f: {  	v40 =	vor.u32 v9, v20;
	[tilespmem:v26+s22+$0xFFFFFF80] =	vst.idx.add.f32.msk $0xffff, v2  }
0x4a0: {  	[tilespmem:v23+s23+$0xFFFFFF80] =	vst.idx.add.f32.msk $0xffff, v2  }
0x4a1: {  	v23 =	vld.idx.msk [tilespmem:v39+s12+$0x0], $0xffff  }
0x4a2: {  	v42 =	vor.u32 v12, v15;
	v24 =	vld.idx.msk [tilespmem:v37+s12+$0x0], $0xffff  }
0x4a3: {  	v43 =	vor.u32 v10, v16;
	[tilespmem:v29+s23+$0x0] =	vst.idx.add.f32.msk $0xffff, v2  }
0x4a4: {  	v28 =	vld.idx.msk [tilespmem:v40+s12+$0x0], $0xffff  }
0x4a5: {  	[tilespmem:v25+s22+$0x0] =	vst.idx.add.f32.msk $0xffff, v2  }
0x4a6: {  	v41 =	vor.u32 v9, v21;
	[tilespmem:v27+s21+$0xFFFFFF80] =	vst.idx.add.f32.msk $0xffff, v2  }
0x4a7: {  	v27 =	vld.idx.msk [tilespmem:v42+s12+$0x0], $0xffff  }
0x4a8: {  	v44 =	vor.u32 v10, v18;
	v29 =	vld.idx.msk [tilespmem:v43+s12+$0x0], $0xffff  }
0x4a9: {  	v45 =	vor.u32 v10, v20;
	[tilespmem:v23+s22+$0xFFFFFF80] =	vst.idx.add.f32.msk $0xffff, v2  }
0x4aa: {  	[tilespmem:v24+s23+$0xFFFFFF80] =	vst.idx.add.f32.msk $0xffff, v2  }
0x4ab: {  	v26 =	vld.idx.msk [tilespmem:v41+s12+$0x0], $0xffff  }
0x4ac: {  	[tilespmem:v28+s23+$0x0] =	vst.idx.add.f32.msk $0xffff, v2  }
0x4ad: {  	v47 =	vor.u32 v11, v16;
	v24 =	vld.idx.msk [tilespmem:v44+s12+$0x0], $0xffff  }
0x4ae: {  	v25 =	vld.idx.msk [tilespmem:v45+s12+$0x0], $0xffff  }
0x4af: {  	v46 =	vor.u32 v10, v21  }
0x4b0: {  	[tilespmem:v27+s21+$0xFFFFFF80] =	vst.idx.add.f32.msk $0xffff, v2  }
0x4b1: {  	[tilespmem:v29+s22+$0x0] =	vst.idx.add.f32.msk $0xffff, v2  }
0x4b2: {  	v48 =	vor.u32 v11, v18;
	v28 =	vld.idx.msk [tilespmem:v47+s12+$0x0], $0xffff  }
0x4b3: {  	v49 =	vor.u32 v11, v20;
	[tilespmem:v26+s23+$0xFFFFFF80] =	vst.idx.add.f32.msk $0xffff, v2  }
0x4b4: {  	v23 =	vld.idx.msk [tilespmem:v46+s12+$0x0], $0xffff  }
0x4b5: {  	v19 =	vor.u32 v14, v19;
	[tilespmem:v24+s22+$0xFFFFFF80] =	vst.idx.add.f32.msk $0xffff, v2  }
0x4b6: {  	[tilespmem:v25+s23+$0x0] =	vst.idx.add.f32.msk $0xffff, v2  }
0x4b7: {  	v26 =	vld.idx.msk [tilespmem:v48+s12+$0x0], $0xffff  }
0x4b8: {  	v50 =	vor.u32 v11, v21;
	v27 =	vld.idx.msk [tilespmem:v49+s12+$0x0], $0xffff  }
0x4b9: {  	v52 =	vor.u32 v12, v16  }
0x4ba: {  	v19 =	vld.idx.msk [tilespmem:v19+s12+$0x0], $0xffff  }
0x4bb: {  	[tilespmem:v28+s22+$0x0] =	vst.idx.add.f32.msk $0xffff, v2  }
0x4bc: {  	v53 =	vor.u32 v12, v18;
	[tilespmem:v23+s23+$0xFFFFFF80] =	vst.idx.add.f32.msk $0xffff, v2  }
0x4bd: {  	v54 =	vor.u32 v12, v20;
	v24 =	vld.idx.msk [tilespmem:v50+s12+$0x0], $0xffff  }
0x4be: {  	v38 =	vor.u32 v14, v17;
	v25 =	vld.idx.msk [tilespmem:v52+s12+$0x0], $0xffff  }
0x4bf: {  	v51 =	vor.u32 v13, v15;
	[tilespmem:v26+s22+$0xFFFFFF80] =	vst.idx.add.f32.msk $0xffff, v2  }
0x4c0: {  	[tilespmem:v27+s23+$0x0] =	vst.idx.add.f32.msk $0xffff, v2  }
0x4c1: {  	v55 =	vor.u32 v12, v21;
	v23 =	vld.idx.msk [tilespmem:v53+s12+$0x0], $0xffff  }
0x4c2: {  	v28 =	vld.idx.msk [tilespmem:v54+s12+$0x0], $0xffff  }
0x4c3: {  	v56 =	vor.u32 v13, v16;
	v17 =	vld.idx.msk [tilespmem:v38+s12+$0x0], $0xffff  }
0x4c4: {  	v29 =	vld.idx.msk [tilespmem:v51+s12+$0x0], $0xffff  }
0x4c5: {  	[tilespmem:v24+s23+$0xFFFFFF80] =	vst.idx.add.f32.msk $0xffff, v2  }
0x4c6: {  	v57 =	vor.u32 v13, v18;
	v26 =	vld.idx.msk [tilespmem:v55+s12+$0x0], $0xffff  }
0x4c7: {  	v58 =	vor.u32 v13, v20;
	[tilespmem:v25+s22+$0x0] =	vst.idx.add.f32.msk $0xffff, v2  }
0x4c8: {  	v27 =	vld.idx.msk [tilespmem:v56+s12+$0x0], $0xffff  }
0x4c9: {  	[tilespmem:v23+s22+$0xFFFFFF80] =	vst.idx.add.f32.msk $0xffff, v2  }
0x4ca: {  	v59 =	vor.u32 v13, v21;
	[tilespmem:v28+s23+$0x0] =	vst.idx.add.f32.msk $0xffff, v2  }
0x4cb: {  	v15 =	vor.u32 v14, v15;
	v24 =	vld.idx.msk [tilespmem:v57+s12+$0x0], $0xffff  }
0x4cc: {  	v25 =	vld.idx.msk [tilespmem:v58+s12+$0x0], $0xffff  }
0x4cd: {  	v60 =	vor.u32 v14, v16;
	[tilespmem:v29+s21+$0xFFFFFF80] =	vst.idx.add.f32.msk $0xffff, v2  }
0x4ce: {  	[tilespmem:v26+s23+$0xFFFFFF80] =	vst.idx.add.f32.msk $0xffff, v2  }
0x4cf: {  	v23 =	vld.idx.msk [tilespmem:v59+s12+$0x0], $0xffff  }
0x4d0: {  	v61 =	vor.u32 v14, v18;
	v15 =	vld.idx.msk [tilespmem:v15+s12+$0x0], $0xffff  }
0x4d1: {  	v62 =	vor.u32 v14, v20;
	[tilespmem:v27+s22+$0x0] =	vst.idx.add.f32.msk $0xffff, v2  }
0x4d2: {  	v16 =	vld.idx.msk [tilespmem:v60+s12+$0x0], $0xffff  }
0x4d3: {  	v63 =	vor.u32 v14, v21;
	[tilespmem:v24+s22+$0xFFFFFF80] =	vst.idx.add.f32.msk $0xffff, v2  }
0x4d4: {  	[tilespmem:v25+s23+$0x0] =	vst.idx.add.f32.msk $0xffff, v2  }
0x4d5: {  	v18 =	vld.idx.msk [tilespmem:v61+s12+$0x0], $0xffff  }
0x4d6: {  	v20 =	vld.idx.msk [tilespmem:v62+s12+$0x0], $0xffff  }
0x4d7: {  	[tilespmem:v23+s23+$0xFFFFFF80] =	vst.idx.add.f32.msk $0xffff, v2  }
0x4d8: {  	v21 =	vld.idx.msk [tilespmem:v63+s12+$0x0], $0xffff  }
0x4d9: {  	[tilespmem:v22+s20+$0x0] =	vst.idx.add.f32.msk vm0, v2  }
0x4da: {  	[tilespmem:v19+s20+$0xFFFFFF80] =	vst.idx.add.f32.msk vm0, v2  }
0x4db: {  	[tilespmem:v17+s21+$0x0] =	vst.idx.add.f32.msk vm0, v2  }
0x4dc: {  	[tilespmem:v15+s21+$0xFFFFFF80] =	vst.idx.add.f32.msk vm0, v2  }
0x4dd: {  	[tilespmem:v16+s22+$0x0] =	vst.idx.add.f32.msk vm0, v2  }
0x4de: {  	[tilespmem:v18+s22+$0xFFFFFF80] =	vst.idx.add.f32.msk vm0, v2  }
0x4df: {  	[tilespmem:v20+s23+$0x0] =	vst.idx.add.f32.msk vm0, v2  }
0x4e0: {  	s19 =	sadd.s32 $0x1, s19;
	[tilespmem:v21+s23+$0xFFFFFF80] =	vst.idx.add.f32.msk vm0, v2  }
0x4e1: {  	[hbm4b:s10+s2] =	stream.linear.scatter [tilespmem:s16], [sflag:$0x4], $0x4000, $0x38;
	[tilespmem:$0x18000] =	vst v63  }
0x4e2: {  	p0 =	sne.s32 s19, s11;
	_ =	swait.ge [sflag:s17], $0x4000  }
.Ltmp4:
0x4e3: {  	[sflag:s17] =	ssyncset.done $0x0;
	(pc) =	sbr.rel @p0 .LBB2_1-.Ltmp4, $4  }
0x4e4: {  	[sflag:s17] =	ssyncadd.s32 $0xFFFFC000  }
0x4e5: {  	_ =	swait.ge [sflag:s18], $0x4000  }
0x4e6: {  	[sflag:s18] =	ssyncset.done $0x0  }
0x4e7: {  	[sflag:s18] =	ssyncadd.s32 $0xFFFFC000  }
0x4e8: {  	_ =	sfence.sel $0x180000  }
0x4e9: {  	[bflag:$0x0] =	sbarrier.arrive $0xFFFF  }
0x4ea: {  	p0 =	sne.s32 s1, $0x0;
	_ =	strace $0x90000047  }
0x4eb: {  	s0 =	sadd.s32 @!p0 $0x100000, s0;
	[bflag:$0x2] =	sbarrier.arrive $0xFFFF  }
0x4ec: {  	[sflag:s0] =	ssyncadd.tile.s32 @!p0 $0x1;
	_ =	shalt  }
.Lfunc_end2:
_tile_overlayer_lowered:
.L_overlay_start_2:
0x4ed: {  	(tag) =	ssettag $0x2  }
0x4ee: {  	s0 =	rddreg [dreg:$0x0];
	s2 =	stileid.u32  }
0x4ef: {  	s1 =	rddreg [dreg:$0x1];
	p0 =	sne.s32 s2, $0x0  }
0x4f0: {  	s3 =	rddreg [dreg:$0x2];
	[bflag:$0x3] =	sbarrier.arrive $0xFFFF;
	s2 =	simm.s32 @!p0 $0x1C05  }
0x4f1: {  	[timem:s3], [sflag:s2] =	dma.local @!p0 [hbm:s0], s1  }
0x4f2: {  	s0 =	simm.s32 @!p0 $0x5  }
0x4f3: {  	_ =	swait.ge @!p0 [sflag:s0], s1  }
0x4f4: {  	s1 =	ssub.s32 @!p0 $0x0, s1;
	[sflag:s0] =	ssyncset.done @!p0 $0x0  }
0x4f5: {  	[sflag:s0] =	ssyncadd.s32 @!p0 s1  }
0x4f6: {  	[bflag:$0x3] =	sbarrier.arrive $0xFFFF  }
0x4f7: {  	_ =	shalt  }

</sc_bundles>
